<compile_context>
chip_gen: v7x
topology: tpu7x:2x2x1
jax: 0.10.2.dev20260603
libtpu: 0.0.44.dev20260713+nightly
codegen_flags: <defaults>
</compile_context>

<pallas_src>
import functools

import jax
import jax.numpy as jnp
import numpy as np
from jax import lax
from jax.experimental import pallas as pl
from jax.experimental.pallas import tpu as pltpu
from jax.experimental.pallas import tpu_sc as plsc

_ANCHORS = [[1.25, 1.625, 2.0, 3.75, 4.125, 2.875],
            [1.875, 3.8125, 3.875, 2.8125, 3.6875, 7.4375],
            [3.625, 2.8125, 4.875, 6.1875, 11.65625, 10.1875]]
_HW = [(64, 64), (32, 32), (16, 16)]
_NT = 200
_TP = 256
_NE = 5 * _TP
_NW = 32
_BPW = _NE // _NW
_GRID = 24
_ROWS = (5440, 1360, 680)
_CHUNK = (64, 16, 8)
_M = (196608.0, 49152.0, 12288.0)
_TROWS = (130560, 32640, 8160)


def _softplus(x):
    return jnp.maximum(x, 0.0) + jnp.log1p(jnp.exp(-jnp.abs(x)))


def _sigmoid(x):
    return 1.0 / (1.0 + jnp.exp(-x))


def _atan_pos(u):
    inv = u > 1.0
    z = jnp.where(inv, 1.0 / u, u)
    z2 = z * z
    p = z * (0.99997726 + z2 * (-0.33262347 + z2 * (0.19354346
         + z2 * (-0.11643287 + z2 * (0.05265332 + z2 * (-0.01172120))))))
    return jnp.where(inv, float(np.pi / 2) - p, p)


def _prep_body(t_ref, c0_ref, c1_ref, c2_ref, pd_ref):
    t = t_ref[...]
    oi = lax.broadcasted_iota(jnp.int32, (5, 1), 0)
    ox = 0.5 * ((oi == 1).astype(jnp.float32) - (oi == 3).astype(jnp.float32))
    oy = 0.5 * ((oi == 2).astype(jnp.float32) - (oi == 4).astype(jnp.float32))
    crefs = (c0_ref, c1_ref, c2_ref)
    for l in range(3):
        h, w = _HW[l]
        anch = np.asarray(_ANCHORS[l], np.float32).reshape(3, 2)
        tb = t[0:1, :]
        tc = t[1:2, :]
        tx = t[2:3, :] * float(w)
        ty = t[3:4, :] * float(h)
        tw = t[4:5, :] * float(w)
        th = t[5:6, :] * float(h)
        ksum = jnp.zeros_like(tx)
        for a in range(3):
            rw = tw / float(anch[a, 0])
            rh = th / float(anch[a, 1])
            ok = jnp.maximum(jnp.maximum(rw, 1.0 / rw),
                             jnp.maximum(rh, 1.0 / rh)) < 4.0
            ksum = ksum + ok.astype(jnp.float32)
        jmx = ((jnp.mod(tx, 1.0) < 0.5) & (tx > 1.0)).astype(jnp.float32)
        jmy = ((jnp.mod(ty, 1.0) < 0.5) & (ty > 1.0)).astype(jnp.float32)
        gxx = float(w) - tx
        gxy = float(h) - ty
        lmx = ((jnp.mod(gxx, 1.0) < 0.5) & (gxx > 1.0)).astype(jnp.float32)
        lmy = ((jnp.mod(gxy, 1.0) < 0.5) & (gxy > 1.0)).astype(jnp.float32)
        offmask = jnp.concatenate(
            [jnp.ones_like(jmx), jmx, jmy, lmx, lmy], axis=0)
        cnt = offmask * ksum
        gix = (tx - ox).astype(jnp.int32)
        giy = (ty - oy).astype(jnp.int32)
        gi = jnp.clip(gix, 0, w - 1)
        gj = jnp.clip(giy, 0, h - 1)
        bint = tb.astype(jnp.int32)
        cell = ((bint * 3 + 1) * h + gj) * w + gi
        tbx = tx - gi.astype(jnp.float32)
        tby = ty - gj.astype(jnp.float32)
        cs = cell * 85
        r0 = lax.shift_right_logical(cs, 7)
        r1 = jnp.minimum(r0 + 1, _TROWS[l] - 1)
        sh = jnp.bitwise_and(cs, 127)
        crefs[l][...] = jnp.concatenate(
            [r0.reshape(1, _NE), r1.reshape(1, _NE)], axis=0)
        five = (5, _TP)
        rows = [tbx, tby,
                jnp.broadcast_to(tw, five), jnp.broadcast_to(th, five),
                cnt, jnp.broadcast_to(tc, five),
                sh.astype(jnp.float32), jnp.zeros(five, jnp.float32)]
        pd_ref[l, :, :] = jnp.concatenate(
            [r.reshape(1, _NE) for r in rows], axis=0)


_SC_NC = 2


@functools.lru_cache(maxsize=1)
def _make_sc_gather():
    mesh = plsc.VectorSubcoreMesh(core_axis_name="c", subcore_axis_name="s")

    @functools.partial(
        pl.kernel,
        mesh=mesh,
        out_type=tuple(jax.ShapeDtypeStruct((2 * _NE, 128), jnp.float32)
                       for _ in range(3)),
        scratch_types=[
            pltpu.VMEM((2 * _BPW,), jnp.int32),
            pltpu.VMEM((2 * _BPW,), jnp.int32),
            pltpu.VMEM((2 * _BPW,), jnp.int32),
            pltpu.VMEM((2 * _BPW, 128), jnp.float32),
            pltpu.VMEM((2 * _BPW, 128), jnp.float32),
            pltpu.VMEM((2 * _BPW, 128), jnp.float32),
            pltpu.SemaphoreType.DMA,
        ],
    )
    def _sc_gather(t0, t1, t2, c0, c1, c2, o0, o1, o2,
                   i0, i1, i2, r0, r1, r2, sem):
        wid = lax.axis_index("s") * _SC_NC + lax.axis_index("c")
        base = wid * 2 * _BPW
        tri = ((t0, c0, o0, i0, r0), (t1, c1, o1, i1, r1),
               (t2, c2, o2, i2, r2))
        copies = []
        for tbl, cid, out, idx_v, rows_v in tri:
            pltpu.sync_copy(cid.at[wid], idx_v)
            copies.append(pltpu.async_copy(tbl.at[idx_v], rows_v, sem))
        for (tbl, cid, out, idx_v, rows_v), cp in zip(tri, copies):
            cp.wait()
            pltpu.sync_copy(rows_v, out.at[pl.ds(base, 2 * _BPW)])

    return _sc_gather


def _entry_losses(g_ref, pd, l, acc):
    ax0 = float(_ANCHORS[l][0])
    ay0 = float(_ANCHORS[l][1])
    x = g_ref[...]
    it = lax.broadcasted_iota(jnp.int32, (_NE, 256), 1)
    ones = (lax.broadcasted_iota(jnp.int32, (256, 8), 0) >= 0
            ).astype(jnp.float32)[:, 0:1]
    lsum = lambda y: jnp.dot(y, ones, preferred_element_type=jnp.float32)
    sh = pd[:, 6:7].astype(jnp.int32)
    rel = it - sh
    sp = _softplus(x)
    spc = lsum(jnp.where((rel >= 5) & (rel < 85), sp, 0.0))
    clsi = pd[:, 5:6].astype(jnp.int32) + 5
    csel = lsum(jnp.where(rel == clsi, x, 0.0))
    col = [lsum(jnp.where(rel == k, x, 0.0)) for k in range(5)]
    px = _sigmoid(col[0]) * 2.0 - 0.5
    py = _sigmoid(col[1]) * 2.0 - 0.5
    pw = (_sigmoid(col[2]) * 2.0) ** 2 * ax0
    ph = (_sigmoid(col[3]) * 2.0) ** 2 * ay0
    xobj = col[4]
    tbx = pd[:, 0:1]
    tby = pd[:, 1:2]
    tw = pd[:, 2:3]
    th = pd[:, 3:4]
    cnt = pd[:, 4:5]
    eps = 1e-7
    b1x1, b1x2 = px - pw * 0.5, px + pw * 0.5
    b1y1, b1y2 = py - ph * 0.5, py + ph * 0.5
    b2x1, b2x2 = tbx - tw * 0.5, tbx + tw * 0.5
    b2y1, b2y2 = tby - th * 0.5, tby + th * 0.5
    inter = (jnp.clip(jnp.minimum(b1x2, b2x2) - jnp.maximum(b1x1, b2x1), 0, None)
             * jnp.clip(jnp.minimum(b1y2, b2y2) - jnp.maximum(b1y1, b2y1), 0, None))
    w1, h1 = b1x2 - b1x1, b1y2 - b1y1 + eps
    w2, h2 = b2x2 - b2x1, b2y2 - b2y1 + eps
    union = w1 * h1 + w2 * h2 - inter + eps
    iou = inter / union
    cw = jnp.maximum(b1x2, b2x2) - jnp.minimum(b1x1, b2x1)
    ch = jnp.maximum(b1y2, b2y2) - jnp.minimum(b1y1, b2y1)
    c2 = cw * cw + ch * ch + eps
    rho2 = ((b2x1 + b2x2 - b1x1 - b1x2) ** 2
            + (b2y1 + b2y2 - b1y1 - b1y2) ** 2) * 0.25
    v = (4.0 / (np.pi ** 2)) * (_atan_pos(w2 / h2) - _atan_pos(w1 / h1)) ** 2
    alpha = v / (v - iou + (1.0 + eps))
    ciou = iou - (rho2 / c2 + v * alpha)
    acc[3 + 4 * l] = jnp.sum(cnt * (1.0 - ciou))
    acc[4 + 4 * l] = jnp.sum(cnt)
    acc[5 + 4 * l] = jnp.sum(cnt * (spc - csel))
    acc[6 + 4 * l] = jnp.sum(
        jnp.where(cnt > 0.0, 1.0, 0.0) * xobj * jnp.clip(ciou, 0.0, None))


def _main_body(a0, a1, a2, m0, m1, m2, s0, s1, s2,
               g0, g1, g2, pd_ref, out_ref, acc):
    i = pl.program_id(0)
    parts = []
    for a_ref, m_ref, s_ref in ((a0, m0, s0), (a1, m1, s1), (a2, m2, s2)):
        xm = a_ref[...] * m_ref[...]
        comp = jnp.dot(s_ref[...], xm, preferred_element_type=jnp.float32)
        parts.append(jnp.sum(_softplus(comp)))

    @pl.when(i == 0)
    def _first():
        acc[0] = parts[0]
        acc[1] = parts[1]
        acc[2] = parts[2]
        pd = pd_ref[...]
        _entry_losses(g0, pd[0], 0, acc)
        _entry_losses(g1, pd[1], 1, acc)
        _entry_losses(g2, pd[2], 2, acc)

    @pl.when(i > 0)
    def _accum():
        acc[0] = acc[0] + parts[0]
        acc[1] = acc[1] + parts[1]

    @pl.when(jnp.logical_and(i > 0, i % 2 == 0))
    def _accum2():
        acc[2] = acc[2] + parts[2]

    @pl.when(i == _GRID - 1)
    def _fin():
        lbox = jnp.float32(0.0)
        lobj = jnp.float32(0.0)
        lcls = jnp.float32(0.0)
        for l in range(3):
            den = jnp.maximum(acc[4 + 4 * l], 1.0)
            lbox = lbox + acc[3 + 4 * l] / den
            lcls = lcls + acc[5 + 4 * l] / (den * 80.0)
            lobj = lobj + (acc[l] - acc[6 + 4 * l]) / _M[l]
        lbox = lbox * 0.05
        lcls = lcls * 0.5
        loss = lbox + lobj + lcls
        out_ref[0] = lbox
        out_ref[1] = lobj
        out_ref[2] = lcls
        out_ref[3] = loss
        out_ref[4] = 0.0
        out_ref[5] = 0.0
        out_ref[6] = 0.0
        out_ref[7] = 0.0


def _build_consts():
    base = (jnp.arange(85 * 128, dtype=jnp.int32) % 85 == 4)
    base = base.reshape(85, 128).astype(jnp.float32)
    ms = tuple(jnp.tile(base, (c, 1)) for c in _CHUNK)
    ss = tuple(
        (jnp.arange(c, dtype=jnp.int32)[:, None]
         == jnp.arange(r, dtype=jnp.int32)[None, :] // 85).astype(jnp.float32)
        for c, r in zip(_CHUNK, _ROWS))
    return ms, ss


def kernel(pred0, pred1, pred2, targets):
    preds = (pred0, pred1, pred2)
    tpad = jnp.pad(targets.astype(jnp.float32).T, ((0, 1), (0, _TP - _NT)))

    c0, c1, c2, pd = pl.pallas_call(
        _prep_body,
        out_shape=(
            jax.ShapeDtypeStruct((2, _NE), jnp.int32),
            jax.ShapeDtypeStruct((2, _NE), jnp.int32),
            jax.ShapeDtypeStruct((2, _NE), jnp.int32),
            jax.ShapeDtypeStruct((3, 8, _NE), jnp.float32),
        ),
    )(tpad)

    ileave = lambda c: (c.reshape(2, _NW, _BPW).transpose(1, 2, 0)
                        .reshape(_NW, 2 * _BPW))
    c0, c1, c2 = ileave(c0), ileave(c1), ileave(c2)
    pd = pd.transpose(0, 2, 1)

    (m0, m1, m2), (s0, s1, s2) = _build_consts()
    flats = tuple(p.reshape(-1, 128) for p in preds)

    g0, g1, g2 = _make_sc_gather()(flats[0], flats[1], flats[2], c0, c1, c2)
    g0, g1, g2 = (g.reshape(_NE, 256) for g in (g0, g1, g2))

    def rowspec(l):
        if l == 2:
            return pl.BlockSpec((_ROWS[2], 128), lambda i: (i // 2, 0))
        return pl.BlockSpec((_ROWS[l], 128), lambda i, l=l: (i, 0))

    const2 = lambda shape: pl.BlockSpec(shape, lambda i: (0, 0))
    out = pl.pallas_call(
        _main_body,
        grid=(_GRID,),
        in_specs=[
            rowspec(0), rowspec(1), rowspec(2),
            const2((_ROWS[0], 128)), const2((_ROWS[1], 128)),
            const2((_ROWS[2], 128)),
            const2((_CHUNK[0], _ROWS[0])), const2((_CHUNK[1], _ROWS[1])),
            const2((_CHUNK[2], _ROWS[2])),
            const2((_NE, 256)), const2((_NE, 256)), const2((_NE, 256)),
            pl.BlockSpec((3, _NE, 8), lambda i: (0, 0, 0)),
        ],
        out_specs=pl.BlockSpec(memory_space=pltpu.SMEM),
        out_shape=jax.ShapeDtypeStruct((8,), jnp.float32),
        scratch_shapes=[pltpu.SMEM((16,), jnp.float32)],
    )(flats[0], flats[1], flats[2], m0, m1, m2, s0, s1, s2, g0, g1, g2, pd)

    return out[3:4], out[0:4]

# --- scband reference (transcript-rebuilt; emitter-appended) ---
"""Pipeline reference for scband-yololoss-75909251989904 (READ-ONLY COPY).

The authoritative reference and input builder live on the scoring server;
editing this copy changes nothing except your own understanding.
"""

import jax, jax.numpy as jnp
import numpy as np

NUM_CLASSES = 80
ANCHORS = [[1.25, 1.625, 2.0, 3.75, 4.125, 2.875],
           [1.875, 3.8125, 3.875, 2.8125, 3.6875, 7.4375],
           [3.625, 2.8125, 4.875, 6.1875, 11.65625, 10.1875]]
BOX_GAIN, CLS_GAIN, OBJ_GAIN = 0.05, 0.5, 1.0


def bce_with_logits(x, z):
    return jnp.maximum(x, 0.0) - x * z + jnp.log1p(jnp.exp(-jnp.abs(x)))


def bbox_iou_ciou(box1, box2, eps=1e-07):
    # box1: [4, n] xywh ; box2: [n, 4] xywh (x1y1x2y2=False, CIoU=True path)
    box2 = box2.T
    b1_x1, b1_x2 = box1[0] - box1[2] / 2, box1[0] + box1[2] / 2
    b1_y1, b1_y2 = box1[1] - box1[3] / 2, box1[1] + box1[3] / 2
    b2_x1, b2_x2 = box2[0] - box2[2] / 2, box2[0] + box2[2] / 2
    b2_y1, b2_y2 = box2[1] - box2[3] / 2, box2[1] + box2[3] / 2
    inter = jnp.clip(jnp.minimum(b1_x2, b2_x2) - jnp.maximum(b1_x1, b2_x1), 0, None) * \
            jnp.clip(jnp.minimum(b1_y2, b2_y2) - jnp.maximum(b1_y1, b2_y1), 0, None)
    w1, h1 = b1_x2 - b1_x1, b1_y2 - b1_y1 + eps
    w2, h2 = b2_x2 - b2_x1, b2_y2 - b2_y1 + eps
    union = w1 * h1 + w2 * h2 - inter + eps
    iou = inter / union
    cw = jnp.maximum(b1_x2, b2_x2) - jnp.minimum(b1_x1, b2_x1)
    ch = jnp.maximum(b1_y2, b2_y2) - jnp.minimum(b1_y1, b2_y1)
    c2 = cw ** 2 + ch ** 2 + eps
    rho2 = ((b2_x1 + b2_x2 - b1_x1 - b1_x2) ** 2 + (b2_y1 + b2_y2 - b1_y1 - b1_y2) ** 2) / 4
    v = 4.0 / (np.pi ** 2) * (jnp.arctan(w2 / h2) - jnp.arctan(w1 / h1)) ** 2
    alpha = jax.lax.stop_gradient(v / (v - iou + (1 + eps)))  # torch.no_grad()
    return iou - (rho2 / c2 + v * alpha)


def build_targets(pred_shapes, targets):
    tcls, tbox, indices, anch, masks = [], [], [], [], []
    gain = jnp.ones(7, dtype=jnp.float32)
    off = jnp.array([[0, 0], [1, 0], [0, 1], [-1, 0], [0, -1]], dtype=jnp.float32) * 0.5
    nt = targets.shape[0]
    for i in range(3):
        anchors = jnp.asarray(ANCHORS[i], dtype=jnp.float32).reshape(3, 2)
        h, w = pred_shapes[i]
        gain = gain.at[2:6].set(jnp.array([w, h, w, h], dtype=jnp.float32))
        t = targets * gain  # [nt, 7]
        # anchor ratio filter (targets implicitly tiled across the 3 anchors)
        r = t[:, 4:6] / anchors[:, None]  # [3, nt, 2]
        j = jnp.max(jnp.maximum(r, 1.0 / r), axis=2) < 4.0  # [3, nt]
        t3 = jnp.broadcast_to(t[None], (3, nt, 7)).reshape(3 * nt, 7)
        keep = j.reshape(3 * nt)
        gxy = t3[:, 2:4]
        gxi = gain[jnp.array([2, 3])] - gxy
        jm = (jnp.mod(gxy, 1.0) < 0.5) & (gxy > 1.0)
        lm = (jnp.mod(gxi, 1.0) < 0.5) & (gxi > 1.0)
        j1, k1 = jm[:, 0], jm[:, 1]
        l1, m1 = lm[:, 0], lm[:, 1]
        jmask = jnp.stack((jnp.ones_like(j1), j1, k1, l1, m1))  # [5, 3*nt]
        mask = (jmask & keep[None]).reshape(5 * 3 * nt)
        t5 = jnp.broadcast_to(t3[None], (5, 3 * nt, 7)).reshape(5 * 3 * nt, 7)
        offsets = (jnp.zeros_like(gxy)[None] + off[:, None]).reshape(5 * 3 * nt, 2)
        b = t5[:, 0].astype(jnp.int32)
        c = t5[:, 1].astype(jnp.int32)
        gxy = t5[:, 2:4]
        gwh = t5[:, 4:6]
        gij = (gxy - offsets).astype(jnp.int32)
        gi = jnp.clip(gij[:, 0], 0, w - 1)
        gj = jnp.clip(gij[:, 1], 0, h - 1)
        gij_c = jnp.stack([gi, gj], axis=1).astype(jnp.float32)
        indices.append((b, jnp.ones_like(b), gj, gi))
        tbox.append(jnp.concatenate((gxy - gij_c, gwh), axis=1))
        anch.append(anchors[0])
        tcls.append(c)
        masks.append(mask)
    return tcls, tbox, indices, anch, masks


def yolo_forward(preds, targets):
    pred_shapes = [(int(p.shape[2]), int(p.shape[3])) for p in preds]
    tcls, tbox, indices, anchors, masks = build_targets(pred_shapes, targets)
    lcls = jnp.zeros(1, dtype=jnp.float32)
    lbox = jnp.zeros(1, dtype=jnp.float32)
    lobj = jnp.zeros(1, dtype=jnp.float32)
    for i, pred in enumerate(preds):
        b, a, gj, gi = indices[i]
        m = masks[i]
        tobj = jnp.zeros(pred.shape[:-1], dtype=pred.dtype)
        mf = m.astype(jnp.float32)
        n = jnp.sum(mf)
        denom = jnp.maximum(n, 1.0)
        bg = jnp.where(m, b, 0)
        ag = jnp.where(m, a, 0)
        gjg = jnp.where(m, gj, 0)
        gig = jnp.where(m, gi, 0)
        ps = pred[bg, ag, gjg, gig]  # gather [N, 85]
        pxy = jax.nn.sigmoid(ps[:, :2]) * 2.0 - 0.5
        pwh = (jax.nn.sigmoid(ps[:, 2:4]) * 2.0) ** 2 * anchors[i]
        pbox = jnp.concatenate((pxy, pwh), axis=1)
        iou = bbox_iou_ciou(pbox.T, tbox[i])
        lbox = lbox + jnp.sum((1.0 - iou) * mf) / denom
        bs = jnp.where(m, b, pred.shape[0])
        tobj = tobj.at[bs, a, gj, gi].set(
            jnp.clip(jax.lax.stop_gradient(iou), 0, None).astype(tobj.dtype))
        if NUM_CLASSES > 1:
            t = jnp.zeros_like(ps[:, 5:])
            t = t.at[jnp.arange(b.shape[0]), jnp.where(m, tcls[i], 0)].set(mf)
            lcls = lcls + jnp.sum(bce_with_logits(ps[:, 5:], t) * mf[:, None]) / (denom * float(t.shape[1]))
        lobj = lobj + bce_with_logits(pred[..., 4], tobj).mean()
    lbox = lbox * BOX_GAIN
    lobj = lobj * OBJ_GAIN
    lcls = lcls * CLS_GAIN
    loss = lbox + lobj + lcls
    return loss, jax.lax.stop_gradient(jnp.concatenate((lbox, lobj, lcls, loss)))


def setup_inputs(seed: int = 0) -> dict:
    key = jax.random.key(seed)
    k0, k1, k2, k3, k4, k5, k6 = jax.random.split(key, 7)
    pred0 = jax.random.normal(k0, (16, 3, 64, 64, 85), dtype=jnp.float32)
    pred1 = jax.random.normal(k1, (16, 3, 32, 32, 85), dtype=jnp.float32)
    pred2 = jax.random.normal(k2, (16, 3, 16, 16, 85), dtype=jnp.float32)
    nt = 200
    img = jax.random.randint(k3, (nt,), 0, 16).astype(jnp.float32)
    cls = jax.random.randint(k4, (nt,), 0, 80).astype(jnp.float32)
    xy = jax.random.uniform(k5, (nt, 2), minval=0.05, maxval=0.95, dtype=jnp.float32)
    wh = jax.random.uniform(k6, (nt, 2), minval=0.02, maxval=0.25, dtype=jnp.float32)
    targets = jnp.concatenate([img[:, None], cls[:, None], xy, wh, jnp.zeros((nt, 1), dtype=jnp.float32)], axis=1)
    return {"pred0": pred0, "pred1": pred1, "pred2": pred2, "targets": targets}


def reference(pred0, pred1, pred2, targets):
    return yolo_forward([pred0, pred1, pred2], targets)

if __name__ == "__main__":
    import jax
    _d = setup_inputs()
    print(jax.jit(kernel)(*tuple(_d.values())))

</pallas_src>

<mosaic_0001>
#map = affine_map<(d0, d1) -> (0, 0)>
module attributes {stable_mosaic.version = 14 : i64} {
  func.func @_sc_gather(%arg0: i32, %arg1: i32, %arg2: memref<130560x128xf32, #tpu.memory_space<hbm>>, %arg3: memref<32640x128xf32, #tpu.memory_space<hbm>>, %arg4: memref<8160x128xf32, #tpu.memory_space<hbm>>, %arg5: memref<32x80xi32, #tpu.memory_space<hbm>>, %arg6: memref<32x80xi32, #tpu.memory_space<hbm>>, %arg7: memref<32x80xi32, #tpu.memory_space<hbm>>, %arg8: memref<2560x128xf32, #tpu.memory_space<hbm>>, %arg9: memref<2560x128xf32, #tpu.memory_space<hbm>>, %arg10: memref<2560x128xf32, #tpu.memory_space<hbm>>, %arg11: memref<80xi32, #tpu.memory_space<vmem>>, %arg12: memref<80xi32, #tpu.memory_space<vmem>>, %arg13: memref<80xi32, #tpu.memory_space<vmem>>, %arg14: memref<80x128xf32, #tpu.memory_space<vmem>>, %arg15: memref<80x128xf32, #tpu.memory_space<vmem>>, %arg16: memref<80x128xf32, #tpu.memory_space<vmem>>, %arg17: memref<!tpu.dma_semaphore, #tpu.memory_space<semaphore_mem>>) attributes {dimension_semantics = [#tpu.dimension_semantics<core_parallel>, #tpu.dimension_semantics<subcore_parallel>], iteration_bounds = array<i64: 2, 16>, scalar_prefetch = 0 : i64, scratch_operands = 7 : i64, tpu.core_type = #tpu.core_type<sc_vector_subcore>, window_params = [{transform_indices = #map}, {transform_indices = #map}, {transform_indices = #map}, {transform_indices = #map}, {transform_indices = #map}, {transform_indices = #map}, {transform_indices = #map}, {transform_indices = #map}, {transform_indices = #map}]} {
    %mul3A = arith.constant 2 : i32
    %mul3A_0 = arith.muli %arg1, %mul3A : i32
    %add3A = arith.addi %mul3A_0, %arg0 : i32
    %mul3A_1 = arith.constant 2 : i32
    %mul3A_2 = arith.muli %add3A, %mul3A_1 : i32
    %mul3A_3 = arith.constant 40 : i32
    %mul3A_4 = arith.muli %mul3A_2, %mul3A_3 : i32
    "tpu.region"() ({
      %run_scoped3A = tpu.sem_alloc : memref<!tpu.dma_semaphore, #tpu.memory_space<semaphore_mem>>
      %dma_start3A_21 = arith.constant 0 : i32
      %dma_start3A_22 = tpu.memref_slice %arg5[%add3A, %dma_start3A_21] : memref<32x80xi32, #tpu.memory_space<hbm>> -> memref<1x80xi32, #tpu.memory_space<hbm>>
      %dma_start3A_23 = tpu.memref_squeeze %dma_start3A_22 : memref<1x80xi32, #tpu.memory_space<hbm>> -> memref<80xi32, #tpu.memory_space<hbm>>
      %dma_start3A_24 = arith.constant 0 : i32
      %dma_start3A_25 = tpu.memref_slice %arg5[%add3A, %dma_start3A_24] : memref<32x80xi32, #tpu.memory_space<hbm>> -> memref<1x80xi32, #tpu.memory_space<hbm>>
      %dma_start3A_26 = tpu.memref_squeeze %dma_start3A_25 : memref<1x80xi32, #tpu.memory_space<hbm>> -> memref<80xi32, #tpu.memory_space<hbm>>
      tpu.enqueue_dma source(%dma_start3A_26 : memref<80xi32, #tpu.memory_space<hbm>>) target(%arg11 : memref<80xi32, #tpu.memory_space<vmem>>) target_semaphore(%run_scoped3A : memref<!tpu.dma_semaphore, #tpu.memory_space<semaphore_mem>>)
      %dma_wait3A_27 = arith.constant 0 : i32
      %dma_wait3A_28 = tpu.memref_slice %arg5[%add3A, %dma_wait3A_27] : memref<32x80xi32, #tpu.memory_space<hbm>> -> memref<1x80xi32, #tpu.memory_space<hbm>>
      %dma_wait3A_29 = tpu.memref_squeeze %dma_wait3A_28 : memref<1x80xi32, #tpu.memory_space<hbm>> -> memref<80xi32, #tpu.memory_space<hbm>>
      %dma_wait3A_30 = arith.constant 0 : i32
      %dma_wait3A_31 = tpu.memref_slice %arg5[%add3A, %dma_wait3A_30] : memref<32x80xi32, #tpu.memory_space<hbm>> -> memref<1x80xi32, #tpu.memory_space<hbm>>
      %dma_wait3A_32 = tpu.memref_squeeze %dma_wait3A_31 : memref<1x80xi32, #tpu.memory_space<hbm>> -> memref<80xi32, #tpu.memory_space<hbm>>
      tpu.wait_dma2 semaphore(%run_scoped3A : memref<!tpu.dma_semaphore, #tpu.memory_space<semaphore_mem>>) src(%dma_wait3A_32 : memref<80xi32, #tpu.memory_space<hbm>>) dst(%arg11 : memref<80xi32, #tpu.memory_space<vmem>>)
      tpu.yield
    }) : () -> ()
    %dma_start3A = arith.constant 0 : i32
    %dma_start3A_5 = arith.constant 0 : i32
    %dma_start3A_6 = tpu.memref_slice %arg2[%dma_start3A, %dma_start3A_5] : memref<130560x128xf32, #tpu.memory_space<hbm>> -> memref<130560x128xf32, #tpu.memory_space<hbm>>
    tpu.enqueue_indirect_dma source(%dma_start3A_6 : memref<130560x128xf32, #tpu.memory_space<hbm>>) target(%arg14 : memref<80x128xf32, #tpu.memory_space<vmem>>) offsets(%arg11 : memref<80xi32, #tpu.memory_space<vmem>>) semaphore(%arg17 : memref<!tpu.dma_semaphore, #tpu.memory_space<semaphore_mem>>)
    "tpu.region"() ({
      %run_scoped3A = tpu.sem_alloc : memref<!tpu.dma_semaphore, #tpu.memory_space<semaphore_mem>>
      %dma_start3A_21 = arith.constant 0 : i32
      %dma_start3A_22 = tpu.memref_slice %arg6[%add3A, %dma_start3A_21] : memref<32x80xi32, #tpu.memory_space<hbm>> -> memref<1x80xi32, #tpu.memory_space<hbm>>
      %dma_start3A_23 = tpu.memref_squeeze %dma_start3A_22 : memref<1x80xi32, #tpu.memory_space<hbm>> -> memref<80xi32, #tpu.memory_space<hbm>>
      %dma_start3A_24 = arith.constant 0 : i32
      %dma_start3A_25 = tpu.memref_slice %arg6[%add3A, %dma_start3A_24] : memref<32x80xi32, #tpu.memory_space<hbm>> -> memref<1x80xi32, #tpu.memory_space<hbm>>
      %dma_start3A_26 = tpu.memref_squeeze %dma_start3A_25 : memref<1x80xi32, #tpu.memory_space<hbm>> -> memref<80xi32, #tpu.memory_space<hbm>>
      tpu.enqueue_dma source(%dma_start3A_26 : memref<80xi32, #tpu.memory_space<hbm>>) target(%arg12 : memref<80xi32, #tpu.memory_space<vmem>>) target_semaphore(%run_scoped3A : memref<!tpu.dma_semaphore, #tpu.memory_space<semaphore_mem>>)
      %dma_wait3A_27 = arith.constant 0 : i32
      %dma_wait3A_28 = tpu.memref_slice %arg6[%add3A, %dma_wait3A_27] : memref<32x80xi32, #tpu.memory_space<hbm>> -> memref<1x80xi32, #tpu.memory_space<hbm>>
      %dma_wait3A_29 = tpu.memref_squeeze %dma_wait3A_28 : memref<1x80xi32, #tpu.memory_space<hbm>> -> memref<80xi32, #tpu.memory_space<hbm>>
      %dma_wait3A_30 = arith.constant 0 : i32
      %dma_wait3A_31 = tpu.memref_slice %arg6[%add3A, %dma_wait3A_30] : memref<32x80xi32, #tpu.memory_space<hbm>> -> memref<1x80xi32, #tpu.memory_space<hbm>>
      %dma_wait3A_32 = tpu.memref_squeeze %dma_wait3A_31 : memref<1x80xi32, #tpu.memory_space<hbm>> -> memref<80xi32, #tpu.memory_space<hbm>>
      tpu.wait_dma2 semaphore(%run_scoped3A : memref<!tpu.dma_semaphore, #tpu.memory_space<semaphore_mem>>) src(%dma_wait3A_32 : memref<80xi32, #tpu.memory_space<hbm>>) dst(%arg12 : memref<80xi32, #tpu.memory_space<vmem>>)
      tpu.yield
    }) : () -> ()
    %dma_start3A_7 = arith.constant 0 : i32
    %dma_start3A_8 = arith.constant 0 : i32
    %dma_start3A_9 = tpu.memref_slice %arg3[%dma_start3A_7, %dma_start3A_8] : memref<32640x128xf32, #tpu.memory_space<hbm>> -> memref<32640x128xf32, #tpu.memory_space<hbm>>
    tpu.enqueue_indirect_dma source(%dma_start3A_9 : memref<32640x128xf32, #tpu.memory_space<hbm>>) target(%arg15 : memref<80x128xf32, #tpu.memory_space<vmem>>) offsets(%arg12 : memref<80xi32, #tpu.memory_space<vmem>>) semaphore(%arg17 : memref<!tpu.dma_semaphore, #tpu.memory_space<semaphore_mem>>)
    "tpu.region"() ({
      %run_scoped3A = tpu.sem_alloc : memref<!tpu.dma_semaphore, #tpu.memory_space<semaphore_mem>>
      %dma_start3A_21 = arith.constant 0 : i32
      %dma_start3A_22 = tpu.memref_slice %arg7[%add3A, %dma_start3A_21] : memref<32x80xi32, #tpu.memory_space<hbm>> -> memref<1x80xi32, #tpu.memory_space<hbm>>
      %dma_start3A_23 = tpu.memref_squeeze %dma_start3A_22 : memref<1x80xi32, #tpu.memory_space<hbm>> -> memref<80xi32, #tpu.memory_space<hbm>>
      %dma_start3A_24 = arith.constant 0 : i32
      %dma_start3A_25 = tpu.memref_slice %arg7[%add3A, %dma_start3A_24] : memref<32x80xi32, #tpu.memory_space<hbm>> -> memref<1x80xi32, #tpu.memory_space<hbm>>
      %dma_start3A_26 = tpu.memref_squeeze %dma_start3A_25 : memref<1x80xi32, #tpu.memory_space<hbm>> -> memref<80xi32, #tpu.memory_space<hbm>>
      tpu.enqueue_dma source(%dma_start3A_26 : memref<80xi32, #tpu.memory_space<hbm>>) target(%arg13 : memref<80xi32, #tpu.memory_space<vmem>>) target_semaphore(%run_scoped3A : memref<!tpu.dma_semaphore, #tpu.memory_space<semaphore_mem>>)
      %dma_wait3A_27 = arith.constant 0 : i32
      %dma_wait3A_28 = tpu.memref_slice %arg7[%add3A, %dma_wait3A_27] : memref<32x80xi32, #tpu.memory_space<hbm>> -> memref<1x80xi32, #tpu.memory_space<hbm>>
      %dma_wait3A_29 = tpu.memref_squeeze %dma_wait3A_28 : memref<1x80xi32, #tpu.memory_space<hbm>> -> memref<80xi32, #tpu.memory_space<hbm>>
      %dma_wait3A_30 = arith.constant 0 : i32
      %dma_wait3A_31 = tpu.memref_slice %arg7[%add3A, %dma_wait3A_30] : memref<32x80xi32, #tpu.memory_space<hbm>> -> memref<1x80xi32, #tpu.memory_space<hbm>>
      %dma_wait3A_32 = tpu.memref_squeeze %dma_wait3A_31 : memref<1x80xi32, #tpu.memory_space<hbm>> -> memref<80xi32, #tpu.memory_space<hbm>>
      tpu.wait_dma2 semaphore(%run_scoped3A : memref<!tpu.dma_semaphore, #tpu.memory_space<semaphore_mem>>) src(%dma_wait3A_32 : memref<80xi32, #tpu.memory_space<hbm>>) dst(%arg13 : memref<80xi32, #tpu.memory_space<vmem>>)
      tpu.yield
    }) : () -> ()
    %dma_start3A_10 = arith.constant 0 : i32
    %dma_start3A_11 = arith.constant 0 : i32
    %dma_start3A_12 = tpu.memref_slice %arg4[%dma_start3A_10, %dma_start3A_11] : memref<8160x128xf32, #tpu.memory_space<hbm>> -> memref<8160x128xf32, #tpu.memory_space<hbm>>
    tpu.enqueue_indirect_dma source(%dma_start3A_12 : memref<8160x128xf32, #tpu.memory_space<hbm>>) target(%arg16 : memref<80x128xf32, #tpu.memory_space<vmem>>) offsets(%arg13 : memref<80xi32, #tpu.memory_space<vmem>>) semaphore(%arg17 : memref<!tpu.dma_semaphore, #tpu.memory_space<semaphore_mem>>)
    %dma_wait3A = arith.constant 0 : i32
    %dma_wait3A_13 = arith.constant 0 : i32
    %dma_wait3A_14 = tpu.memref_slice %arg2[%dma_wait3A, %dma_wait3A_13] : memref<130560x128xf32, #tpu.memory_space<hbm>> -> memref<130560x128xf32, #tpu.memory_space<hbm>>
    tpu.wait_indirect_dma semaphore(%arg17 : memref<!tpu.dma_semaphore, #tpu.memory_space<semaphore_mem>>) src(%dma_wait3A_14 : memref<130560x128xf32, #tpu.memory_space<hbm>>) dst(%arg14 : memref<80x128xf32, #tpu.memory_space<vmem>>)
    "tpu.region"() ({
      %run_scoped3A = tpu.sem_alloc : memref<!tpu.dma_semaphore, #tpu.memory_space<semaphore_mem>>
      %dma_start3A_21 = arith.constant 0 : i32
      %dma_start3A_22 = tpu.memref_slice %arg8[%mul3A_4, %dma_start3A_21] : memref<2560x128xf32, #tpu.memory_space<hbm>> -> memref<80x128xf32, #tpu.memory_space<hbm>>
      %dma_start3A_23 = arith.constant 0 : i32
      %dma_start3A_24 = tpu.memref_slice %arg8[%mul3A_4, %dma_start3A_23] : memref<2560x128xf32, #tpu.memory_space<hbm>> -> memref<80x128xf32, #tpu.memory_space<hbm>>
      tpu.enqueue_dma source(%arg14 : memref<80x128xf32, #tpu.memory_space<vmem>>) target(%dma_start3A_24 : memref<80x128xf32, #tpu.memory_space<hbm>>) target_semaphore(%run_scoped3A : memref<!tpu.dma_semaphore, #tpu.memory_space<semaphore_mem>>)
      %dma_wait3A_25 = arith.constant 0 : i32
      %dma_wait3A_26 = tpu.memref_slice %arg8[%mul3A_4, %dma_wait3A_25] : memref<2560x128xf32, #tpu.memory_space<hbm>> -> memref<80x128xf32, #tpu.memory_space<hbm>>
      %dma_wait3A_27 = arith.constant 0 : i32
      %dma_wait3A_28 = tpu.memref_slice %arg8[%mul3A_4, %dma_wait3A_27] : memref<2560x128xf32, #tpu.memory_space<hbm>> -> memref<80x128xf32, #tpu.memory_space<hbm>>
      tpu.wait_dma2 semaphore(%run_scoped3A : memref<!tpu.dma_semaphore, #tpu.memory_space<semaphore_mem>>) src(%arg14 : memref<80x128xf32, #tpu.memory_space<vmem>>) dst(%dma_wait3A_28 : memref<80x128xf32, #tpu.memory_space<hbm>>)
      tpu.yield
    }) : () -> ()
    %dma_wait3A_15 = arith.constant 0 : i32
    %dma_wait3A_16 = arith.constant 0 : i32
    %dma_wait3A_17 = tpu.memref_slice %arg3[%dma_wait3A_15, %dma_wait3A_16] : memref<32640x128xf32, #tpu.memory_space<hbm>> -> memref<32640x128xf32, #tpu.memory_space<hbm>>
    tpu.wait_indirect_dma semaphore(%arg17 : memref<!tpu.dma_semaphore, #tpu.memory_space<semaphore_mem>>) src(%dma_wait3A_17 : memref<32640x128xf32, #tpu.memory_space<hbm>>) dst(%arg15 : memref<80x128xf32, #tpu.memory_space<vmem>>)
    "tpu.region"() ({
      %run_scoped3A = tpu.sem_alloc : memref<!tpu.dma_semaphore, #tpu.memory_space<semaphore_mem>>
      %dma_start3A_21 = arith.constant 0 : i32
      %dma_start3A_22 = tpu.memref_slice %arg9[%mul3A_4, %dma_start3A_21] : memref<2560x128xf32, #tpu.memory_space<hbm>> -> memref<80x128xf32, #tpu.memory_space<hbm>>
      %dma_start3A_23 = arith.constant 0 : i32
      %dma_start3A_24 = tpu.memref_slice %arg9[%mul3A_4, %dma_start3A_23] : memref<2560x128xf32, #tpu.memory_space<hbm>> -> memref<80x128xf32, #tpu.memory_space<hbm>>
      tpu.enqueue_dma source(%arg15 : memref<80x128xf32, #tpu.memory_space<vmem>>) target(%dma_start3A_24 : memref<80x128xf32, #tpu.memory_space<hbm>>) target_semaphore(%run_scoped3A : memref<!tpu.dma_semaphore, #tpu.memory_space<semaphore_mem>>)
      %dma_wait3A_25 = arith.constant 0 : i32
      %dma_wait3A_26 = tpu.memref_slice %arg9[%mul3A_4, %dma_wait3A_25] : memref<2560x128xf32, #tpu.memory_space<hbm>> -> memref<80x128xf32, #tpu.memory_space<hbm>>
      %dma_wait3A_27 = arith.constant 0 : i32
      %dma_wait3A_28 = tpu.memref_slice %arg9[%mul3A_4, %dma_wait3A_27] : memref<2560x128xf32, #tpu.memory_space<hbm>> -> memref<80x128xf32, #tpu.memory_space<hbm>>
      tpu.wait_dma2 semaphore(%run_scoped3A : memref<!tpu.dma_semaphore, #tpu.memory_space<semaphore_mem>>) src(%arg15 : memref<80x128xf32, #tpu.memory_space<vmem>>) dst(%dma_wait3A_28 : memref<80x128xf32, #tpu.memory_space<hbm>>)
      tpu.yield
    }) : () -> ()
    %dma_wait3A_18 = arith.constant 0 : i32
    %dma_wait3A_19 = arith.constant 0 : i32
    %dma_wait3A_20 = tpu.memref_slice %arg4[%dma_wait3A_18, %dma_wait3A_19] : memref<8160x128xf32, #tpu.memory_space<hbm>> -> memref<8160x128xf32, #tpu.memory_space<hbm>>
    tpu.wait_indirect_dma semaphore(%arg17 : memref<!tpu.dma_semaphore, #tpu.memory_space<semaphore_mem>>) src(%dma_wait3A_20 : memref<8160x128xf32, #tpu.memory_space<hbm>>) dst(%arg16 : memref<80x128xf32, #tpu.memory_space<vmem>>)
    "tpu.region"() ({
      %run_scoped3A = tpu.sem_alloc : memref<!tpu.dma_semaphore, #tpu.memory_space<semaphore_mem>>
      %dma_start3A_21 = arith.constant 0 : i32
      %dma_start3A_22 = tpu.memref_slice %arg10[%mul3A_4, %dma_start3A_21] : memref<2560x128xf32, #tpu.memory_space<hbm>> -> memref<80x128xf32, #tpu.memory_space<hbm>>
      %dma_start3A_23 = arith.constant 0 : i32
      %dma_start3A_24 = tpu.memref_slice %arg10[%mul3A_4, %dma_start3A_23] : memref<2560x128xf32, #tpu.memory_space<hbm>> -> memref<80x128xf32, #tpu.memory_space<hbm>>
      tpu.enqueue_dma source(%arg16 : memref<80x128xf32, #tpu.memory_space<vmem>>) target(%dma_start3A_24 : memref<80x128xf32, #tpu.memory_space<hbm>>) target_semaphore(%run_scoped3A : memref<!tpu.dma_semaphore, #tpu.memory_space<semaphore_mem>>)
      %dma_wait3A_25 = arith.constant 0 : i32
      %dma_wait3A_26 = tpu.memref_slice %arg10[%mul3A_4, %dma_wait3A_25] : memref<2560x128xf32, #tpu.memory_space<hbm>> -> memref<80x128xf32, #tpu.memory_space<hbm>>
      %dma_wait3A_27 = arith.constant 0 : i32
      %dma_wait3A_28 = tpu.memref_slice %arg10[%mul3A_4, %dma_wait3A_27] : memref<2560x128xf32, #tpu.memory_space<hbm>> -> memref<80x128xf32, #tpu.memory_space<hbm>>
      tpu.wait_dma2 semaphore(%run_scoped3A : memref<!tpu.dma_semaphore, #tpu.memory_space<semaphore_mem>>) src(%arg16 : memref<80x128xf32, #tpu.memory_space<vmem>>) dst(%dma_wait3A_28 : memref<80x128xf32, #tpu.memory_space<hbm>>)
      tpu.yield
    }) : () -> ()
    return
  }
}

module attributes {stable_mosaic.version = 14 : i64} {
  func.func @_prep_body(%arg0: memref<8x256xf32, #tpu.memory_space<vmem>>, %arg1: memref<2x1280xi32, #tpu.memory_space<vmem>>, %arg2: memref<2x1280xi32, #tpu.memory_space<vmem>>, %arg3: memref<2x1280xi32, #tpu.memory_space<vmem>>, %arg4: memref<3x8x1280xf32, #tpu.memory_space<vmem>>) attributes {dimension_semantics = [], scalar_prefetch = 0 : i64, scratch_operands = 0 : i64, tpu.core_type = #tpu.core_type<tc>} {
    %get3A = arith.constant 0 : index
    %get3A_0 = arith.constant 0 : index
    %get3A_1 = vector.load %arg0[%get3A, %get3A_0] : memref<8x256xf32, #tpu.memory_space<vmem>>, vector<8x256xf32>
    %iota3A = tpu.iota {dimensions = array<i32: 0>} : vector<5x1xi32>
    %eq3A = arith.constant 1 : i32
    %eq3A_2 = vector.broadcast %eq3A : i32 to vector<5x1xi32>
    %eq3A_3 = arith.cmpi eq, %iota3A, %eq3A_2 : vector<5x1xi32>
    %convert_element_type3A = arith.extui %eq3A_3 : vector<5x1xi1> to vector<5x1xi32>
    %convert_element_type3A_4 = arith.sitofp %convert_element_type3A : vector<5x1xi32> to vector<5x1xf32>
    %eq3A_5 = arith.constant 3 : i32
    %eq3A_6 = vector.broadcast %eq3A_5 : i32 to vector<5x1xi32>
    %eq3A_7 = arith.cmpi eq, %iota3A, %eq3A_6 : vector<5x1xi32>
    %convert_element_type3A_8 = arith.extui %eq3A_7 : vector<5x1xi1> to vector<5x1xi32>
    %convert_element_type3A_9 = arith.sitofp %convert_element_type3A_8 : vector<5x1xi32> to vector<5x1xf32>
    %sub3A = arith.subf %convert_element_type3A_4, %convert_element_type3A_9 : vector<5x1xf32>
    %mul3A = arith.constant 5.000000e-01 : f32
    %mul3A_10 = vector.broadcast %mul3A : f32 to vector<5x1xf32>
    %mul3A_11 = arith.mulf %mul3A_10, %sub3A : vector<5x1xf32>
    %eq3A_12 = arith.constant 2 : i32
    %eq3A_13 = vector.broadcast %eq3A_12 : i32 to vector<5x1xi32>
    %eq3A_14 = arith.cmpi eq, %iota3A, %eq3A_13 : vector<5x1xi32>
    %convert_element_type3A_15 = arith.extui %eq3A_14 : vector<5x1xi1> to vector<5x1xi32>
    %convert_element_type3A_16 = arith.sitofp %convert_element_type3A_15 : vector<5x1xi32> to vector<5x1xf32>
    %eq3A_17 = arith.constant 4 : i32
    %eq3A_18 = vector.broadcast %eq3A_17 : i32 to vector<5x1xi32>
    %eq3A_19 = arith.cmpi eq, %iota3A, %eq3A_18 : vector<5x1xi32>
    %convert_element_type3A_20 = arith.extui %eq3A_19 : vector<5x1xi1> to vector<5x1xi32>
    %convert_element_type3A_21 = arith.sitofp %convert_element_type3A_20 : vector<5x1xi32> to vector<5x1xf32>
    %sub3A_22 = arith.subf %convert_element_type3A_16, %convert_element_type3A_21 : vector<5x1xf32>
    %mul3A_23 = arith.constant 5.000000e-01 : f32
    %mul3A_24 = vector.broadcast %mul3A_23 : f32 to vector<5x1xf32>
    %mul3A_25 = arith.mulf %mul3A_24, %sub3A_22 : vector<5x1xf32>
    %slice3A = vector.extract_strided_slice %get3A_1 {offsets = [0, 0], sizes = [1, 256], strides = [1, 1]} : vector<8x256xf32> to vector<1x256xf32>
    %slice3A_26 = vector.extract_strided_slice %get3A_1 {offsets = [1, 0], sizes = [1, 256], strides = [1, 1]} : vector<8x256xf32> to vector<1x256xf32>
    %slice3A_27 = vector.extract_strided_slice %get3A_1 {offsets = [2, 0], sizes = [1, 256], strides = [1, 1]} : vector<8x256xf32> to vector<1x256xf32>
    %mul3A_28 = arith.constant 6.400000e+01 : f32
    %mul3A_29 = vector.broadcast %mul3A_28 : f32 to vector<1x256xf32>
    %mul3A_30 = arith.mulf %slice3A_27, %mul3A_29 : vector<1x256xf32>
    %slice3A_31 = vector.extract_strided_slice %get3A_1 {offsets = [3, 0], sizes = [1, 256], strides = [1, 1]} : vector<8x256xf32> to vector<1x256xf32>
    %mul3A_32 = arith.constant 6.400000e+01 : f32
    %mul3A_33 = vector.broadcast %mul3A_32 : f32 to vector<1x256xf32>
    %mul3A_34 = arith.mulf %slice3A_31, %mul3A_33 : vector<1x256xf32>
    %slice3A_35 = vector.extract_strided_slice %get3A_1 {offsets = [4, 0], sizes = [1, 256], strides = [1, 1]} : vector<8x256xf32> to vector<1x256xf32>
    %mul3A_36 = arith.constant 6.400000e+01 : f32
    %mul3A_37 = vector.broadcast %mul3A_36 : f32 to vector<1x256xf32>
    %mul3A_38 = arith.mulf %slice3A_35, %mul3A_37 : vector<1x256xf32>
    %slice3A_39 = vector.extract_strided_slice %get3A_1 {offsets = [5, 0], sizes = [1, 256], strides = [1, 1]} : vector<8x256xf32> to vector<1x256xf32>
    %mul3A_40 = arith.constant 6.400000e+01 : f32
    %mul3A_41 = vector.broadcast %mul3A_40 : f32 to vector<1x256xf32>
    %mul3A_42 = arith.mulf %slice3A_39, %mul3A_41 : vector<1x256xf32>
    %broadcast_in_dim3A = arith.constant 0.000000e+00 : f32
    %broadcast_in_dim3A_43 = vector.broadcast %broadcast_in_dim3A : f32 to vector<1x256xf32>
    %div3A = arith.constant 1.250000e+00 : f32
    %div3A_44 = vector.broadcast %div3A : f32 to vector<1x256xf32>
    %div3A_45 = arith.divf %mul3A_38, %div3A_44 : vector<1x256xf32>
    %div3A_46 = arith.constant 1.625000e+00 : f32
    %div3A_47 = vector.broadcast %div3A_46 : f32 to vector<1x256xf32>
    %div3A_48 = arith.divf %mul3A_42, %div3A_47 : vector<1x256xf32>
    %div3A_49 = arith.constant 1.000000e+00 : f32
    %div3A_50 = vector.broadcast %div3A_49 : f32 to vector<1x256xf32>
    %div3A_51 = arith.divf %div3A_50, %div3A_45 : vector<1x256xf32>
    %max3A = arith.maximumf %div3A_45, %div3A_51 : vector<1x256xf32>
    %div3A_52 = arith.constant 1.000000e+00 : f32
    %div3A_53 = vector.broadcast %div3A_52 : f32 to vector<1x256xf32>
    %div3A_54 = arith.divf %div3A_53, %div3A_48 : vector<1x256xf32>
    %max3A_55 = arith.maximumf %div3A_48, %div3A_54 : vector<1x256xf32>
    %max3A_56 = arith.maximumf %max3A, %max3A_55 : vector<1x256xf32>
    %lt3A = arith.constant 4.000000e+00 : f32
    %lt3A_57 = vector.broadcast %lt3A : f32 to vector<1x256xf32>
    %lt3A_58 = arith.cmpf olt, %max3A_56, %lt3A_57 : vector<1x256xf32>
    %convert_element_type3A_59 = arith.extui %lt3A_58 : vector<1x256xi1> to vector<1x256xi32>
    %convert_element_type3A_60 = arith.sitofp %convert_element_type3A_59 : vector<1x256xi32> to vector<1x256xf32>
    %add3A = arith.addf %broadcast_in_dim3A_43, %convert_element_type3A_60 : vector<1x256xf32>
    %div3A_61 = arith.constant 2.000000e+00 : f32
    %div3A_62 = vector.broadcast %div3A_61 : f32 to vector<1x256xf32>
    %div3A_63 = arith.divf %mul3A_38, %div3A_62 : vector<1x256xf32>
    %div3A_64 = arith.constant 3.750000e+00 : f32
    %div3A_65 = vector.broadcast %div3A_64 : f32 to vector<1x256xf32>
    %div3A_66 = arith.divf %mul3A_42, %div3A_65 : vector<1x256xf32>
    %div3A_67 = arith.constant 1.000000e+00 : f32
    %div3A_68 = vector.broadcast %div3A_67 : f32 to vector<1x256xf32>
    %div3A_69 = arith.divf %div3A_68, %div3A_63 : vector<1x256xf32>
    %max3A_70 = arith.maximumf %div3A_63, %div3A_69 : vector<1x256xf32>
    %div3A_71 = arith.constant 1.000000e+00 : f32
    %div3A_72 = vector.broadcast %div3A_71 : f32 to vector<1x256xf32>
    %div3A_73 = arith.divf %div3A_72, %div3A_66 : vector<1x256xf32>
    %max3A_74 = arith.maximumf %div3A_66, %div3A_73 : vector<1x256xf32>
    %max3A_75 = arith.maximumf %max3A_70, %max3A_74 : vector<1x256xf32>
    %lt3A_76 = arith.constant 4.000000e+00 : f32
    %lt3A_77 = vector.broadcast %lt3A_76 : f32 to vector<1x256xf32>
    %lt3A_78 = arith.cmpf olt, %max3A_75, %lt3A_77 : vector<1x256xf32>
    %convert_element_type3A_79 = arith.extui %lt3A_78 : vector<1x256xi1> to vector<1x256xi32>
    %convert_element_type3A_80 = arith.sitofp %convert_element_type3A_79 : vector<1x256xi32> to vector<1x256xf32>
    %add3A_81 = arith.addf %add3A, %convert_element_type3A_80 : vector<1x256xf32>
    %div3A_82 = arith.constant 4.125000e+00 : f32
    %div3A_83 = vector.broadcast %div3A_82 : f32 to vector<1x256xf32>
    %div3A_84 = arith.divf %mul3A_38, %div3A_83 : vector<1x256xf32>
    %div3A_85 = arith.constant 2.875000e+00 : f32
    %div3A_86 = vector.broadcast %div3A_85 : f32 to vector<1x256xf32>
    %div3A_87 = arith.divf %mul3A_42, %div3A_86 : vector<1x256xf32>
    %div3A_88 = arith.constant 1.000000e+00 : f32
    %div3A_89 = vector.broadcast %div3A_88 : f32 to vector<1x256xf32>
    %div3A_90 = arith.divf %div3A_89, %div3A_84 : vector<1x256xf32>
    %max3A_91 = arith.maximumf %div3A_84, %div3A_90 : vector<1x256xf32>
    %div3A_92 = arith.constant 1.000000e+00 : f32
    %div3A_93 = vector.broadcast %div3A_92 : f32 to vector<1x256xf32>
    %div3A_94 = arith.divf %div3A_93, %div3A_87 : vector<1x256xf32>
    %max3A_95 = arith.maximumf %div3A_87, %div3A_94 : vector<1x256xf32>
    %max3A_96 = arith.maximumf %max3A_91, %max3A_95 : vector<1x256xf32>
    %lt3A_97 = arith.constant 4.000000e+00 : f32
    %lt3A_98 = vector.broadcast %lt3A_97 : f32 to vector<1x256xf32>
    %lt3A_99 = arith.cmpf olt, %max3A_96, %lt3A_98 : vector<1x256xf32>
    %convert_element_type3A_100 = arith.extui %lt3A_99 : vector<1x256xi1> to vector<1x256xi32>
    %convert_element_type3A_101 = arith.sitofp %convert_element_type3A_100 : vector<1x256xi32> to vector<1x256xf32>
    %add3A_102 = arith.addf %add3A_81, %convert_element_type3A_101 : vector<1x256xf32>
    %jit3A = arith.constant 1.000000e+00 : f32
    %rem3A = vector.broadcast %jit3A : f32 to vector<1x256xf32>
    %rem3A_103 = arith.remf %mul3A_30, %rem3A : vector<1x256xf32>
    %ne3A = arith.constant 0.000000e+00 : f32
    %ne3A_104 = vector.broadcast %ne3A : f32 to vector<1x256xf32>
    %ne3A_105 = arith.cmpf one, %rem3A_103, %ne3A_104 : vector<1x256xf32>
    %lt3A_106 = arith.constant 0.000000e+00 : f32
    %lt3A_107 = vector.broadcast %lt3A_106 : f32 to vector<1x256xf32>
    %lt3A_108 = arith.cmpf olt, %rem3A_103, %lt3A_107 : vector<1x256xf32>
    %lt3A_109 = arith.constant 0.000000e+00 : f32
    %lt3A_110 = arith.cmpf olt, %jit3A, %lt3A_109 : f32
    %ne3A_111 = vector.broadcast %lt3A_110 : i1 to vector<1x256xi1>
    %ne3A_112 = vector.broadcast %ne3A_111 : vector<1x256xi1> to vector<1x256xi1>
    %ne3A_113 = arith.xori %lt3A_108, %ne3A_112 : vector<1x256xi1>
    %and3A = arith.andi %ne3A_113, %ne3A_105 : vector<1x256xi1>
    %add3A_114 = vector.broadcast %jit3A : f32 to vector<1x256xf32>
    %add3A_115 = arith.addf %rem3A_103, %add3A_114 : vector<1x256xf32>
    %select_n3A = arith.select %and3A, %add3A_115, %rem3A_103 : vector<1x256xi1>, vector<1x256xf32>
    %lt3A_116 = arith.constant 5.000000e-01 : f32
    %lt3A_117 = vector.broadcast %lt3A_116 : f32 to vector<1x256xf32>
    %lt3A_118 = arith.cmpf olt, %select_n3A, %lt3A_117 : vector<1x256xf32>
    %gt3A = arith.constant 1.000000e+00 : f32
    %gt3A_119 = vector.broadcast %gt3A : f32 to vector<1x256xf32>
    %gt3A_120 = arith.cmpf ogt, %mul3A_30, %gt3A_119 : vector<1x256xf32>
    %and3A_121 = arith.andi %lt3A_118, %gt3A_120 : vector<1x256xi1>
    %convert_element_type3A_122 = arith.extui %and3A_121 : vector<1x256xi1> to vector<1x256xi32>
    %convert_element_type3A_123 = arith.sitofp %convert_element_type3A_122 : vector<1x256xi32> to vector<1x256xf32>
    %jit3A_124 = arith.constant 1.000000e+00 : f32
    %rem3A_125 = vector.broadcast %jit3A_124 : f32 to vector<1x256xf32>
    %rem3A_126 = arith.remf %mul3A_34, %rem3A_125 : vector<1x256xf32>
    %ne3A_127 = arith.constant 0.000000e+00 : f32
    %ne3A_128 = vector.broadcast %ne3A_127 : f32 to vector<1x256xf32>
    %ne3A_129 = arith.cmpf one, %rem3A_126, %ne3A_128 : vector<1x256xf32>
    %lt3A_130 = arith.constant 0.000000e+00 : f32
    %lt3A_131 = vector.broadcast %lt3A_130 : f32 to vector<1x256xf32>
    %lt3A_132 = arith.cmpf olt, %rem3A_126, %lt3A_131 : vector<1x256xf32>
    %lt3A_133 = arith.constant 0.000000e+00 : f32
    %lt3A_134 = arith.cmpf olt, %jit3A_124, %lt3A_133 : f32
    %ne3A_135 = vector.broadcast %lt3A_134 : i1 to vector<1x256xi1>
    %ne3A_136 = vector.broadcast %ne3A_135 : vector<1x256xi1> to vector<1x256xi1>
    %ne3A_137 = arith.xori %lt3A_132, %ne3A_136 : vector<1x256xi1>
    %and3A_138 = arith.andi %ne3A_137, %ne3A_129 : vector<1x256xi1>
    %add3A_139 = vector.broadcast %jit3A_124 : f32 to vector<1x256xf32>
    %add3A_140 = arith.addf %rem3A_126, %add3A_139 : vector<1x256xf32>
    %select_n3A_141 = arith.select %and3A_138, %add3A_140, %rem3A_126 : vector<1x256xi1>, vector<1x256xf32>
    %lt3A_142 = arith.constant 5.000000e-01 : f32
    %lt3A_143 = vector.broadcast %lt3A_142 : f32 to vector<1x256xf32>
    %lt3A_144 = arith.cmpf olt, %select_n3A_141, %lt3A_143 : vector<1x256xf32>
    %gt3A_145 = arith.constant 1.000000e+00 : f32
    %gt3A_146 = vector.broadcast %gt3A_145 : f32 to vector<1x256xf32>
    %gt3A_147 = arith.cmpf ogt, %mul3A_34, %gt3A_146 : vector<1x256xf32>
    %and3A_148 = arith.andi %lt3A_144, %gt3A_147 : vector<1x256xi1>
    %convert_element_type3A_149 = arith.extui %and3A_148 : vector<1x256xi1> to vector<1x256xi32>
    %convert_element_type3A_150 = arith.sitofp %convert_element_type3A_149 : vector<1x256xi32> to vector<1x256xf32>
    %sub3A_151 = arith.constant 6.400000e+01 : f32
    %sub3A_152 = vector.broadcast %sub3A_151 : f32 to vector<1x256xf32>
    %sub3A_153 = arith.subf %sub3A_152, %mul3A_30 : vector<1x256xf32>
    %sub3A_154 = arith.constant 6.400000e+01 : f32
    %sub3A_155 = vector.broadcast %sub3A_154 : f32 to vector<1x256xf32>
    %sub3A_156 = arith.subf %sub3A_155, %mul3A_34 : vector<1x256xf32>
    %jit3A_157 = arith.constant 1.000000e+00 : f32
    %rem3A_158 = vector.broadcast %jit3A_157 : f32 to vector<1x256xf32>
    %rem3A_159 = arith.remf %sub3A_153, %rem3A_158 : vector<1x256xf32>
    %ne3A_160 = arith.constant 0.000000e+00 : f32
    %ne3A_161 = vector.broadcast %ne3A_160 : f32 to vector<1x256xf32>
    %ne3A_162 = arith.cmpf one, %rem3A_159, %ne3A_161 : vector<1x256xf32>
    %lt3A_163 = arith.constant 0.000000e+00 : f32
    %lt3A_164 = vector.broadcast %lt3A_163 : f32 to vector<1x256xf32>
    %lt3A_165 = arith.cmpf olt, %rem3A_159, %lt3A_164 : vector<1x256xf32>
    %lt3A_166 = arith.constant 0.000000e+00 : f32
    %lt3A_167 = arith.cmpf olt, %jit3A_157, %lt3A_166 : f32
    %ne3A_168 = vector.broadcast %lt3A_167 : i1 to vector<1x256xi1>
    %ne3A_169 = vector.broadcast %ne3A_168 : vector<1x256xi1> to vector<1x256xi1>
    %ne3A_170 = arith.xori %lt3A_165, %ne3A_169 : vector<1x256xi1>
    %and3A_171 = arith.andi %ne3A_170, %ne3A_162 : vector<1x256xi1>
    %add3A_172 = vector.broadcast %jit3A_157 : f32 to vector<1x256xf32>
    %add3A_173 = arith.addf %rem3A_159, %add3A_172 : vector<1x256xf32>
    %select_n3A_174 = arith.select %and3A_171, %add3A_173, %rem3A_159 : vector<1x256xi1>, vector<1x256xf32>
    %lt3A_175 = arith.constant 5.000000e-01 : f32
    %lt3A_176 = vector.broadcast %lt3A_175 : f32 to vector<1x256xf32>
    %lt3A_177 = arith.cmpf olt, %select_n3A_174, %lt3A_176 : vector<1x256xf32>
    %gt3A_178 = arith.constant 1.000000e+00 : f32
    %gt3A_179 = vector.broadcast %gt3A_178 : f32 to vector<1x256xf32>
    %gt3A_180 = arith.cmpf ogt, %sub3A_153, %gt3A_179 : vector<1x256xf32>
    %and3A_181 = arith.andi %lt3A_177, %gt3A_180 : vector<1x256xi1>
    %convert_element_type3A_182 = arith.extui %and3A_181 : vector<1x256xi1> to vector<1x256xi32>
    %convert_element_type3A_183 = arith.sitofp %convert_element_type3A_182 : vector<1x256xi32> to vector<1x256xf32>
    %jit3A_184 = arith.constant 1.000000e+00 : f32
    %rem3A_185 = vector.broadcast %jit3A_184 : f32 to vector<1x256xf32>
    %rem3A_186 = arith.remf %sub3A_156, %rem3A_185 : vector<1x256xf32>
    %ne3A_187 = arith.constant 0.000000e+00 : f32
    %ne3A_188 = vector.broadcast %ne3A_187 : f32 to vector<1x256xf32>
    %ne3A_189 = arith.cmpf one, %rem3A_186, %ne3A_188 : vector<1x256xf32>
    %lt3A_190 = arith.constant 0.000000e+00 : f32
    %lt3A_191 = vector.broadcast %lt3A_190 : f32 to vector<1x256xf32>
    %lt3A_192 = arith.cmpf olt, %rem3A_186, %lt3A_191 : vector<1x256xf32>
    %lt3A_193 = arith.constant 0.000000e+00 : f32
    %lt3A_194 = arith.cmpf olt, %jit3A_184, %lt3A_193 : f32
    %ne3A_195 = vector.broadcast %lt3A_194 : i1 to vector<1x256xi1>
    %ne3A_196 = vector.broadcast %ne3A_195 : vector<1x256xi1> to vector<1x256xi1>
    %ne3A_197 = arith.xori %lt3A_192, %ne3A_196 : vector<1x256xi1>
    %and3A_198 = arith.andi %ne3A_197, %ne3A_189 : vector<1x256xi1>
    %add3A_199 = vector.broadcast %jit3A_184 : f32 to vector<1x256xf32>
    %add3A_200 = arith.addf %rem3A_186, %add3A_199 : vector<1x256xf32>
    %select_n3A_201 = arith.select %and3A_198, %add3A_200, %rem3A_186 : vector<1x256xi1>, vector<1x256xf32>
    %lt3A_202 = arith.constant 5.000000e-01 : f32
    %lt3A_203 = vector.broadcast %lt3A_202 : f32 to vector<1x256xf32>
    %lt3A_204 = arith.cmpf olt, %select_n3A_201, %lt3A_203 : vector<1x256xf32>
    %gt3A_205 = arith.constant 1.000000e+00 : f32
    %gt3A_206 = vector.broadcast %gt3A_205 : f32 to vector<1x256xf32>
    %gt3A_207 = arith.cmpf ogt, %sub3A_156, %gt3A_206 : vector<1x256xf32>
    %and3A_208 = arith.andi %lt3A_204, %gt3A_207 : vector<1x256xi1>
    %convert_element_type3A_209 = arith.extui %and3A_208 : vector<1x256xi1> to vector<1x256xi32>
    %convert_element_type3A_210 = arith.sitofp %convert_element_type3A_209 : vector<1x256xi32> to vector<1x256xf32>
    %broadcast_in_dim3A_211 = arith.constant 1.000000e+00 : f32
    %broadcast_in_dim3A_212 = vector.broadcast %broadcast_in_dim3A_211 : f32 to vector<1x256xf32>
    %concatenate3A = tpu.concatenate %broadcast_in_dim3A_212, %convert_element_type3A_123, %convert_element_type3A_150, %convert_element_type3A_183, %convert_element_type3A_210 in 0 : vector<1x256xf32>, vector<1x256xf32>, vector<1x256xf32>, vector<1x256xf32>, vector<1x256xf32> -> vector<5x256xf32>
    %mul3A_213 = vector.broadcast %add3A_102 : vector<1x256xf32> to vector<5x256xf32>
    %mul3A_214 = arith.mulf %concatenate3A, %mul3A_213 : vector<5x256xf32>
    %sub3A_215 = vector.broadcast %mul3A_30 : vector<1x256xf32> to vector<5x256xf32>
    %sub3A_216 = vector.broadcast %mul3A_11 : vector<5x1xf32> to vector<5x256xf32>
    %sub3A_217 = arith.subf %sub3A_215, %sub3A_216 : vector<5x256xf32>
    %convert_element_type3A_218 = arith.fptosi %sub3A_217 : vector<5x256xf32> to vector<5x256xi32>
    %sub3A_219 = vector.broadcast %mul3A_34 : vector<1x256xf32> to vector<5x256xf32>
    %sub3A_220 = vector.broadcast %mul3A_25 : vector<5x1xf32> to vector<5x256xf32>
    %sub3A_221 = arith.subf %sub3A_219, %sub3A_220 : vector<5x256xf32>
    %convert_element_type3A_222 = arith.fptosi %sub3A_221 : vector<5x256xf32> to vector<5x256xi32>
    %jit3A_223 = arith.constant 0 : i32
    %jit3A_224 = arith.constant 63 : i32
    %max3A_225 = vector.broadcast %jit3A_223 : i32 to vector<5x256xi32>
    %max3A_226 = arith.maxsi %max3A_225, %convert_element_type3A_218 : vector<5x256xi32>
    %min3A = vector.broadcast %jit3A_224 : i32 to vector<5x256xi32>
    %min3A_227 = arith.minsi %min3A, %max3A_226 : vector<5x256xi32>
    %jit3A_228 = arith.constant 0 : i32
    %jit3A_229 = arith.constant 63 : i32
    %max3A_230 = vector.broadcast %jit3A_228 : i32 to vector<5x256xi32>
    %max3A_231 = arith.maxsi %max3A_230, %convert_element_type3A_222 : vector<5x256xi32>
    %min3A_232 = vector.broadcast %jit3A_229 : i32 to vector<5x256xi32>
    %min3A_233 = arith.minsi %min3A_232, %max3A_231 : vector<5x256xi32>
    %convert_element_type3A_234 = arith.fptosi %slice3A : vector<1x256xf32> to vector<1x256xi32>
    %mul3A_235 = arith.constant 3 : i32
    %mul3A_236 = vector.broadcast %mul3A_235 : i32 to vector<1x256xi32>
    %mul3A_237 = arith.muli %convert_element_type3A_234, %mul3A_236 : vector<1x256xi32>
    %add3A_238 = arith.constant 1 : i32
    %add3A_239 = vector.broadcast %add3A_238 : i32 to vector<1x256xi32>
    %add3A_240 = arith.addi %mul3A_237, %add3A_239 : vector<1x256xi32>
    %mul3A_241 = arith.constant 64 : i32
    %mul3A_242 = vector.broadcast %mul3A_241 : i32 to vector<1x256xi32>
    %mul3A_243 = arith.muli %add3A_240, %mul3A_242 : vector<1x256xi32>
    %add3A_244 = vector.broadcast %mul3A_243 : vector<1x256xi32> to vector<5x256xi32>
    %add3A_245 = arith.addi %add3A_244, %min3A_233 : vector<5x256xi32>
    %mul3A_246 = arith.constant 64 : i32
    %mul3A_247 = vector.broadcast %mul3A_246 : i32 to vector<5x256xi32>
    %mul3A_248 = arith.muli %add3A_245, %mul3A_247 : vector<5x256xi32>
    %add3A_249 = arith.addi %mul3A_248, %min3A_227 : vector<5x256xi32>
    %convert_element_type3A_250 = arith.sitofp %min3A_227 : vector<5x256xi32> to vector<5x256xf32>
    %sub3A_251 = vector.broadcast %mul3A_30 : vector<1x256xf32> to vector<5x256xf32>
    %sub3A_252 = arith.subf %sub3A_251, %convert_element_type3A_250 : vector<5x256xf32>
    %convert_element_type3A_253 = arith.sitofp %min3A_233 : vector<5x256xi32> to vector<5x256xf32>
    %sub3A_254 = vector.broadcast %mul3A_34 : vector<1x256xf32> to vector<5x256xf32>
    %sub3A_255 = arith.subf %sub3A_254, %convert_element_type3A_253 : vector<5x256xf32>
    %mul3A_256 = arith.constant 85 : i32
    %mul3A_257 = vector.broadcast %mul3A_256 : i32 to vector<5x256xi32>
    %mul3A_258 = arith.muli %add3A_249, %mul3A_257 : vector<5x256xi32>
    %shift_right_logical3A = arith.constant 7 : i32
    %shift_right_logical3A_259 = vector.broadcast %shift_right_logical3A : i32 to vector<5x256xi32>
    %shift_right_logical3A_260 = arith.shrui %mul3A_258, %shift_right_logical3A_259 : vector<5x256xi32>
    %add3A_261 = arith.constant 1 : i32
    %add3A_262 = vector.broadcast %add3A_261 : i32 to vector<5x256xi32>
    %add3A_263 = arith.addi %shift_right_logical3A_260, %add3A_262 : vector<5x256xi32>
    %min3A_264 = arith.constant 130559 : i32
    %min3A_265 = vector.broadcast %min3A_264 : i32 to vector<5x256xi32>
    %min3A_266 = arith.minsi %add3A_263, %min3A_265 : vector<5x256xi32>
    %and3A_267 = arith.constant 127 : i32
    %and3A_268 = vector.broadcast %and3A_267 : i32 to vector<5x256xi32>
    %and3A_269 = arith.andi %mul3A_258, %and3A_268 : vector<5x256xi32>
    %reshape3A = vector.shape_cast %shift_right_logical3A_260 : vector<5x256xi32> to vector<1x1280xi32>
    %reshape3A_270 = vector.shape_cast %min3A_266 : vector<5x256xi32> to vector<1x1280xi32>
    %concatenate3A_271 = tpu.concatenate %reshape3A, %reshape3A_270 in 0 : vector<1x1280xi32>, vector<1x1280xi32> -> vector<2x1280xi32>
    %swap3A = arith.constant 0 : index
    %swap3A_272 = arith.constant 0 : index
    %swap3A_273 = vector.load %arg1[%swap3A, %swap3A_272] : memref<2x1280xi32, #tpu.memory_space<vmem>>, vector<2x1280xi32>
    tpu.vector_store %arg1[%swap3A, %swap3A_272], %concatenate3A_271 {strides = array<i32>} : memref<2x1280xi32, #tpu.memory_space<vmem>>, vector<2x1280xi32>,
    %broadcast_in_dim3A_274 = vector.shape_cast %mul3A_38 : vector<1x256xf32> to vector<1x256xf32>
    %broadcast_in_dim3A_275 = vector.broadcast %broadcast_in_dim3A_274 : vector<1x256xf32> to vector<5x256xf32>
    %broadcast_in_dim3A_276 = vector.shape_cast %mul3A_42 : vector<1x256xf32> to vector<1x256xf32>
    %broadcast_in_dim3A_277 = vector.broadcast %broadcast_in_dim3A_276 : vector<1x256xf32> to vector<5x256xf32>
    %broadcast_in_dim3A_278 = vector.shape_cast %slice3A_26 : vector<1x256xf32> to vector<1x256xf32>
    %broadcast_in_dim3A_279 = vector.broadcast %broadcast_in_dim3A_278 : vector<1x256xf32> to vector<5x256xf32>
    %convert_element_type3A_280 = arith.sitofp %and3A_269 : vector<5x256xi32> to vector<5x256xf32>
    %broadcast_in_dim3A_281 = arith.constant 0.000000e+00 : f32
    %broadcast_in_dim3A_282 = vector.broadcast %broadcast_in_dim3A_281 : f32 to vector<5x256xf32>
    %reshape3A_283 = vector.shape_cast %sub3A_252 : vector<5x256xf32> to vector<1x1280xf32>
    %reshape3A_284 = vector.shape_cast %sub3A_255 : vector<5x256xf32> to vector<1x1280xf32>
    %reshape3A_285 = vector.shape_cast %broadcast_in_dim3A_275 : vector<5x256xf32> to vector<1x1280xf32>
    %reshape3A_286 = vector.shape_cast %broadcast_in_dim3A_277 : vector<5x256xf32> to vector<1x1280xf32>
    %reshape3A_287 = vector.shape_cast %mul3A_214 : vector<5x256xf32> to vector<1x1280xf32>
    %reshape3A_288 = vector.shape_cast %broadcast_in_dim3A_279 : vector<5x256xf32> to vector<1x1280xf32>
    %reshape3A_289 = vector.shape_cast %convert_element_type3A_280 : vector<5x256xf32> to vector<1x1280xf32>
    %reshape3A_290 = vector.shape_cast %broadcast_in_dim3A_282 : vector<5x256xf32> to vector<1x1280xf32>
    %concatenate3A_291 = tpu.concatenate %reshape3A_283, %reshape3A_284, %reshape3A_285, %reshape3A_286, %reshape3A_287, %reshape3A_288, %reshape3A_289, %reshape3A_290 in 0 : vector<1x1280xf32>, vector<1x1280xf32>, vector<1x1280xf32>, vector<1x1280xf32>, vector<1x1280xf32>, vector<1x1280xf32>, vector<1x1280xf32>, vector<1x1280xf32> -> vector<8x1280xf32>
    %swap3A_292 = arith.constant 0 : index
    %swap3A_293 = arith.constant 0 : index
    %swap3A_294 = arith.constant 0 : index
    %swap3A_295 = vector.load %arg4[%swap3A_292, %swap3A_293, %swap3A_294] : memref<3x8x1280xf32, #tpu.memory_space<vmem>>, vector<1x8x1280xf32>
    %swap3A_296 = vector.shape_cast %swap3A_295 : vector<1x8x1280xf32> to vector<8x1280xf32>
    %swap3A_297 = vector.shape_cast %concatenate3A_291 : vector<8x1280xf32> to vector<1x8x1280xf32>
    tpu.vector_store %arg4[%swap3A_292, %swap3A_293, %swap3A_294], %swap3A_297 {strides = array<i32>} : memref<3x8x1280xf32, #tpu.memory_space<vmem>>, vector<1x8x1280xf32>,
    %slice3A_298 = vector.extract_strided_slice %get3A_1 {offsets = [0, 0], sizes = [1, 256], strides = [1, 1]} : vector<8x256xf32> to vector<1x256xf32>
    %slice3A_299 = vector.extract_strided_slice %get3A_1 {offsets = [1, 0], sizes = [1, 256], strides = [1, 1]} : vector<8x256xf32> to vector<1x256xf32>
    %slice3A_300 = vector.extract_strided_slice %get3A_1 {offsets = [2, 0], sizes = [1, 256], strides = [1, 1]} : vector<8x256xf32> to vector<1x256xf32>
    %mul3A_301 = arith.constant 3.200000e+01 : f32
    %mul3A_302 = vector.broadcast %mul3A_301 : f32 to vector<1x256xf32>
    %mul3A_303 = arith.mulf %slice3A_300, %mul3A_302 : vector<1x256xf32>
    %slice3A_304 = vector.extract_strided_slice %get3A_1 {offsets = [3, 0], sizes = [1, 256], strides = [1, 1]} : vector<8x256xf32> to vector<1x256xf32>
    %mul3A_305 = arith.constant 3.200000e+01 : f32
    %mul3A_306 = vector.broadcast %mul3A_305 : f32 to vector<1x256xf32>
    %mul3A_307 = arith.mulf %slice3A_304, %mul3A_306 : vector<1x256xf32>
    %slice3A_308 = vector.extract_strided_slice %get3A_1 {offsets = [4, 0], sizes = [1, 256], strides = [1, 1]} : vector<8x256xf32> to vector<1x256xf32>
    %mul3A_309 = arith.constant 3.200000e+01 : f32
    %mul3A_310 = vector.broadcast %mul3A_309 : f32 to vector<1x256xf32>
    %mul3A_311 = arith.mulf %slice3A_308, %mul3A_310 : vector<1x256xf32>
    %slice3A_312 = vector.extract_strided_slice %get3A_1 {offsets = [5, 0], sizes = [1, 256], strides = [1, 1]} : vector<8x256xf32> to vector<1x256xf32>
    %mul3A_313 = arith.constant 3.200000e+01 : f32
    %mul3A_314 = vector.broadcast %mul3A_313 : f32 to vector<1x256xf32>
    %mul3A_315 = arith.mulf %slice3A_312, %mul3A_314 : vector<1x256xf32>
    %broadcast_in_dim3A_316 = arith.constant 0.000000e+00 : f32
    %broadcast_in_dim3A_317 = vector.broadcast %broadcast_in_dim3A_316 : f32 to vector<1x256xf32>
    %div3A_318 = arith.constant 1.875000e+00 : f32
    %div3A_319 = vector.broadcast %div3A_318 : f32 to vector<1x256xf32>
    %div3A_320 = arith.divf %mul3A_311, %div3A_319 : vector<1x256xf32>
    %div3A_321 = arith.constant 3.812500e+00 : f32
    %div3A_322 = vector.broadcast %div3A_321 : f32 to vector<1x256xf32>
    %div3A_323 = arith.divf %mul3A_315, %div3A_322 : vector<1x256xf32>
    %div3A_324 = arith.constant 1.000000e+00 : f32
    %div3A_325 = vector.broadcast %div3A_324 : f32 to vector<1x256xf32>
    %div3A_326 = arith.divf %div3A_325, %div3A_320 : vector<1x256xf32>
    %max3A_327 = arith.maximumf %div3A_320, %div3A_326 : vector<1x256xf32>
    %div3A_328 = arith.constant 1.000000e+00 : f32
    %div3A_329 = vector.broadcast %div3A_328 : f32 to vector<1x256xf32>
    %div3A_330 = arith.divf %div3A_329, %div3A_323 : vector<1x256xf32>
    %max3A_331 = arith.maximumf %div3A_323, %div3A_330 : vector<1x256xf32>
    %max3A_332 = arith.maximumf %max3A_327, %max3A_331 : vector<1x256xf32>
    %lt3A_333 = arith.constant 4.000000e+00 : f32
    %lt3A_334 = vector.broadcast %lt3A_333 : f32 to vector<1x256xf32>
    %lt3A_335 = arith.cmpf olt, %max3A_332, %lt3A_334 : vector<1x256xf32>
    %convert_element_type3A_336 = arith.extui %lt3A_335 : vector<1x256xi1> to vector<1x256xi32>
    %convert_element_type3A_337 = arith.sitofp %convert_element_type3A_336 : vector<1x256xi32> to vector<1x256xf32>
    %add3A_338 = arith.addf %broadcast_in_dim3A_317, %convert_element_type3A_337 : vector<1x256xf32>
    %div3A_339 = arith.constant 3.875000e+00 : f32
    %div3A_340 = vector.broadcast %div3A_339 : f32 to vector<1x256xf32>
    %div3A_341 = arith.divf %mul3A_311, %div3A_340 : vector<1x256xf32>
    %div3A_342 = arith.constant 2.812500e+00 : f32
    %div3A_343 = vector.broadcast %div3A_342 : f32 to vector<1x256xf32>
    %div3A_344 = arith.divf %mul3A_315, %div3A_343 : vector<1x256xf32>
    %div3A_345 = arith.constant 1.000000e+00 : f32
    %div3A_346 = vector.broadcast %div3A_345 : f32 to vector<1x256xf32>
    %div3A_347 = arith.divf %div3A_346, %div3A_341 : vector<1x256xf32>
    %max3A_348 = arith.maximumf %div3A_341, %div3A_347 : vector<1x256xf32>
    %div3A_349 = arith.constant 1.000000e+00 : f32
    %div3A_350 = vector.broadcast %div3A_349 : f32 to vector<1x256xf32>
    %div3A_351 = arith.divf %div3A_350, %div3A_344 : vector<1x256xf32>
    %max3A_352 = arith.maximumf %div3A_344, %div3A_351 : vector<1x256xf32>
    %max3A_353 = arith.maximumf %max3A_348, %max3A_352 : vector<1x256xf32>
    %lt3A_354 = arith.constant 4.000000e+00 : f32
    %lt3A_355 = vector.broadcast %lt3A_354 : f32 to vector<1x256xf32>
    %lt3A_356 = arith.cmpf olt, %max3A_353, %lt3A_355 : vector<1x256xf32>
    %convert_element_type3A_357 = arith.extui %lt3A_356 : vector<1x256xi1> to vector<1x256xi32>
    %convert_element_type3A_358 = arith.sitofp %convert_element_type3A_357 : vector<1x256xi32> to vector<1x256xf32>
    %add3A_359 = arith.addf %add3A_338, %convert_element_type3A_358 : vector<1x256xf32>
    %div3A_360 = arith.constant 3.687500e+00 : f32
    %div3A_361 = vector.broadcast %div3A_360 : f32 to vector<1x256xf32>
    %div3A_362 = arith.divf %mul3A_311, %div3A_361 : vector<1x256xf32>
    %div3A_363 = arith.constant 7.437500e+00 : f32
    %div3A_364 = vector.broadcast %div3A_363 : f32 to vector<1x256xf32>
    %div3A_365 = arith.divf %mul3A_315, %div3A_364 : vector<1x256xf32>
    %div3A_366 = arith.constant 1.000000e+00 : f32
    %div3A_367 = vector.broadcast %div3A_366 : f32 to vector<1x256xf32>
    %div3A_368 = arith.divf %div3A_367, %div3A_362 : vector<1x256xf32>
    %max3A_369 = arith.maximumf %div3A_362, %div3A_368 : vector<1x256xf32>
    %div3A_370 = arith.constant 1.000000e+00 : f32
    %div3A_371 = vector.broadcast %div3A_370 : f32 to vector<1x256xf32>
    %div3A_372 = arith.divf %div3A_371, %div3A_365 : vector<1x256xf32>
    %max3A_373 = arith.maximumf %div3A_365, %div3A_372 : vector<1x256xf32>
    %max3A_374 = arith.maximumf %max3A_369, %max3A_373 : vector<1x256xf32>
    %lt3A_375 = arith.constant 4.000000e+00 : f32
    %lt3A_376 = vector.broadcast %lt3A_375 : f32 to vector<1x256xf32>
    %lt3A_377 = arith.cmpf olt, %max3A_374, %lt3A_376 : vector<1x256xf32>
    %convert_element_type3A_378 = arith.extui %lt3A_377 : vector<1x256xi1> to vector<1x256xi32>
    %convert_element_type3A_379 = arith.sitofp %convert_element_type3A_378 : vector<1x256xi32> to vector<1x256xf32>
    %add3A_380 = arith.addf %add3A_359, %convert_element_type3A_379 : vector<1x256xf32>
    %jit3A_381 = arith.constant 1.000000e+00 : f32
    %rem3A_382 = vector.broadcast %jit3A_381 : f32 to vector<1x256xf32>
    %rem3A_383 = arith.remf %mul3A_303, %rem3A_382 : vector<1x256xf32>
    %ne3A_384 = arith.constant 0.000000e+00 : f32
    %ne3A_385 = vector.broadcast %ne3A_384 : f32 to vector<1x256xf32>
    %ne3A_386 = arith.cmpf one, %rem3A_383, %ne3A_385 : vector<1x256xf32>
    %lt3A_387 = arith.constant 0.000000e+00 : f32
    %lt3A_388 = vector.broadcast %lt3A_387 : f32 to vector<1x256xf32>
    %lt3A_389 = arith.cmpf olt, %rem3A_383, %lt3A_388 : vector<1x256xf32>
    %lt3A_390 = arith.constant 0.000000e+00 : f32
    %lt3A_391 = arith.cmpf olt, %jit3A_381, %lt3A_390 : f32
    %ne3A_392 = vector.broadcast %lt3A_391 : i1 to vector<1x256xi1>
    %ne3A_393 = vector.broadcast %ne3A_392 : vector<1x256xi1> to vector<1x256xi1>
    %ne3A_394 = arith.xori %lt3A_389, %ne3A_393 : vector<1x256xi1>
    %and3A_395 = arith.andi %ne3A_394, %ne3A_386 : vector<1x256xi1>
    %add3A_396 = vector.broadcast %jit3A_381 : f32 to vector<1x256xf32>
    %add3A_397 = arith.addf %rem3A_383, %add3A_396 : vector<1x256xf32>
    %select_n3A_398 = arith.select %and3A_395, %add3A_397, %rem3A_383 : vector<1x256xi1>, vector<1x256xf32>
    %lt3A_399 = arith.constant 5.000000e-01 : f32
    %lt3A_400 = vector.broadcast %lt3A_399 : f32 to vector<1x256xf32>
    %lt3A_401 = arith.cmpf olt, %select_n3A_398, %lt3A_400 : vector<1x256xf32>
    %gt3A_402 = arith.constant 1.000000e+00 : f32
    %gt3A_403 = vector.broadcast %gt3A_402 : f32 to vector<1x256xf32>
    %gt3A_404 = arith.cmpf ogt, %mul3A_303, %gt3A_403 : vector<1x256xf32>
    %and3A_405 = arith.andi %lt3A_401, %gt3A_404 : vector<1x256xi1>
    %convert_element_type3A_406 = arith.extui %and3A_405 : vector<1x256xi1> to vector<1x256xi32>
    %convert_element_type3A_407 = arith.sitofp %convert_element_type3A_406 : vector<1x256xi32> to vector<1x256xf32>
    %jit3A_408 = arith.constant 1.000000e+00 : f32
    %rem3A_409 = vector.broadcast %jit3A_408 : f32 to vector<1x256xf32>
    %rem3A_410 = arith.remf %mul3A_307, %rem3A_409 : vector<1x256xf32>
    %ne3A_411 = arith.constant 0.000000e+00 : f32
    %ne3A_412 = vector.broadcast %ne3A_411 : f32 to vector<1x256xf32>
    %ne3A_413 = arith.cmpf one, %rem3A_410, %ne3A_412 : vector<1x256xf32>
    %lt3A_414 = arith.constant 0.000000e+00 : f32
    %lt3A_415 = vector.broadcast %lt3A_414 : f32 to vector<1x256xf32>
    %lt3A_416 = arith.cmpf olt, %rem3A_410, %lt3A_415 : vector<1x256xf32>
    %lt3A_417 = arith.constant 0.000000e+00 : f32
    %lt3A_418 = arith.cmpf olt, %jit3A_408, %lt3A_417 : f32
    %ne3A_419 = vector.broadcast %lt3A_418 : i1 to vector<1x256xi1>
    %ne3A_420 = vector.broadcast %ne3A_419 : vector<1x256xi1> to vector<1x256xi1>
    %ne3A_421 = arith.xori %lt3A_416, %ne3A_420 : vector<1x256xi1>
    %and3A_422 = arith.andi %ne3A_421, %ne3A_413 : vector<1x256xi1>
    %add3A_423 = vector.broadcast %jit3A_408 : f32 to vector<1x256xf32>
    %add3A_424 = arith.addf %rem3A_410, %add3A_423 : vector<1x256xf32>
    %select_n3A_425 = arith.select %and3A_422, %add3A_424, %rem3A_410 : vector<1x256xi1>, vector<1x256xf32>
    %lt3A_426 = arith.constant 5.000000e-01 : f32
    %lt3A_427 = vector.broadcast %lt3A_426 : f32 to vector<1x256xf32>
    %lt3A_428 = arith.cmpf olt, %select_n3A_425, %lt3A_427 : vector<1x256xf32>
    %gt3A_429 = arith.constant 1.000000e+00 : f32
    %gt3A_430 = vector.broadcast %gt3A_429 : f32 to vector<1x256xf32>
    %gt3A_431 = arith.cmpf ogt, %mul3A_307, %gt3A_430 : vector<1x256xf32>
    %and3A_432 = arith.andi %lt3A_428, %gt3A_431 : vector<1x256xi1>
    %convert_element_type3A_433 = arith.extui %and3A_432 : vector<1x256xi1> to vector<1x256xi32>
    %convert_element_type3A_434 = arith.sitofp %convert_element_type3A_433 : vector<1x256xi32> to vector<1x256xf32>
    %sub3A_435 = arith.constant 3.200000e+01 : f32
    %sub3A_436 = vector.broadcast %sub3A_435 : f32 to vector<1x256xf32>
    %sub3A_437 = arith.subf %sub3A_436, %mul3A_303 : vector<1x256xf32>
    %sub3A_438 = arith.constant 3.200000e+01 : f32
    %sub3A_439 = vector.broadcast %sub3A_438 : f32 to vector<1x256xf32>
    %sub3A_440 = arith.subf %sub3A_439, %mul3A_307 : vector<1x256xf32>
    %jit3A_441 = arith.constant 1.000000e+00 : f32
    %rem3A_442 = vector.broadcast %jit3A_441 : f32 to vector<1x256xf32>
    %rem3A_443 = arith.remf %sub3A_437, %rem3A_442 : vector<1x256xf32>
    %ne3A_444 = arith.constant 0.000000e+00 : f32
    %ne3A_445 = vector.broadcast %ne3A_444 : f32 to vector<1x256xf32>
    %ne3A_446 = arith.cmpf one, %rem3A_443, %ne3A_445 : vector<1x256xf32>
    %lt3A_447 = arith.constant 0.000000e+00 : f32
    %lt3A_448 = vector.broadcast %lt3A_447 : f32 to vector<1x256xf32>
    %lt3A_449 = arith.cmpf olt, %rem3A_443, %lt3A_448 : vector<1x256xf32>
    %lt3A_450 = arith.constant 0.000000e+00 : f32
    %lt3A_451 = arith.cmpf olt, %jit3A_441, %lt3A_450 : f32
    %ne3A_452 = vector.broadcast %lt3A_451 : i1 to vector<1x256xi1>
    %ne3A_453 = vector.broadcast %ne3A_452 : vector<1x256xi1> to vector<1x256xi1>
    %ne3A_454 = arith.xori %lt3A_449, %ne3A_453 : vector<1x256xi1>
    %and3A_455 = arith.andi %ne3A_454, %ne3A_446 : vector<1x256xi1>
    %add3A_456 = vector.broadcast %jit3A_441 : f32 to vector<1x256xf32>
    %add3A_457 = arith.addf %rem3A_443, %add3A_456 : vector<1x256xf32>
    %select_n3A_458 = arith.select %and3A_455, %add3A_457, %rem3A_443 : vector<1x256xi1>, vector<1x256xf32>
    %lt3A_459 = arith.constant 5.000000e-01 : f32
    %lt3A_460 = vector.broadcast %lt3A_459 : f32 to vector<1x256xf32>
    %lt3A_461 = arith.cmpf olt, %select_n3A_458, %lt3A_460 : vector<1x256xf32>
    %gt3A_462 = arith.constant 1.000000e+00 : f32
    %gt3A_463 = vector.broadcast %gt3A_462 : f32 to vector<1x256xf32>
    %gt3A_464 = arith.cmpf ogt, %sub3A_437, %gt3A_463 : vector<1x256xf32>
    %and3A_465 = arith.andi %lt3A_461, %gt3A_464 : vector<1x256xi1>
    %convert_element_type3A_466 = arith.extui %and3A_465 : vector<1x256xi1> to vector<1x256xi32>
    %convert_element_type3A_467 = arith.sitofp %convert_element_type3A_466 : vector<1x256xi32> to vector<1x256xf32>
    %jit3A_468 = arith.constant 1.000000e+00 : f32
    %rem3A_469 = vector.broadcast %jit3A_468 : f32 to vector<1x256xf32>
    %rem3A_470 = arith.remf %sub3A_440, %rem3A_469 : vector<1x256xf32>
    %ne3A_471 = arith.constant 0.000000e+00 : f32
    %ne3A_472 = vector.broadcast %ne3A_471 : f32 to vector<1x256xf32>
    %ne3A_473 = arith.cmpf one, %rem3A_470, %ne3A_472 : vector<1x256xf32>
    %lt3A_474 = arith.constant 0.000000e+00 : f32
    %lt3A_475 = vector.broadcast %lt3A_474 : f32 to vector<1x256xf32>
    %lt3A_476 = arith.cmpf olt, %rem3A_470, %lt3A_475 : vector<1x256xf32>
    %lt3A_477 = arith.constant 0.000000e+00 : f32
    %lt3A_478 = arith.cmpf olt, %jit3A_468, %lt3A_477 : f32
    %ne3A_479 = vector.broadcast %lt3A_478 : i1 to vector<1x256xi1>
    %ne3A_480 = vector.broadcast %ne3A_479 : vector<1x256xi1> to vector<1x256xi1>
    %ne3A_481 = arith.xori %lt3A_476, %ne3A_480 : vector<1x256xi1>
    %and3A_482 = arith.andi %ne3A_481, %ne3A_473 : vector<1x256xi1>
    %add3A_483 = vector.broadcast %jit3A_468 : f32 to vector<1x256xf32>
    %add3A_484 = arith.addf %rem3A_470, %add3A_483 : vector<1x256xf32>
    %select_n3A_485 = arith.select %and3A_482, %add3A_484, %rem3A_470 : vector<1x256xi1>, vector<1x256xf32>
    %lt3A_486 = arith.constant 5.000000e-01 : f32
    %lt3A_487 = vector.broadcast %lt3A_486 : f32 to vector<1x256xf32>
    %lt3A_488 = arith.cmpf olt, %select_n3A_485, %lt3A_487 : vector<1x256xf32>
    %gt3A_489 = arith.constant 1.000000e+00 : f32
    %gt3A_490 = vector.broadcast %gt3A_489 : f32 to vector<1x256xf32>
    %gt3A_491 = arith.cmpf ogt, %sub3A_440, %gt3A_490 : vector<1x256xf32>
    %and3A_492 = arith.andi %lt3A_488, %gt3A_491 : vector<1x256xi1>
    %convert_element_type3A_493 = arith.extui %and3A_492 : vector<1x256xi1> to vector<1x256xi32>
    %convert_element_type3A_494 = arith.sitofp %convert_element_type3A_493 : vector<1x256xi32> to vector<1x256xf32>
    %broadcast_in_dim3A_495 = arith.constant 1.000000e+00 : f32
    %broadcast_in_dim3A_496 = vector.broadcast %broadcast_in_dim3A_495 : f32 to vector<1x256xf32>
    %concatenate3A_497 = tpu.concatenate %broadcast_in_dim3A_496, %convert_element_type3A_407, %convert_element_type3A_434, %convert_element_type3A_467, %convert_element_type3A_494 in 0 : vector<1x256xf32>, vector<1x256xf32>, vector<1x256xf32>, vector<1x256xf32>, vector<1x256xf32> -> vector<5x256xf32>
    %mul3A_498 = vector.broadcast %add3A_380 : vector<1x256xf32> to vector<5x256xf32>
    %mul3A_499 = arith.mulf %concatenate3A_497, %mul3A_498 : vector<5x256xf32>
    %sub3A_500 = vector.broadcast %mul3A_303 : vector<1x256xf32> to vector<5x256xf32>
    %sub3A_501 = vector.broadcast %mul3A_11 : vector<5x1xf32> to vector<5x256xf32>
    %sub3A_502 = arith.subf %sub3A_500, %sub3A_501 : vector<5x256xf32>
    %convert_element_type3A_503 = arith.fptosi %sub3A_502 : vector<5x256xf32> to vector<5x256xi32>
    %sub3A_504 = vector.broadcast %mul3A_307 : vector<1x256xf32> to vector<5x256xf32>
    %sub3A_505 = vector.broadcast %mul3A_25 : vector<5x1xf32> to vector<5x256xf32>
    %sub3A_506 = arith.subf %sub3A_504, %sub3A_505 : vector<5x256xf32>
    %convert_element_type3A_507 = arith.fptosi %sub3A_506 : vector<5x256xf32> to vector<5x256xi32>
    %jit3A_508 = arith.constant 0 : i32
    %jit3A_509 = arith.constant 31 : i32
    %max3A_510 = vector.broadcast %jit3A_508 : i32 to vector<5x256xi32>
    %max3A_511 = arith.maxsi %max3A_510, %convert_element_type3A_503 : vector<5x256xi32>
    %min3A_512 = vector.broadcast %jit3A_509 : i32 to vector<5x256xi32>
    %min3A_513 = arith.minsi %min3A_512, %max3A_511 : vector<5x256xi32>
    %jit3A_514 = arith.constant 0 : i32
    %jit3A_515 = arith.constant 31 : i32
    %max3A_516 = vector.broadcast %jit3A_514 : i32 to vector<5x256xi32>
    %max3A_517 = arith.maxsi %max3A_516, %convert_element_type3A_507 : vector<5x256xi32>
    %min3A_518 = vector.broadcast %jit3A_515 : i32 to vector<5x256xi32>
    %min3A_519 = arith.minsi %min3A_518, %max3A_517 : vector<5x256xi32>
    %convert_element_type3A_520 = arith.fptosi %slice3A_298 : vector<1x256xf32> to vector<1x256xi32>
    %mul3A_521 = arith.constant 3 : i32
    %mul3A_522 = vector.broadcast %mul3A_521 : i32 to vector<1x256xi32>
    %mul3A_523 = arith.muli %convert_element_type3A_520, %mul3A_522 : vector<1x256xi32>
    %add3A_524 = arith.constant 1 : i32
    %add3A_525 = vector.broadcast %add3A_524 : i32 to vector<1x256xi32>
    %add3A_526 = arith.addi %mul3A_523, %add3A_525 : vector<1x256xi32>
    %mul3A_527 = arith.constant 32 : i32
    %mul3A_528 = vector.broadcast %mul3A_527 : i32 to vector<1x256xi32>
    %mul3A_529 = arith.muli %add3A_526, %mul3A_528 : vector<1x256xi32>
    %add3A_530 = vector.broadcast %mul3A_529 : vector<1x256xi32> to vector<5x256xi32>
    %add3A_531 = arith.addi %add3A_530, %min3A_519 : vector<5x256xi32>
    %mul3A_532 = arith.constant 32 : i32
    %mul3A_533 = vector.broadcast %mul3A_532 : i32 to vector<5x256xi32>
    %mul3A_534 = arith.muli %add3A_531, %mul3A_533 : vector<5x256xi32>
    %add3A_535 = arith.addi %mul3A_534, %min3A_513 : vector<5x256xi32>
    %convert_element_type3A_536 = arith.sitofp %min3A_513 : vector<5x256xi32> to vector<5x256xf32>
    %sub3A_537 = vector.broadcast %mul3A_303 : vector<1x256xf32> to vector<5x256xf32>
    %sub3A_538 = arith.subf %sub3A_537, %convert_element_type3A_536 : vector<5x256xf32>
    %convert_element_type3A_539 = arith.sitofp %min3A_519 : vector<5x256xi32> to vector<5x256xf32>
    %sub3A_540 = vector.broadcast %mul3A_307 : vector<1x256xf32> to vector<5x256xf32>
    %sub3A_541 = arith.subf %sub3A_540, %convert_element_type3A_539 : vector<5x256xf32>
    %mul3A_542 = arith.constant 85 : i32
    %mul3A_543 = vector.broadcast %mul3A_542 : i32 to vector<5x256xi32>
    %mul3A_544 = arith.muli %add3A_535, %mul3A_543 : vector<5x256xi32>
    %shift_right_logical3A_545 = arith.constant 7 : i32
    %shift_right_logical3A_546 = vector.broadcast %shift_right_logical3A_545 : i32 to vector<5x256xi32>
    %shift_right_logical3A_547 = arith.shrui %mul3A_544, %shift_right_logical3A_546 : vector<5x256xi32>
    %add3A_548 = arith.constant 1 : i32
    %add3A_549 = vector.broadcast %add3A_548 : i32 to vector<5x256xi32>
    %add3A_550 = arith.addi %shift_right_logical3A_547, %add3A_549 : vector<5x256xi32>
    %min3A_551 = arith.constant 32639 : i32
    %min3A_552 = vector.broadcast %min3A_551 : i32 to vector<5x256xi32>
    %min3A_553 = arith.minsi %add3A_550, %min3A_552 : vector<5x256xi32>
    %and3A_554 = arith.constant 127 : i32
    %and3A_555 = vector.broadcast %and3A_554 : i32 to vector<5x256xi32>
    %and3A_556 = arith.andi %mul3A_544, %and3A_555 : vector<5x256xi32>
    %reshape3A_557 = vector.shape_cast %shift_right_logical3A_547 : vector<5x256xi32> to vector<1x1280xi32>
    %reshape3A_558 = vector.shape_cast %min3A_553 : vector<5x256xi32> to vector<1x1280xi32>
    %concatenate3A_559 = tpu.concatenate %reshape3A_557, %reshape3A_558 in 0 : vector<1x1280xi32>, vector<1x1280xi32> -> vector<2x1280xi32>
    %swap3A_560 = arith.constant 0 : index
    %swap3A_561 = arith.constant 0 : index
    %swap3A_562 = vector.load %arg2[%swap3A_560, %swap3A_561] : memref<2x1280xi32, #tpu.memory_space<vmem>>, vector<2x1280xi32>
    tpu.vector_store %arg2[%swap3A_560, %swap3A_561], %concatenate3A_559 {strides = array<i32>} : memref<2x1280xi32, #tpu.memory_space<vmem>>, vector<2x1280xi32>,
    %broadcast_in_dim3A_563 = vector.shape_cast %mul3A_311 : vector<1x256xf32> to vector<1x256xf32>
    %broadcast_in_dim3A_564 = vector.broadcast %broadcast_in_dim3A_563 : vector<1x256xf32> to vector<5x256xf32>
    %broadcast_in_dim3A_565 = vector.shape_cast %mul3A_315 : vector<1x256xf32> to vector<1x256xf32>
    %broadcast_in_dim3A_566 = vector.broadcast %broadcast_in_dim3A_565 : vector<1x256xf32> to vector<5x256xf32>
    %broadcast_in_dim3A_567 = vector.shape_cast %slice3A_299 : vector<1x256xf32> to vector<1x256xf32>
    %broadcast_in_dim3A_568 = vector.broadcast %broadcast_in_dim3A_567 : vector<1x256xf32> to vector<5x256xf32>
    %convert_element_type3A_569 = arith.sitofp %and3A_556 : vector<5x256xi32> to vector<5x256xf32>
    %broadcast_in_dim3A_570 = arith.constant 0.000000e+00 : f32
    %broadcast_in_dim3A_571 = vector.broadcast %broadcast_in_dim3A_570 : f32 to vector<5x256xf32>
    %reshape3A_572 = vector.shape_cast %sub3A_538 : vector<5x256xf32> to vector<1x1280xf32>
    %reshape3A_573 = vector.shape_cast %sub3A_541 : vector<5x256xf32> to vector<1x1280xf32>
    %reshape3A_574 = vector.shape_cast %broadcast_in_dim3A_564 : vector<5x256xf32> to vector<1x1280xf32>
    %reshape3A_575 = vector.shape_cast %broadcast_in_dim3A_566 : vector<5x256xf32> to vector<1x1280xf32>
    %reshape3A_576 = vector.shape_cast %mul3A_499 : vector<5x256xf32> to vector<1x1280xf32>
    %reshape3A_577 = vector.shape_cast %broadcast_in_dim3A_568 : vector<5x256xf32> to vector<1x1280xf32>
    %reshape3A_578 = vector.shape_cast %convert_element_type3A_569 : vector<5x256xf32> to vector<1x1280xf32>
    %reshape3A_579 = vector.shape_cast %broadcast_in_dim3A_571 : vector<5x256xf32> to vector<1x1280xf32>
    %concatenate3A_580 = tpu.concatenate %reshape3A_572, %reshape3A_573, %reshape3A_574, %reshape3A_575, %reshape3A_576, %reshape3A_577, %reshape3A_578, %reshape3A_579 in 0 : vector<1x1280xf32>, vector<1x1280xf32>, vector<1x1280xf32>, vector<1x1280xf32>, vector<1x1280xf32>, vector<1x1280xf32>, vector<1x1280xf32>, vector<1x1280xf32> -> vector<8x1280xf32>
    %swap3A_581 = arith.constant 1 : index
    %swap3A_582 = arith.constant 0 : index
    %swap3A_583 = arith.constant 0 : index
    %swap3A_584 = vector.load %arg4[%swap3A_581, %swap3A_582, %swap3A_583] : memref<3x8x1280xf32, #tpu.memory_space<vmem>>, vector<1x8x1280xf32>
    %swap3A_585 = vector.shape_cast %swap3A_584 : vector<1x8x1280xf32> to vector<8x1280xf32>
    %swap3A_586 = vector.shape_cast %concatenate3A_580 : vector<8x1280xf32> to vector<1x8x1280xf32>
    tpu.vector_store %arg4[%swap3A_581, %swap3A_582, %swap3A_583], %swap3A_586 {strides = array<i32>} : memref<3x8x1280xf32, #tpu.memory_space<vmem>>, vector<1x8x1280xf32>,
    %slice3A_587 = vector.extract_strided_slice %get3A_1 {offsets = [0, 0], sizes = [1, 256], strides = [1, 1]} : vector<8x256xf32> to vector<1x256xf32>
    %slice3A_588 = vector.extract_strided_slice %get3A_1 {offsets = [1, 0], sizes = [1, 256], strides = [1, 1]} : vector<8x256xf32> to vector<1x256xf32>
    %slice3A_589 = vector.extract_strided_slice %get3A_1 {offsets = [2, 0], sizes = [1, 256], strides = [1, 1]} : vector<8x256xf32> to vector<1x256xf32>
    %mul3A_590 = arith.constant 1.600000e+01 : f32
    %mul3A_591 = vector.broadcast %mul3A_590 : f32 to vector<1x256xf32>
    %mul3A_592 = arith.mulf %slice3A_589, %mul3A_591 : vector<1x256xf32>
    %slice3A_593 = vector.extract_strided_slice %get3A_1 {offsets = [3, 0], sizes = [1, 256], strides = [1, 1]} : vector<8x256xf32> to vector<1x256xf32>
    %mul3A_594 = arith.constant 1.600000e+01 : f32
    %mul3A_595 = vector.broadcast %mul3A_594 : f32 to vector<1x256xf32>
    %mul3A_596 = arith.mulf %slice3A_593, %mul3A_595 : vector<1x256xf32>
    %slice3A_597 = vector.extract_strided_slice %get3A_1 {offsets = [4, 0], sizes = [1, 256], strides = [1, 1]} : vector<8x256xf32> to vector<1x256xf32>
    %mul3A_598 = arith.constant 1.600000e+01 : f32
    %mul3A_599 = vector.broadcast %mul3A_598 : f32 to vector<1x256xf32>
    %mul3A_600 = arith.mulf %slice3A_597, %mul3A_599 : vector<1x256xf32>
    %slice3A_601 = vector.extract_strided_slice %get3A_1 {offsets = [5, 0], sizes = [1, 256], strides = [1, 1]} : vector<8x256xf32> to vector<1x256xf32>
    %mul3A_602 = arith.constant 1.600000e+01 : f32
    %mul3A_603 = vector.broadcast %mul3A_602 : f32 to vector<1x256xf32>
    %mul3A_604 = arith.mulf %slice3A_601, %mul3A_603 : vector<1x256xf32>
    %broadcast_in_dim3A_605 = arith.constant 0.000000e+00 : f32
    %broadcast_in_dim3A_606 = vector.broadcast %broadcast_in_dim3A_605 : f32 to vector<1x256xf32>
    %div3A_607 = arith.constant 3.625000e+00 : f32
    %div3A_608 = vector.broadcast %div3A_607 : f32 to vector<1x256xf32>
    %div3A_609 = arith.divf %mul3A_600, %div3A_608 : vector<1x256xf32>
    %div3A_610 = arith.constant 2.812500e+00 : f32
    %div3A_611 = vector.broadcast %div3A_610 : f32 to vector<1x256xf32>
    %div3A_612 = arith.divf %mul3A_604, %div3A_611 : vector<1x256xf32>
    %div3A_613 = arith.constant 1.000000e+00 : f32
    %div3A_614 = vector.broadcast %div3A_613 : f32 to vector<1x256xf32>
    %div3A_615 = arith.divf %div3A_614, %div3A_609 : vector<1x256xf32>
    %max3A_616 = arith.maximumf %div3A_609, %div3A_615 : vector<1x256xf32>
    %div3A_617 = arith.constant 1.000000e+00 : f32
    %div3A_618 = vector.broadcast %div3A_617 : f32 to vector<1x256xf32>
    %div3A_619 = arith.divf %div3A_618, %div3A_612 : vector<1x256xf32>
    %max3A_620 = arith.maximumf %div3A_612, %div3A_619 : vector<1x256xf32>
    %max3A_621 = arith.maximumf %max3A_616, %max3A_620 : vector<1x256xf32>
    %lt3A_622 = arith.constant 4.000000e+00 : f32
    %lt3A_623 = vector.broadcast %lt3A_622 : f32 to vector<1x256xf32>
    %lt3A_624 = arith.cmpf olt, %max3A_621, %lt3A_623 : vector<1x256xf32>
    %convert_element_type3A_625 = arith.extui %lt3A_624 : vector<1x256xi1> to vector<1x256xi32>
    %convert_element_type3A_626 = arith.sitofp %convert_element_type3A_625 : vector<1x256xi32> to vector<1x256xf32>
    %add3A_627 = arith.addf %broadcast_in_dim3A_606, %convert_element_type3A_626 : vector<1x256xf32>
    %div3A_628 = arith.constant 4.875000e+00 : f32
    %div3A_629 = vector.broadcast %div3A_628 : f32 to vector<1x256xf32>
    %div3A_630 = arith.divf %mul3A_600, %div3A_629 : vector<1x256xf32>
    %div3A_631 = arith.constant 6.187500e+00 : f32
    %div3A_632 = vector.broadcast %div3A_631 : f32 to vector<1x256xf32>
    %div3A_633 = arith.divf %mul3A_604, %div3A_632 : vector<1x256xf32>
    %div3A_634 = arith.constant 1.000000e+00 : f32
    %div3A_635 = vector.broadcast %div3A_634 : f32 to vector<1x256xf32>
    %div3A_636 = arith.divf %div3A_635, %div3A_630 : vector<1x256xf32>
    %max3A_637 = arith.maximumf %div3A_630, %div3A_636 : vector<1x256xf32>
    %div3A_638 = arith.constant 1.000000e+00 : f32
    %div3A_639 = vector.broadcast %div3A_638 : f32 to vector<1x256xf32>
    %div3A_640 = arith.divf %div3A_639, %div3A_633 : vector<1x256xf32>
    %max3A_641 = arith.maximumf %div3A_633, %div3A_640 : vector<1x256xf32>
    %max3A_642 = arith.maximumf %max3A_637, %max3A_641 : vector<1x256xf32>
    %lt3A_643 = arith.constant 4.000000e+00 : f32
    %lt3A_644 = vector.broadcast %lt3A_643 : f32 to vector<1x256xf32>
    %lt3A_645 = arith.cmpf olt, %max3A_642, %lt3A_644 : vector<1x256xf32>
    %convert_element_type3A_646 = arith.extui %lt3A_645 : vector<1x256xi1> to vector<1x256xi32>
    %convert_element_type3A_647 = arith.sitofp %convert_element_type3A_646 : vector<1x256xi32> to vector<1x256xf32>
    %add3A_648 = arith.addf %add3A_627, %convert_element_type3A_647 : vector<1x256xf32>
    %div3A_649 = arith.constant 11.65625 : f32
    %div3A_650 = vector.broadcast %div3A_649 : f32 to vector<1x256xf32>
    %div3A_651 = arith.divf %mul3A_600, %div3A_650 : vector<1x256xf32>
    %div3A_652 = arith.constant 1.018750e+01 : f32
    %div3A_653 = vector.broadcast %div3A_652 : f32 to vector<1x256xf32>
    %div3A_654 = arith.divf %mul3A_604, %div3A_653 : vector<1x256xf32>
    %div3A_655 = arith.constant 1.000000e+00 : f32
    %div3A_656 = vector.broadcast %div3A_655 : f32 to vector<1x256xf32>
    %div3A_657 = arith.divf %div3A_656, %div3A_651 : vector<1x256xf32>
    %max3A_658 = arith.maximumf %div3A_651, %div3A_657 : vector<1x256xf32>
    %div3A_659 = arith.constant 1.000000e+00 : f32
    %div3A_660 = vector.broadcast %div3A_659 : f32 to vector<1x256xf32>
    %div3A_661 = arith.divf %div3A_660, %div3A_654 : vector<1x256xf32>
    %max3A_662 = arith.maximumf %div3A_654, %div3A_661 : vector<1x256xf32>
    %max3A_663 = arith.maximumf %max3A_658, %max3A_662 : vector<1x256xf32>
    %lt3A_664 = arith.constant 4.000000e+00 : f32
    %lt3A_665 = vector.broadcast %lt3A_664 : f32 to vector<1x256xf32>
    %lt3A_666 = arith.cmpf olt, %max3A_663, %lt3A_665 : vector<1x256xf32>
    %convert_element_type3A_667 = arith.extui %lt3A_666 : vector<1x256xi1> to vector<1x256xi32>
    %convert_element_type3A_668 = arith.sitofp %convert_element_type3A_667 : vector<1x256xi32> to vector<1x256xf32>
    %add3A_669 = arith.addf %add3A_648, %convert_element_type3A_668 : vector<1x256xf32>
    %jit3A_670 = arith.constant 1.000000e+00 : f32
    %rem3A_671 = vector.broadcast %jit3A_670 : f32 to vector<1x256xf32>
    %rem3A_672 = arith.remf %mul3A_592, %rem3A_671 : vector<1x256xf32>
    %ne3A_673 = arith.constant 0.000000e+00 : f32
    %ne3A_674 = vector.broadcast %ne3A_673 : f32 to vector<1x256xf32>
    %ne3A_675 = arith.cmpf one, %rem3A_672, %ne3A_674 : vector<1x256xf32>
    %lt3A_676 = arith.constant 0.000000e+00 : f32
    %lt3A_677 = vector.broadcast %lt3A_676 : f32 to vector<1x256xf32>
    %lt3A_678 = arith.cmpf olt, %rem3A_672, %lt3A_677 : vector<1x256xf32>
    %lt3A_679 = arith.constant 0.000000e+00 : f32
    %lt3A_680 = arith.cmpf olt, %jit3A_670, %lt3A_679 : f32
    %ne3A_681 = vector.broadcast %lt3A_680 : i1 to vector<1x256xi1>
    %ne3A_682 = vector.broadcast %ne3A_681 : vector<1x256xi1> to vector<1x256xi1>
    %ne3A_683 = arith.xori %lt3A_678, %ne3A_682 : vector<1x256xi1>
    %and3A_684 = arith.andi %ne3A_683, %ne3A_675 : vector<1x256xi1>
    %add3A_685 = vector.broadcast %jit3A_670 : f32 to vector<1x256xf32>
    %add3A_686 = arith.addf %rem3A_672, %add3A_685 : vector<1x256xf32>
    %select_n3A_687 = arith.select %and3A_684, %add3A_686, %rem3A_672 : vector<1x256xi1>, vector<1x256xf32>
    %lt3A_688 = arith.constant 5.000000e-01 : f32
    %lt3A_689 = vector.broadcast %lt3A_688 : f32 to vector<1x256xf32>
    %lt3A_690 = arith.cmpf olt, %select_n3A_687, %lt3A_689 : vector<1x256xf32>
    %gt3A_691 = arith.constant 1.000000e+00 : f32
    %gt3A_692 = vector.broadcast %gt3A_691 : f32 to vector<1x256xf32>
    %gt3A_693 = arith.cmpf ogt, %mul3A_592, %gt3A_692 : vector<1x256xf32>
    %and3A_694 = arith.andi %lt3A_690, %gt3A_693 : vector<1x256xi1>
    %convert_element_type3A_695 = arith.extui %and3A_694 : vector<1x256xi1> to vector<1x256xi32>
    %convert_element_type3A_696 = arith.sitofp %convert_element_type3A_695 : vector<1x256xi32> to vector<1x256xf32>
    %jit3A_697 = arith.constant 1.000000e+00 : f32
    %rem3A_698 = vector.broadcast %jit3A_697 : f32 to vector<1x256xf32>
    %rem3A_699 = arith.remf %mul3A_596, %rem3A_698 : vector<1x256xf32>
    %ne3A_700 = arith.constant 0.000000e+00 : f32
    %ne3A_701 = vector.broadcast %ne3A_700 : f32 to vector<1x256xf32>
    %ne3A_702 = arith.cmpf one, %rem3A_699, %ne3A_701 : vector<1x256xf32>
    %lt3A_703 = arith.constant 0.000000e+00 : f32
    %lt3A_704 = vector.broadcast %lt3A_703 : f32 to vector<1x256xf32>
    %lt3A_705 = arith.cmpf olt, %rem3A_699, %lt3A_704 : vector<1x256xf32>
    %lt3A_706 = arith.constant 0.000000e+00 : f32
    %lt3A_707 = arith.cmpf olt, %jit3A_697, %lt3A_706 : f32
    %ne3A_708 = vector.broadcast %lt3A_707 : i1 to vector<1x256xi1>
    %ne3A_709 = vector.broadcast %ne3A_708 : vector<1x256xi1> to vector<1x256xi1>
    %ne3A_710 = arith.xori %lt3A_705, %ne3A_709 : vector<1x256xi1>
    %and3A_711 = arith.andi %ne3A_710, %ne3A_702 : vector<1x256xi1>
    %add3A_712 = vector.broadcast %jit3A_697 : f32 to vector<1x256xf32>
    %add3A_713 = arith.addf %rem3A_699, %add3A_712 : vector<1x256xf32>
    %select_n3A_714 = arith.select %and3A_711, %add3A_713, %rem3A_699 : vector<1x256xi1>, vector<1x256xf32>
    %lt3A_715 = arith.constant 5.000000e-01 : f32
    %lt3A_716 = vector.broadcast %lt3A_715 : f32 to vector<1x256xf32>
    %lt3A_717 = arith.cmpf olt, %select_n3A_714, %lt3A_716 : vector<1x256xf32>
    %gt3A_718 = arith.constant 1.000000e+00 : f32
    %gt3A_719 = vector.broadcast %gt3A_718 : f32 to vector<1x256xf32>
    %gt3A_720 = arith.cmpf ogt, %mul3A_596, %gt3A_719 : vector<1x256xf32>
    %and3A_721 = arith.andi %lt3A_717, %gt3A_720 : vector<1x256xi1>
    %convert_element_type3A_722 = arith.extui %and3A_721 : vector<1x256xi1> to vector<1x256xi32>
    %convert_element_type3A_723 = arith.sitofp %convert_element_type3A_722 : vector<1x256xi32> to vector<1x256xf32>
    %sub3A_724 = arith.constant 1.600000e+01 : f32
    %sub3A_725 = vector.broadcast %sub3A_724 : f32 to vector<1x256xf32>
    %sub3A_726 = arith.subf %sub3A_725, %mul3A_592 : vector<1x256xf32>
    %sub3A_727 = arith.constant 1.600000e+01 : f32
    %sub3A_728 = vector.broadcast %sub3A_727 : f32 to vector<1x256xf32>
    %sub3A_729 = arith.subf %sub3A_728, %mul3A_596 : vector<1x256xf32>
    %jit3A_730 = arith.constant 1.000000e+00 : f32
    %rem3A_731 = vector.broadcast %jit3A_730 : f32 to vector<1x256xf32>
    %rem3A_732 = arith.remf %sub3A_726, %rem3A_731 : vector<1x256xf32>
    %ne3A_733 = arith.constant 0.000000e+00 : f32
    %ne3A_734 = vector.broadcast %ne3A_733 : f32 to vector<1x256xf32>
    %ne3A_735 = arith.cmpf one, %rem3A_732, %ne3A_734 : vector<1x256xf32>
    %lt3A_736 = arith.constant 0.000000e+00 : f32
    %lt3A_737 = vector.broadcast %lt3A_736 : f32 to vector<1x256xf32>
    %lt3A_738 = arith.cmpf olt, %rem3A_732, %lt3A_737 : vector<1x256xf32>
    %lt3A_739 = arith.constant 0.000000e+00 : f32
    %lt3A_740 = arith.cmpf olt, %jit3A_730, %lt3A_739 : f32
    %ne3A_741 = vector.broadcast %lt3A_740 : i1 to vector<1x256xi1>
    %ne3A_742 = vector.broadcast %ne3A_741 : vector<1x256xi1> to vector<1x256xi1>
    %ne3A_743 = arith.xori %lt3A_738, %ne3A_742 : vector<1x256xi1>
    %and3A_744 = arith.andi %ne3A_743, %ne3A_735 : vector<1x256xi1>
    %add3A_745 = vector.broadcast %jit3A_730 : f32 to vector<1x256xf32>
    %add3A_746 = arith.addf %rem3A_732, %add3A_745 : vector<1x256xf32>
    %select_n3A_747 = arith.select %and3A_744, %add3A_746, %rem3A_732 : vector<1x256xi1>, vector<1x256xf32>
    %lt3A_748 = arith.constant 5.000000e-01 : f32
    %lt3A_749 = vector.broadcast %lt3A_748 : f32 to vector<1x256xf32>
    %lt3A_750 = arith.cmpf olt, %select_n3A_747, %lt3A_749 : vector<1x256xf32>
    %gt3A_751 = arith.constant 1.000000e+00 : f32
    %gt3A_752 = vector.broadcast %gt3A_751 : f32 to vector<1x256xf32>
    %gt3A_753 = arith.cmpf ogt, %sub3A_726, %gt3A_752 : vector<1x256xf32>
    %and3A_754 = arith.andi %lt3A_750, %gt3A_753 : vector<1x256xi1>
    %convert_element_type3A_755 = arith.extui %and3A_754 : vector<1x256xi1> to vector<1x256xi32>
    %convert_element_type3A_756 = arith.sitofp %convert_element_type3A_755 : vector<1x256xi32> to vector<1x256xf32>
    %jit3A_757 = arith.constant 1.000000e+00 : f32
    %rem3A_758 = vector.broadcast %jit3A_757 : f32 to vector<1x256xf32>
    %rem3A_759 = arith.remf %sub3A_729, %rem3A_758 : vector<1x256xf32>
    %ne3A_760 = arith.constant 0.000000e+00 : f32
    %ne3A_761 = vector.broadcast %ne3A_760 : f32 to vector<1x256xf32>
    %ne3A_762 = arith.cmpf one, %rem3A_759, %ne3A_761 : vector<1x256xf32>
    %lt3A_763 = arith.constant 0.000000e+00 : f32
    %lt3A_764 = vector.broadcast %lt3A_763 : f32 to vector<1x256xf32>
    %lt3A_765 = arith.cmpf olt, %rem3A_759, %lt3A_764 : vector<1x256xf32>
    %lt3A_766 = arith.constant 0.000000e+00 : f32
    %lt3A_767 = arith.cmpf olt, %jit3A_757, %lt3A_766 : f32
    %ne3A_768 = vector.broadcast %lt3A_767 : i1 to vector<1x256xi1>
    %ne3A_769 = vector.broadcast %ne3A_768 : vector<1x256xi1> to vector<1x256xi1>
    %ne3A_770 = arith.xori %lt3A_765, %ne3A_769 : vector<1x256xi1>
    %and3A_771 = arith.andi %ne3A_770, %ne3A_762 : vector<1x256xi1>
    %add3A_772 = vector.broadcast %jit3A_757 : f32 to vector<1x256xf32>
    %add3A_773 = arith.addf %rem3A_759, %add3A_772 : vector<1x256xf32>
    %select_n3A_774 = arith.select %and3A_771, %add3A_773, %rem3A_759 : vector<1x256xi1>, vector<1x256xf32>
    %lt3A_775 = arith.constant 5.000000e-01 : f32
    %lt3A_776 = vector.broadcast %lt3A_775 : f32 to vector<1x256xf32>
    %lt3A_777 = arith.cmpf olt, %select_n3A_774, %lt3A_776 : vector<1x256xf32>
    %gt3A_778 = arith.constant 1.000000e+00 : f32
    %gt3A_779 = vector.broadcast %gt3A_778 : f32 to vector<1x256xf32>
    %gt3A_780 = arith.cmpf ogt, %sub3A_729, %gt3A_779 : vector<1x256xf32>
    %and3A_781 = arith.andi %lt3A_777, %gt3A_780 : vector<1x256xi1>
    %convert_element_type3A_782 = arith.extui %and3A_781 : vector<1x256xi1> to vector<1x256xi32>
    %convert_element_type3A_783 = arith.sitofp %convert_element_type3A_782 : vector<1x256xi32> to vector<1x256xf32>
    %broadcast_in_dim3A_784 = arith.constant 1.000000e+00 : f32
    %broadcast_in_dim3A_785 = vector.broadcast %broadcast_in_dim3A_784 : f32 to vector<1x256xf32>
    %concatenate3A_786 = tpu.concatenate %broadcast_in_dim3A_785, %convert_element_type3A_696, %convert_element_type3A_723, %convert_element_type3A_756, %convert_element_type3A_783 in 0 : vector<1x256xf32>, vector<1x256xf32>, vector<1x256xf32>, vector<1x256xf32>, vector<1x256xf32> -> vector<5x256xf32>
    %mul3A_787 = vector.broadcast %add3A_669 : vector<1x256xf32> to vector<5x256xf32>
    %mul3A_788 = arith.mulf %concatenate3A_786, %mul3A_787 : vector<5x256xf32>
    %sub3A_789 = vector.broadcast %mul3A_592 : vector<1x256xf32> to vector<5x256xf32>
    %sub3A_790 = vector.broadcast %mul3A_11 : vector<5x1xf32> to vector<5x256xf32>
    %sub3A_791 = arith.subf %sub3A_789, %sub3A_790 : vector<5x256xf32>
    %convert_element_type3A_792 = arith.fptosi %sub3A_791 : vector<5x256xf32> to vector<5x256xi32>
    %sub3A_793 = vector.broadcast %mul3A_596 : vector<1x256xf32> to vector<5x256xf32>
    %sub3A_794 = vector.broadcast %mul3A_25 : vector<5x1xf32> to vector<5x256xf32>
    %sub3A_795 = arith.subf %sub3A_793, %sub3A_794 : vector<5x256xf32>
    %convert_element_type3A_796 = arith.fptosi %sub3A_795 : vector<5x256xf32> to vector<5x256xi32>
    %jit3A_797 = arith.constant 0 : i32
    %jit3A_798 = arith.constant 15 : i32
    %max3A_799 = vector.broadcast %jit3A_797 : i32 to vector<5x256xi32>
    %max3A_800 = arith.maxsi %max3A_799, %convert_element_type3A_792 : vector<5x256xi32>
    %min3A_801 = vector.broadcast %jit3A_798 : i32 to vector<5x256xi32>
    %min3A_802 = arith.minsi %min3A_801, %max3A_800 : vector<5x256xi32>
    %jit3A_803 = arith.constant 0 : i32
    %jit3A_804 = arith.constant 15 : i32
    %max3A_805 = vector.broadcast %jit3A_803 : i32 to vector<5x256xi32>
    %max3A_806 = arith.maxsi %max3A_805, %convert_element_type3A_796 : vector<5x256xi32>
    %min3A_807 = vector.broadcast %jit3A_804 : i32 to vector<5x256xi32>
    %min3A_808 = arith.minsi %min3A_807, %max3A_806 : vector<5x256xi32>
    %convert_element_type3A_809 = arith.fptosi %slice3A_587 : vector<1x256xf32> to vector<1x256xi32>
    %mul3A_810 = arith.constant 3 : i32
    %mul3A_811 = vector.broadcast %mul3A_810 : i32 to vector<1x256xi32>
    %mul3A_812 = arith.muli %convert_element_type3A_809, %mul3A_811 : vector<1x256xi32>
    %add3A_813 = arith.constant 1 : i32
    %add3A_814 = vector.broadcast %add3A_813 : i32 to vector<1x256xi32>
    %add3A_815 = arith.addi %mul3A_812, %add3A_814 : vector<1x256xi32>
    %mul3A_816 = arith.constant 16 : i32
    %mul3A_817 = vector.broadcast %mul3A_816 : i32 to vector<1x256xi32>
    %mul3A_818 = arith.muli %add3A_815, %mul3A_817 : vector<1x256xi32>
    %add3A_819 = vector.broadcast %mul3A_818 : vector<1x256xi32> to vector<5x256xi32>
    %add3A_820 = arith.addi %add3A_819, %min3A_808 : vector<5x256xi32>
    %mul3A_821 = arith.constant 16 : i32
    %mul3A_822 = vector.broadcast %mul3A_821 : i32 to vector<5x256xi32>
    %mul3A_823 = arith.muli %add3A_820, %mul3A_822 : vector<5x256xi32>
    %add3A_824 = arith.addi %mul3A_823, %min3A_802 : vector<5x256xi32>
    %convert_element_type3A_825 = arith.sitofp %min3A_802 : vector<5x256xi32> to vector<5x256xf32>
    %sub3A_826 = vector.broadcast %mul3A_592 : vector<1x256xf32> to vector<5x256xf32>
    %sub3A_827 = arith.subf %sub3A_826, %convert_element_type3A_825 : vector<5x256xf32>
    %convert_element_type3A_828 = arith.sitofp %min3A_808 : vector<5x256xi32> to vector<5x256xf32>
    %sub3A_829 = vector.broadcast %mul3A_596 : vector<1x256xf32> to vector<5x256xf32>
    %sub3A_830 = arith.subf %sub3A_829, %convert_element_type3A_828 : vector<5x256xf32>
    %mul3A_831 = arith.constant 85 : i32
    %mul3A_832 = vector.broadcast %mul3A_831 : i32 to vector<5x256xi32>
    %mul3A_833 = arith.muli %add3A_824, %mul3A_832 : vector<5x256xi32>
    %shift_right_logical3A_834 = arith.constant 7 : i32
    %shift_right_logical3A_835 = vector.broadcast %shift_right_logical3A_834 : i32 to vector<5x256xi32>
    %shift_right_logical3A_836 = arith.shrui %mul3A_833, %shift_right_logical3A_835 : vector<5x256xi32>
    %add3A_837 = arith.constant 1 : i32
    %add3A_838 = vector.broadcast %add3A_837 : i32 to vector<5x256xi32>
    %add3A_839 = arith.addi %shift_right_logical3A_836, %add3A_838 : vector<5x256xi32>
    %min3A_840 = arith.constant 8159 : i32
    %min3A_841 = vector.broadcast %min3A_840 : i32 to vector<5x256xi32>
    %min3A_842 = arith.minsi %add3A_839, %min3A_841 : vector<5x256xi32>
    %and3A_843 = arith.constant 127 : i32
    %and3A_844 = vector.broadcast %and3A_843 : i32 to vector<5x256xi32>
    %and3A_845 = arith.andi %mul3A_833, %and3A_844 : vector<5x256xi32>
    %reshape3A_846 = vector.shape_cast %shift_right_logical3A_836 : vector<5x256xi32> to vector<1x1280xi32>
    %reshape3A_847 = vector.shape_cast %min3A_842 : vector<5x256xi32> to vector<1x1280xi32>
    %concatenate3A_848 = tpu.concatenate %reshape3A_846, %reshape3A_847 in 0 : vector<1x1280xi32>, vector<1x1280xi32> -> vector<2x1280xi32>
    %swap3A_849 = arith.constant 0 : index
    %swap3A_850 = arith.constant 0 : index
    %swap3A_851 = vector.load %arg3[%swap3A_849, %swap3A_850] : memref<2x1280xi32, #tpu.memory_space<vmem>>, vector<2x1280xi32>
    tpu.vector_store %arg3[%swap3A_849, %swap3A_850], %concatenate3A_848 {strides = array<i32>} : memref<2x1280xi32, #tpu.memory_space<vmem>>, vector<2x1280xi32>,
    %broadcast_in_dim3A_852 = vector.shape_cast %mul3A_600 : vector<1x256xf32> to vector<1x256xf32>
    %broadcast_in_dim3A_853 = vector.broadcast %broadcast_in_dim3A_852 : vector<1x256xf32> to vector<5x256xf32>
    %broadcast_in_dim3A_854 = vector.shape_cast %mul3A_604 : vector<1x256xf32> to vector<1x256xf32>
    %broadcast_in_dim3A_855 = vector.broadcast %broadcast_in_dim3A_854 : vector<1x256xf32> to vector<5x256xf32>
    %broadcast_in_dim3A_856 = vector.shape_cast %slice3A_588 : vector<1x256xf32> to vector<1x256xf32>
    %broadcast_in_dim3A_857 = vector.broadcast %broadcast_in_dim3A_856 : vector<1x256xf32> to vector<5x256xf32>
    %convert_element_type3A_858 = arith.sitofp %and3A_845 : vector<5x256xi32> to vector<5x256xf32>
    %broadcast_in_dim3A_859 = arith.constant 0.000000e+00 : f32
    %broadcast_in_dim3A_860 = vector.broadcast %broadcast_in_dim3A_859 : f32 to vector<5x256xf32>
    %reshape3A_861 = vector.shape_cast %sub3A_827 : vector<5x256xf32> to vector<1x1280xf32>
    %reshape3A_862 = vector.shape_cast %sub3A_830 : vector<5x256xf32> to vector<1x1280xf32>
    %reshape3A_863 = vector.shape_cast %broadcast_in_dim3A_853 : vector<5x256xf32> to vector<1x1280xf32>
    %reshape3A_864 = vector.shape_cast %broadcast_in_dim3A_855 : vector<5x256xf32> to vector<1x1280xf32>
    %reshape3A_865 = vector.shape_cast %mul3A_788 : vector<5x256xf32> to vector<1x1280xf32>
    %reshape3A_866 = vector.shape_cast %broadcast_in_dim3A_857 : vector<5x256xf32> to vector<1x1280xf32>
    %reshape3A_867 = vector.shape_cast %convert_element_type3A_858 : vector<5x256xf32> to vector<1x1280xf32>
    %reshape3A_868 = vector.shape_cast %broadcast_in_dim3A_860 : vector<5x256xf32> to vector<1x1280xf32>
    %concatenate3A_869 = tpu.concatenate %reshape3A_861, %reshape3A_862, %reshape3A_863, %reshape3A_864, %reshape3A_865, %reshape3A_866, %reshape3A_867, %reshape3A_868 in 0 : vector<1x1280xf32>, vector<1x1280xf32>, vector<1x1280xf32>, vector<1x1280xf32>, vector<1x1280xf32>, vector<1x1280xf32>, vector<1x1280xf32>, vector<1x1280xf32> -> vector<8x1280xf32>
    %swap3A_870 = arith.constant 2 : index
    %swap3A_871 = arith.constant 0 : index
    %swap3A_872 = arith.constant 0 : index
    %swap3A_873 = vector.load %arg4[%swap3A_870, %swap3A_871, %swap3A_872] : memref<3x8x1280xf32, #tpu.memory_space<vmem>>, vector<1x8x1280xf32>
    %swap3A_874 = vector.shape_cast %swap3A_873 : vector<1x8x1280xf32> to vector<8x1280xf32>
    %swap3A_875 = vector.shape_cast %concatenate3A_869 : vector<8x1280xf32> to vector<1x8x1280xf32>
    tpu.vector_store %arg4[%swap3A_870, %swap3A_871, %swap3A_872], %swap3A_875 {strides = array<i32>} : memref<3x8x1280xf32, #tpu.memory_space<vmem>>, vector<1x8x1280xf32>,
    return
  }
}

module attributes {stable_mosaic.version = 14 : i64} {
  func.func @_main_body(%arg0: i32, %arg1: memref<5440x128xf32, #tpu.memory_space<vmem>>, %arg2: memref<1360x128xf32, #tpu.memory_space<vmem>>, %arg3: memref<680x128xf32, #tpu.memory_space<vmem>>, %arg4: memref<5440x128xf32, #tpu.memory_space<vmem>>, %arg5: memref<1360x128xf32, #tpu.memory_space<vmem>>, %arg6: memref<680x128xf32, #tpu.memory_space<vmem>>, %arg7: memref<64x5440xf32, #tpu.memory_space<vmem>>, %arg8: memref<16x1360xf32, #tpu.memory_space<vmem>>, %arg9: memref<8x680xf32, #tpu.memory_space<vmem>>, %arg10: memref<1280x256xf32, #tpu.memory_space<vmem>>, %arg11: memref<1280x256xf32, #tpu.memory_space<vmem>>, %arg12: memref<1280x256xf32, #tpu.memory_space<vmem>>, %arg13: memref<3x1280x8xf32, #tpu.memory_space<vmem>>, %arg14: memref<8xf32, #tpu.memory_space<smem>>, %arg15: memref<16xf32, #tpu.memory_space<smem>>) attributes {dimension_semantics = [#tpu.dimension_semantics<arbitrary>], iteration_bounds = array<i64: 24>, scalar_prefetch = 0 : i64, scratch_operands = 1 : i64, tpu.core_type = #tpu.core_type<tc>, window_params = [{transform_indices = @transform_0, window_bounds = array<i64: 5440, 128>}, {transform_indices = @transform_1, window_bounds = array<i64: 1360, 128>}, {transform_indices = @transform_2, window_bounds = array<i64: 680, 128>}, {pipeline_mode = #tpu.pipeline_mode<synchronous>, transform_indices = @transform_3, window_bounds = array<i64: 5440, 128>}, {pipeline_mode = #tpu.pipeline_mode<synchronous>, transform_indices = @transform_4, window_bounds = array<i64: 1360, 128>}, {pipeline_mode = #tpu.pipeline_mode<synchronous>, transform_indices = @transform_5, window_bounds = array<i64: 680, 128>}, {pipeline_mode = #tpu.pipeline_mode<synchronous>, transform_indices = @transform_6, window_bounds = array<i64: 64, 5440>}, {pipeline_mode = #tpu.pipeline_mode<synchronous>, transform_indices = @transform_7, window_bounds = array<i64: 16, 1360>}, {pipeline_mode = #tpu.pipeline_mode<synchronous>, transform_indices = @transform_8, window_bounds = array<i64: 8, 680>}, {pipeline_mode = #tpu.pipeline_mode<synchronous>, transform_indices = @transform_9, window_bounds = array<i64: 1280, 256>}, {pipeline_mode = #tpu.pipeline_mode<synchronous>, transform_indices = @transform_10, window_bounds = array<i64: 1280, 256>}, {pipeline_mode = #tpu.pipeline_mode<synchronous>, transform_indices = @transform_11, window_bounds = array<i64: 1280, 256>}, {pipeline_mode = #tpu.pipeline_mode<synchronous>, transform_indices = @transform_12, window_bounds = array<i64: 3, 1280, 8>}, {transform_indices = @transform_13, window_bounds = array<i64: 8>}]} {
    %get3A = arith.constant 0 : index
    %get3A_0 = arith.constant 0 : index
    %get3A_1 = vector.load %arg1[%get3A, %get3A_0] : memref<5440x128xf32, #tpu.memory_space<vmem>>, vector<5440x128xf32>
    %get3A_2 = arith.constant 0 : index
    %get3A_3 = arith.constant 0 : index
    %get3A_4 = vector.load %arg4[%get3A_2, %get3A_3] : memref<5440x128xf32, #tpu.memory_space<vmem>>, vector<5440x128xf32>
    %mul3A = arith.mulf %get3A_1, %get3A_4 : vector<5440x128xf32>
    %get3A_5 = arith.constant 0 : index
    %get3A_6 = arith.constant 0 : index
    %get3A_7 = vector.load %arg7[%get3A_5, %get3A_6] : memref<64x5440xf32, #tpu.memory_space<vmem>>, vector<64x5440xf32>
    %dot_general3A = arith.constant dense<0.000000e+00> : vector<64x128xf32>
    %dot_general3A_8 = tpu.matmul %get3A_7, %mul3A, %dot_general3A {dimension_numbers = #tpu.dot_dimension_numbers<[1], [0], [0], [1], [0, 0, 1, 1], [], []>, transpose_lhs_hint = false} : vector<64x5440xf32>, vector<5440x128xf32>, vector<64x128xf32> -> vector<64x128xf32>
    %max3A = arith.constant 0.000000e+00 : f32
    %max3A_9 = vector.broadcast %max3A : f32 to vector<64x128xf32>
    %max3A_10 = arith.maximumf %dot_general3A_8, %max3A_9 : vector<64x128xf32>
    %abs3A = math.absf %dot_general3A_8 : vector<64x128xf32>
    %neg3A = arith.constant 0.000000e+00 : f32
    %neg3A_11 = vector.broadcast %neg3A : f32 to vector<64x128xf32>
    %neg3A_12 = arith.subf %neg3A_11, %abs3A : vector<64x128xf32>
    %exp3A = math.exp %neg3A_12 : vector<64x128xf32>
    %log1p3A = math.log1p %exp3A : vector<64x128xf32>
    %add3A = arith.addf %max3A_10, %log1p3A : vector<64x128xf32>
    %reduce_sum3A = vector.shape_cast %add3A : vector<64x128xf32> to vector<1x64x128xf32>
    %reduce_sum3A_13 = arith.constant dense<0.000000e+00> : vector<1xf32>
    %reduce_sum3A_14 = vector.multi_reduction <add>, %reduce_sum3A, %reduce_sum3A_13 [1, 2] : vector<1x64x128xf32> to vector<1xf32>
    %reduce_sum3A_15 = vector.shape_cast %reduce_sum3A_14 : vector<1xf32> to vector<1x1x1xf32>
    %reduce_sum3A_16 = vector.extract %reduce_sum3A_15[0, 0, 0] : f32 from vector<1x1x1xf32>
    %get3A_17 = arith.constant 0 : index
    %get3A_18 = arith.constant 0 : index
    %get3A_19 = vector.load %arg2[%get3A_17, %get3A_18] : memref<1360x128xf32, #tpu.memory_space<vmem>>, vector<1360x128xf32>
    %get3A_20 = arith.constant 0 : index
    %get3A_21 = arith.constant 0 : index
    %get3A_22 = vector.load %arg5[%get3A_20, %get3A_21] : memref<1360x128xf32, #tpu.memory_space<vmem>>, vector<1360x128xf32>
    %mul3A_23 = arith.mulf %get3A_19, %get3A_22 : vector<1360x128xf32>
    %get3A_24 = arith.constant 0 : index
    %get3A_25 = arith.constant 0 : index
    %get3A_26 = vector.load %arg8[%get3A_24, %get3A_25] : memref<16x1360xf32, #tpu.memory_space<vmem>>, vector<16x1360xf32>
    %dot_general3A_27 = arith.constant dense<0.000000e+00> : vector<16x128xf32>
    %dot_general3A_28 = tpu.matmul %get3A_26, %mul3A_23, %dot_general3A_27 {dimension_numbers = #tpu.dot_dimension_numbers<[1], [0], [0], [1], [0, 0, 1, 1], [], []>, transpose_lhs_hint = false} : vector<16x1360xf32>, vector<1360x128xf32>, vector<16x128xf32> -> vector<16x128xf32>
    %max3A_29 = arith.constant 0.000000e+00 : f32
    %max3A_30 = vector.broadcast %max3A_29 : f32 to vector<16x128xf32>
    %max3A_31 = arith.maximumf %dot_general3A_28, %max3A_30 : vector<16x128xf32>
    %abs3A_32 = math.absf %dot_general3A_28 : vector<16x128xf32>
    %neg3A_33 = arith.constant 0.000000e+00 : f32
    %neg3A_34 = vector.broadcast %neg3A_33 : f32 to vector<16x128xf32>
    %neg3A_35 = arith.subf %neg3A_34, %abs3A_32 : vector<16x128xf32>
    %exp3A_36 = math.exp %neg3A_35 : vector<16x128xf32>
    %log1p3A_37 = math.log1p %exp3A_36 : vector<16x128xf32>
    %add3A_38 = arith.addf %max3A_31, %log1p3A_37 : vector<16x128xf32>
    %reduce_sum3A_39 = vector.shape_cast %add3A_38 : vector<16x128xf32> to vector<1x16x128xf32>
    %reduce_sum3A_40 = arith.constant dense<0.000000e+00> : vector<1xf32>
    %reduce_sum3A_41 = vector.multi_reduction <add>, %reduce_sum3A_39, %reduce_sum3A_40 [1, 2] : vector<1x16x128xf32> to vector<1xf32>
    %reduce_sum3A_42 = vector.shape_cast %reduce_sum3A_41 : vector<1xf32> to vector<1x1x1xf32>
    %reduce_sum3A_43 = vector.extract %reduce_sum3A_42[0, 0, 0] : f32 from vector<1x1x1xf32>
    %get3A_44 = arith.constant 0 : index
    %get3A_45 = arith.constant 0 : index
    %get3A_46 = vector.load %arg3[%get3A_44, %get3A_45] : memref<680x128xf32, #tpu.memory_space<vmem>>, vector<680x128xf32>
    %get3A_47 = arith.constant 0 : index
    %get3A_48 = arith.constant 0 : index
    %get3A_49 = vector.load %arg6[%get3A_47, %get3A_48] : memref<680x128xf32, #tpu.memory_space<vmem>>, vector<680x128xf32>
    %mul3A_50 = arith.mulf %get3A_46, %get3A_49 : vector<680x128xf32>
    %get3A_51 = arith.constant 0 : index
    %get3A_52 = arith.constant 0 : index
    %get3A_53 = vector.load %arg9[%get3A_51, %get3A_52] : memref<8x680xf32, #tpu.memory_space<vmem>>, vector<8x680xf32>
    %dot_general3A_54 = arith.constant dense<0.000000e+00> : vector<8x128xf32>
    %dot_general3A_55 = tpu.matmul %get3A_53, %mul3A_50, %dot_general3A_54 {dimension_numbers = #tpu.dot_dimension_numbers<[1], [0], [0], [1], [0, 0, 1, 1], [], []>, transpose_lhs_hint = false} : vector<8x680xf32>, vector<680x128xf32>, vector<8x128xf32> -> vector<8x128xf32>
    %max3A_56 = arith.constant 0.000000e+00 : f32
    %max3A_57 = vector.broadcast %max3A_56 : f32 to vector<8x128xf32>
    %max3A_58 = arith.maximumf %dot_general3A_55, %max3A_57 : vector<8x128xf32>
    %abs3A_59 = math.absf %dot_general3A_55 : vector<8x128xf32>
    %neg3A_60 = arith.constant 0.000000e+00 : f32
    %neg3A_61 = vector.broadcast %neg3A_60 : f32 to vector<8x128xf32>
    %neg3A_62 = arith.subf %neg3A_61, %abs3A_59 : vector<8x128xf32>
    %exp3A_63 = math.exp %neg3A_62 : vector<8x128xf32>
    %log1p3A_64 = math.log1p %exp3A_63 : vector<8x128xf32>
    %add3A_65 = arith.addf %max3A_58, %log1p3A_64 : vector<8x128xf32>
    %reduce_sum3A_66 = vector.shape_cast %add3A_65 : vector<8x128xf32> to vector<1x8x128xf32>
    %reduce_sum3A_67 = arith.constant dense<0.000000e+00> : vector<1xf32>
    %reduce_sum3A_68 = vector.multi_reduction <add>, %reduce_sum3A_66, %reduce_sum3A_67 [1, 2] : vector<1x8x128xf32> to vector<1xf32>
    %reduce_sum3A_69 = vector.shape_cast %reduce_sum3A_68 : vector<1xf32> to vector<1x1x1xf32>
    %reduce_sum3A_70 = vector.extract %reduce_sum3A_69[0, 0, 0] : f32 from vector<1x1x1xf32>
    %eq3A = arith.constant 0 : i32
    %eq3A_71 = arith.cmpi eq, %arg0, %eq3A : i32
    %convert_element_type3A = arith.extui %eq3A_71 : i1 to i32
    %cond3A = arith.constant 0 : i32
    %cond3A_72 = arith.cmpi ne, %convert_element_type3A, %cond3A : i32
    scf.if %cond3A_72 {
      %swap3A = arith.constant 0 : index
      %swap3A_100 = memref.load %arg15[%swap3A] : memref<16xf32, #tpu.memory_space<smem>>
      memref.store %reduce_sum3A_16, %arg15[%swap3A] : memref<16xf32, #tpu.memory_space<smem>>
      %swap3A_101 = arith.constant 1 : index
      %swap3A_102 = memref.load %arg15[%swap3A_101] : memref<16xf32, #tpu.memory_space<smem>>
      memref.store %reduce_sum3A_43, %arg15[%swap3A_101] : memref<16xf32, #tpu.memory_space<smem>>
      %swap3A_103 = arith.constant 2 : index
      %swap3A_104 = memref.load %arg15[%swap3A_103] : memref<16xf32, #tpu.memory_space<smem>>
      memref.store %reduce_sum3A_70, %arg15[%swap3A_103] : memref<16xf32, #tpu.memory_space<smem>>
      %get3A_105 = arith.constant 0 : index
      %get3A_106 = arith.constant 0 : index
      %get3A_107 = arith.constant 0 : index
      %get3A_108 = vector.load %arg13[%get3A_105, %get3A_106, %get3A_107] : memref<3x1280x8xf32, #tpu.memory_space<vmem>>, vector<3x1280x8xf32>
      %slice3A = vector.extract_strided_slice %get3A_108 {offsets = [0, 0, 0], sizes = [1, 1280, 8], strides = [1, 1, 1]} : vector<3x1280x8xf32> to vector<1x1280x8xf32>
      %squeeze3A = vector.shape_cast %slice3A : vector<1x1280x8xf32> to vector<1280x8xf32>
      %get3A_109 = arith.constant 0 : index
      %get3A_110 = arith.constant 0 : index
      %get3A_111 = vector.load %arg10[%get3A_109, %get3A_110] : memref<1280x256xf32, #tpu.memory_space<vmem>>, vector<1280x256xf32>
      %iota3A = tpu.iota {dimensions = array<i32: 1>} : vector<1280x256xi32>
      %iota3A_112 = tpu.iota {dimensions = array<i32: 0>} : vector<256x8xi32>
      %ge3A = arith.constant 0 : i32
      %ge3A_113 = vector.broadcast %ge3A : i32 to vector<256x8xi32>
      %ge3A_114 = arith.cmpi sge, %iota3A_112, %ge3A_113 : vector<256x8xi32>
      %convert_element_type3A_115 = arith.extui %ge3A_114 : vector<256x8xi1> to vector<256x8xi32>
      %convert_element_type3A_116 = arith.sitofp %convert_element_type3A_115 : vector<256x8xi32> to vector<256x8xf32>
      %slice3A_117 = vector.extract_strided_slice %convert_element_type3A_116 {offsets = [0, 0], sizes = [256, 1], strides = [1, 1]} : vector<256x8xf32> to vector<256x1xf32>
      %slice3A_118 = vector.extract_strided_slice %squeeze3A {offsets = [0, 6], sizes = [1280, 1], strides = [1, 1]} : vector<1280x8xf32> to vector<1280x1xf32>
      %convert_element_type3A_119 = arith.fptosi %slice3A_118 : vector<1280x1xf32> to vector<1280x1xi32>
      %sub3A = vector.broadcast %convert_element_type3A_119 : vector<1280x1xi32> to vector<1280x256xi32>
      %sub3A_120 = arith.subi %iota3A, %sub3A : vector<1280x256xi32>
      %max3A_121 = arith.constant 0.000000e+00 : f32
      %max3A_122 = vector.broadcast %max3A_121 : f32 to vector<1280x256xf32>
      %max3A_123 = arith.maximumf %get3A_111, %max3A_122 : vector<1280x256xf32>
      %abs3A_124 = math.absf %get3A_111 : vector<1280x256xf32>
      %neg3A_125 = arith.constant 0.000000e+00 : f32
      %neg3A_126 = vector.broadcast %neg3A_125 : f32 to vector<1280x256xf32>
      %neg3A_127 = arith.subf %neg3A_126, %abs3A_124 : vector<1280x256xf32>
      %exp3A_128 = math.exp %neg3A_127 : vector<1280x256xf32>
      %log1p3A_129 = math.log1p %exp3A_128 : vector<1280x256xf32>
      %add3A_130 = arith.addf %max3A_123, %log1p3A_129 : vector<1280x256xf32>
      %ge3A_131 = arith.constant 5 : i32
      %ge3A_132 = vector.broadcast %ge3A_131 : i32 to vector<1280x256xi32>
      %ge3A_133 = arith.cmpi sge, %sub3A_120, %ge3A_132 : vector<1280x256xi32>
      %lt3A_134 = arith.constant 85 : i32
      %lt3A_135 = vector.broadcast %lt3A_134 : i32 to vector<1280x256xi32>
      %lt3A_136 = arith.cmpi slt, %sub3A_120, %lt3A_135 : vector<1280x256xi32>
      %and3A_137 = arith.andi %ge3A_133, %lt3A_136 : vector<1280x256xi1>
      %jit3A_138 = arith.constant 0.000000e+00 : f32
      %broadcast_in_dim3A = vector.broadcast %jit3A_138 : f32 to vector<1280x256xf32>
      %select_n3A_139 = arith.select %and3A_137, %add3A_130, %broadcast_in_dim3A : vector<1280x256xi1>, vector<1280x256xf32>
      %dot_general3A_140 = arith.constant dense<0.000000e+00> : vector<1280x1xf32>
      %dot_general3A_141 = tpu.matmul %select_n3A_139, %slice3A_117, %dot_general3A_140 {dimension_numbers = #tpu.dot_dimension_numbers<[1], [0], [0], [1], [0, 0, 1, 1], [], []>, transpose_lhs_hint = false} : vector<1280x256xf32>, vector<256x1xf32>, vector<1280x1xf32> -> vector<1280x1xf32>
      %slice3A_142 = vector.extract_strided_slice %squeeze3A {offsets = [0, 5], sizes = [1280, 1], strides = [1, 1]} : vector<1280x8xf32> to vector<1280x1xf32>
      %convert_element_type3A_143 = arith.fptosi %slice3A_142 : vector<1280x1xf32> to vector<1280x1xi32>
      %add3A_144 = arith.constant 5 : i32
      %add3A_145 = vector.broadcast %add3A_144 : i32 to vector<1280x1xi32>
      %add3A_146 = arith.addi %convert_element_type3A_143, %add3A_145 : vector<1280x1xi32>
      %eq3A_147 = vector.broadcast %add3A_146 : vector<1280x1xi32> to vector<1280x256xi32>
      %eq3A_148 = arith.cmpi eq, %sub3A_120, %eq3A_147 : vector<1280x256xi32>
      %jit3A_149 = arith.constant 0.000000e+00 : f32
      %broadcast_in_dim3A_150 = vector.broadcast %jit3A_149 : f32 to vector<1280x256xf32>
      %select_n3A_151 = arith.select %eq3A_148, %get3A_111, %broadcast_in_dim3A_150 : vector<1280x256xi1>, vector<1280x256xf32>
      %dot_general3A_152 = arith.constant dense<0.000000e+00> : vector<1280x1xf32>
      %dot_general3A_153 = tpu.matmul %select_n3A_151, %slice3A_117, %dot_general3A_152 {dimension_numbers = #tpu.dot_dimension_numbers<[1], [0], [0], [1], [0, 0, 1, 1], [], []>, transpose_lhs_hint = false} : vector<1280x256xf32>, vector<256x1xf32>, vector<1280x1xf32> -> vector<1280x1xf32>
      %eq3A_154 = arith.constant 0 : i32
      %eq3A_155 = vector.broadcast %eq3A_154 : i32 to vector<1280x256xi32>
      %eq3A_156 = arith.cmpi eq, %sub3A_120, %eq3A_155 : vector<1280x256xi32>
      %jit3A_157 = arith.constant 0.000000e+00 : f32
      %broadcast_in_dim3A_158 = vector.broadcast %jit3A_157 : f32 to vector<1280x256xf32>
      %select_n3A_159 = arith.select %eq3A_156, %get3A_111, %broadcast_in_dim3A_158 : vector<1280x256xi1>, vector<1280x256xf32>
      %dot_general3A_160 = arith.constant dense<0.000000e+00> : vector<1280x1xf32>
      %dot_general3A_161 = tpu.matmul %select_n3A_159, %slice3A_117, %dot_general3A_160 {dimension_numbers = #tpu.dot_dimension_numbers<[1], [0], [0], [1], [0, 0, 1, 1], [], []>, transpose_lhs_hint = false} : vector<1280x256xf32>, vector<256x1xf32>, vector<1280x1xf32> -> vector<1280x1xf32>
      %eq3A_162 = arith.constant 1 : i32
      %eq3A_163 = vector.broadcast %eq3A_162 : i32 to vector<1280x256xi32>
      %eq3A_164 = arith.cmpi eq, %sub3A_120, %eq3A_163 : vector<1280x256xi32>
      %jit3A_165 = arith.constant 0.000000e+00 : f32
      %broadcast_in_dim3A_166 = vector.broadcast %jit3A_165 : f32 to vector<1280x256xf32>
      %select_n3A_167 = arith.select %eq3A_164, %get3A_111, %broadcast_in_dim3A_166 : vector<1280x256xi1>, vector<1280x256xf32>
      %dot_general3A_168 = arith.constant dense<0.000000e+00> : vector<1280x1xf32>
      %dot_general3A_169 = tpu.matmul %select_n3A_167, %slice3A_117, %dot_general3A_168 {dimension_numbers = #tpu.dot_dimension_numbers<[1], [0], [0], [1], [0, 0, 1, 1], [], []>, transpose_lhs_hint = false} : vector<1280x256xf32>, vector<256x1xf32>, vector<1280x1xf32> -> vector<1280x1xf32>
      %eq3A_170 = arith.constant 2 : i32
      %eq3A_171 = vector.broadcast %eq3A_170 : i32 to vector<1280x256xi32>
      %eq3A_172 = arith.cmpi eq, %sub3A_120, %eq3A_171 : vector<1280x256xi32>
      %jit3A_173 = arith.constant 0.000000e+00 : f32
      %broadcast_in_dim3A_174 = vector.broadcast %jit3A_173 : f32 to vector<1280x256xf32>
      %select_n3A_175 = arith.select %eq3A_172, %get3A_111, %broadcast_in_dim3A_174 : vector<1280x256xi1>, vector<1280x256xf32>
      %dot_general3A_176 = arith.constant dense<0.000000e+00> : vector<1280x1xf32>
      %dot_general3A_177 = tpu.matmul %select_n3A_175, %slice3A_117, %dot_general3A_176 {dimension_numbers = #tpu.dot_dimension_numbers<[1], [0], [0], [1], [0, 0, 1, 1], [], []>, transpose_lhs_hint = false} : vector<1280x256xf32>, vector<256x1xf32>, vector<1280x1xf32> -> vector<1280x1xf32>
      %eq3A_178 = arith.constant 3 : i32
      %eq3A_179 = vector.broadcast %eq3A_178 : i32 to vector<1280x256xi32>
      %eq3A_180 = arith.cmpi eq, %sub3A_120, %eq3A_179 : vector<1280x256xi32>
      %jit3A_181 = arith.constant 0.000000e+00 : f32
      %broadcast_in_dim3A_182 = vector.broadcast %jit3A_181 : f32 to vector<1280x256xf32>
      %select_n3A_183 = arith.select %eq3A_180, %get3A_111, %broadcast_in_dim3A_182 : vector<1280x256xi1>, vector<1280x256xf32>
      %dot_general3A_184 = arith.constant dense<0.000000e+00> : vector<1280x1xf32>
      %dot_general3A_185 = tpu.matmul %select_n3A_183, %slice3A_117, %dot_general3A_184 {dimension_numbers = #tpu.dot_dimension_numbers<[1], [0], [0], [1], [0, 0, 1, 1], [], []>, transpose_lhs_hint = false} : vector<1280x256xf32>, vector<256x1xf32>, vector<1280x1xf32> -> vector<1280x1xf32>
      %eq3A_186 = arith.constant 4 : i32
      %eq3A_187 = vector.broadcast %eq3A_186 : i32 to vector<1280x256xi32>
      %eq3A_188 = arith.cmpi eq, %sub3A_120, %eq3A_187 : vector<1280x256xi32>
      %jit3A_189 = arith.constant 0.000000e+00 : f32
      %broadcast_in_dim3A_190 = vector.broadcast %jit3A_189 : f32 to vector<1280x256xf32>
      %select_n3A_191 = arith.select %eq3A_188, %get3A_111, %broadcast_in_dim3A_190 : vector<1280x256xi1>, vector<1280x256xf32>
      %dot_general3A_192 = arith.constant dense<0.000000e+00> : vector<1280x1xf32>
      %dot_general3A_193 = tpu.matmul %select_n3A_191, %slice3A_117, %dot_general3A_192 {dimension_numbers = #tpu.dot_dimension_numbers<[1], [0], [0], [1], [0, 0, 1, 1], [], []>, transpose_lhs_hint = false} : vector<1280x256xf32>, vector<256x1xf32>, vector<1280x1xf32> -> vector<1280x1xf32>
      %neg3A_194 = arith.constant 0.000000e+00 : f32
      %neg3A_195 = vector.broadcast %neg3A_194 : f32 to vector<1280x1xf32>
      %neg3A_196 = arith.subf %neg3A_195, %dot_general3A_161 : vector<1280x1xf32>
      %exp3A_197 = math.exp %neg3A_196 : vector<1280x1xf32>
      %add3A_198 = arith.constant 1.000000e+00 : f32
      %add3A_199 = vector.broadcast %add3A_198 : f32 to vector<1280x1xf32>
      %add3A_200 = arith.addf %add3A_199, %exp3A_197 : vector<1280x1xf32>
      %div3A = arith.constant 1.000000e+00 : f32
      %div3A_201 = vector.broadcast %div3A : f32 to vector<1280x1xf32>
      %div3A_202 = arith.divf %div3A_201, %add3A_200 : vector<1280x1xf32>
      %mul3A_203 = arith.constant 2.000000e+00 : f32
      %mul3A_204 = vector.broadcast %mul3A_203 : f32 to vector<1280x1xf32>
      %mul3A_205 = arith.mulf %div3A_202, %mul3A_204 : vector<1280x1xf32>
      %sub3A_206 = arith.constant 5.000000e-01 : f32
      %sub3A_207 = vector.broadcast %sub3A_206 : f32 to vector<1280x1xf32>
      %sub3A_208 = arith.subf %mul3A_205, %sub3A_207 : vector<1280x1xf32>
      %neg3A_209 = arith.constant 0.000000e+00 : f32
      %neg3A_210 = vector.broadcast %neg3A_209 : f32 to vector<1280x1xf32>
      %neg3A_211 = arith.subf %neg3A_210, %dot_general3A_169 : vector<1280x1xf32>
      %exp3A_212 = math.exp %neg3A_211 : vector<1280x1xf32>
      %add3A_213 = arith.constant 1.000000e+00 : f32
      %add3A_214 = vector.broadcast %add3A_213 : f32 to vector<1280x1xf32>
      %add3A_215 = arith.addf %add3A_214, %exp3A_212 : vector<1280x1xf32>
      %div3A_216 = arith.constant 1.000000e+00 : f32
      %div3A_217 = vector.broadcast %div3A_216 : f32 to vector<1280x1xf32>
      %div3A_218 = arith.divf %div3A_217, %add3A_215 : vector<1280x1xf32>
      %mul3A_219 = arith.constant 2.000000e+00 : f32
      %mul3A_220 = vector.broadcast %mul3A_219 : f32 to vector<1280x1xf32>
      %mul3A_221 = arith.mulf %div3A_218, %mul3A_220 : vector<1280x1xf32>
      %sub3A_222 = arith.constant 5.000000e-01 : f32
      %sub3A_223 = vector.broadcast %sub3A_222 : f32 to vector<1280x1xf32>
      %sub3A_224 = arith.subf %mul3A_221, %sub3A_223 : vector<1280x1xf32>
      %neg3A_225 = arith.constant 0.000000e+00 : f32
      %neg3A_226 = vector.broadcast %neg3A_225 : f32 to vector<1280x1xf32>
      %neg3A_227 = arith.subf %neg3A_226, %dot_general3A_177 : vector<1280x1xf32>
      %exp3A_228 = math.exp %neg3A_227 : vector<1280x1xf32>
      %add3A_229 = arith.constant 1.000000e+00 : f32
      %add3A_230 = vector.broadcast %add3A_229 : f32 to vector<1280x1xf32>
      %add3A_231 = arith.addf %add3A_230, %exp3A_228 : vector<1280x1xf32>
      %div3A_232 = arith.constant 1.000000e+00 : f32
      %div3A_233 = vector.broadcast %div3A_232 : f32 to vector<1280x1xf32>
      %div3A_234 = arith.divf %div3A_233, %add3A_231 : vector<1280x1xf32>
      %mul3A_235 = arith.constant 2.000000e+00 : f32
      %mul3A_236 = vector.broadcast %mul3A_235 : f32 to vector<1280x1xf32>
      %mul3A_237 = arith.mulf %div3A_234, %mul3A_236 : vector<1280x1xf32>
      %integer_pow3A = arith.mulf %mul3A_237, %mul3A_237 : vector<1280x1xf32>
      %mul3A_238 = arith.constant 1.250000e+00 : f32
      %mul3A_239 = vector.broadcast %mul3A_238 : f32 to vector<1280x1xf32>
      %mul3A_240 = arith.mulf %integer_pow3A, %mul3A_239 : vector<1280x1xf32>
      %neg3A_241 = arith.constant 0.000000e+00 : f32
      %neg3A_242 = vector.broadcast %neg3A_241 : f32 to vector<1280x1xf32>
      %neg3A_243 = arith.subf %neg3A_242, %dot_general3A_185 : vector<1280x1xf32>
      %exp3A_244 = math.exp %neg3A_243 : vector<1280x1xf32>
      %add3A_245 = arith.constant 1.000000e+00 : f32
      %add3A_246 = vector.broadcast %add3A_245 : f32 to vector<1280x1xf32>
      %add3A_247 = arith.addf %add3A_246, %exp3A_244 : vector<1280x1xf32>
      %div3A_248 = arith.constant 1.000000e+00 : f32
      %div3A_249 = vector.broadcast %div3A_248 : f32 to vector<1280x1xf32>
      %div3A_250 = arith.divf %div3A_249, %add3A_247 : vector<1280x1xf32>
      %mul3A_251 = arith.constant 2.000000e+00 : f32
      %mul3A_252 = vector.broadcast %mul3A_251 : f32 to vector<1280x1xf32>
      %mul3A_253 = arith.mulf %div3A_250, %mul3A_252 : vector<1280x1xf32>
      %integer_pow3A_254 = arith.mulf %mul3A_253, %mul3A_253 : vector<1280x1xf32>
      %mul3A_255 = arith.constant 1.625000e+00 : f32
      %mul3A_256 = vector.broadcast %mul3A_255 : f32 to vector<1280x1xf32>
      %mul3A_257 = arith.mulf %integer_pow3A_254, %mul3A_256 : vector<1280x1xf32>
      %slice3A_258 = vector.extract_strided_slice %squeeze3A {offsets = [0, 0], sizes = [1280, 1], strides = [1, 1]} : vector<1280x8xf32> to vector<1280x1xf32>
      %slice3A_259 = vector.extract_strided_slice %squeeze3A {offsets = [0, 1], sizes = [1280, 1], strides = [1, 1]} : vector<1280x8xf32> to vector<1280x1xf32>
      %slice3A_260 = vector.extract_strided_slice %squeeze3A {offsets = [0, 2], sizes = [1280, 1], strides = [1, 1]} : vector<1280x8xf32> to vector<1280x1xf32>
      %slice3A_261 = vector.extract_strided_slice %squeeze3A {offsets = [0, 3], sizes = [1280, 1], strides = [1, 1]} : vector<1280x8xf32> to vector<1280x1xf32>
      %slice3A_262 = vector.extract_strided_slice %squeeze3A {offsets = [0, 4], sizes = [1280, 1], strides = [1, 1]} : vector<1280x8xf32> to vector<1280x1xf32>
      %mul3A_263 = arith.constant 5.000000e-01 : f32
      %mul3A_264 = vector.broadcast %mul3A_263 : f32 to vector<1280x1xf32>
      %mul3A_265 = arith.mulf %mul3A_240, %mul3A_264 : vector<1280x1xf32>
      %sub3A_266 = arith.subf %sub3A_208, %mul3A_265 : vector<1280x1xf32>
      %mul3A_267 = arith.constant 5.000000e-01 : f32
      %mul3A_268 = vector.broadcast %mul3A_267 : f32 to vector<1280x1xf32>
      %mul3A_269 = arith.mulf %mul3A_240, %mul3A_268 : vector<1280x1xf32>
      %add3A_270 = arith.addf %sub3A_208, %mul3A_269 : vector<1280x1xf32>
      %mul3A_271 = arith.constant 5.000000e-01 : f32
      %mul3A_272 = vector.broadcast %mul3A_271 : f32 to vector<1280x1xf32>
      %mul3A_273 = arith.mulf %mul3A_257, %mul3A_272 : vector<1280x1xf32>
      %sub3A_274 = arith.subf %sub3A_224, %mul3A_273 : vector<1280x1xf32>
      %mul3A_275 = arith.constant 5.000000e-01 : f32
      %mul3A_276 = vector.broadcast %mul3A_275 : f32 to vector<1280x1xf32>
      %mul3A_277 = arith.mulf %mul3A_257, %mul3A_276 : vector<1280x1xf32>
      %add3A_278 = arith.addf %sub3A_224, %mul3A_277 : vector<1280x1xf32>
      %mul3A_279 = arith.constant 5.000000e-01 : f32
      %mul3A_280 = vector.broadcast %mul3A_279 : f32 to vector<1280x1xf32>
      %mul3A_281 = arith.mulf %slice3A_260, %mul3A_280 : vector<1280x1xf32>
      %sub3A_282 = arith.subf %slice3A_258, %mul3A_281 : vector<1280x1xf32>
      %mul3A_283 = arith.constant 5.000000e-01 : f32
      %mul3A_284 = vector.broadcast %mul3A_283 : f32 to vector<1280x1xf32>
      %mul3A_285 = arith.mulf %slice3A_260, %mul3A_284 : vector<1280x1xf32>
      %add3A_286 = arith.addf %slice3A_258, %mul3A_285 : vector<1280x1xf32>
      %mul3A_287 = arith.constant 5.000000e-01 : f32
      %mul3A_288 = vector.broadcast %mul3A_287 : f32 to vector<1280x1xf32>
      %mul3A_289 = arith.mulf %slice3A_261, %mul3A_288 : vector<1280x1xf32>
      %sub3A_290 = arith.subf %slice3A_259, %mul3A_289 : vector<1280x1xf32>
      %mul3A_291 = arith.constant 5.000000e-01 : f32
      %mul3A_292 = vector.broadcast %mul3A_291 : f32 to vector<1280x1xf32>
      %mul3A_293 = arith.mulf %slice3A_261, %mul3A_292 : vector<1280x1xf32>
      %add3A_294 = arith.addf %slice3A_259, %mul3A_293 : vector<1280x1xf32>
      %min3A = arith.minimumf %add3A_270, %add3A_286 : vector<1280x1xf32>
      %max3A_295 = arith.maximumf %sub3A_266, %sub3A_282 : vector<1280x1xf32>
      %sub3A_296 = arith.subf %min3A, %max3A_295 : vector<1280x1xf32>
      %jit3A_297 = arith.constant 0 : i32
      %convert_element_type3A_298 = arith.sitofp %jit3A_297 : i32 to f32
      %max3A_299 = vector.broadcast %convert_element_type3A_298 : f32 to vector<1280x1xf32>
      %max3A_300 = arith.maximumf %max3A_299, %sub3A_296 : vector<1280x1xf32>
      %min3A_301 = arith.minimumf %add3A_278, %add3A_294 : vector<1280x1xf32>
      %max3A_302 = arith.maximumf %sub3A_274, %sub3A_290 : vector<1280x1xf32>
      %sub3A_303 = arith.subf %min3A_301, %max3A_302 : vector<1280x1xf32>
      %jit3A_304 = arith.constant 0 : i32
      %convert_element_type3A_305 = arith.sitofp %jit3A_304 : i32 to f32
      %max3A_306 = vector.broadcast %convert_element_type3A_305 : f32 to vector<1280x1xf32>
      %max3A_307 = arith.maximumf %max3A_306, %sub3A_303 : vector<1280x1xf32>
      %mul3A_308 = arith.mulf %max3A_300, %max3A_307 : vector<1280x1xf32>
      %sub3A_309 = arith.subf %add3A_270, %sub3A_266 : vector<1280x1xf32>
      %sub3A_310 = arith.subf %add3A_278, %sub3A_274 : vector<1280x1xf32>
      %add3A_311 = arith.constant 1.000000e-07 : f32
      %add3A_312 = vector.broadcast %add3A_311 : f32 to vector<1280x1xf32>
      %add3A_313 = arith.addf %sub3A_310, %add3A_312 : vector<1280x1xf32>
      %sub3A_314 = arith.subf %add3A_286, %sub3A_282 : vector<1280x1xf32>
      %sub3A_315 = arith.subf %add3A_294, %sub3A_290 : vector<1280x1xf32>
      %add3A_316 = arith.constant 1.000000e-07 : f32
      %add3A_317 = vector.broadcast %add3A_316 : f32 to vector<1280x1xf32>
      %add3A_318 = arith.addf %sub3A_315, %add3A_317 : vector<1280x1xf32>
      %mul3A_319 = arith.mulf %sub3A_309, %add3A_313 : vector<1280x1xf32>
      %mul3A_320 = arith.mulf %sub3A_314, %add3A_318 : vector<1280x1xf32>
      %add3A_321 = arith.addf %mul3A_319, %mul3A_320 : vector<1280x1xf32>
      %sub3A_322 = arith.subf %add3A_321, %mul3A_308 : vector<1280x1xf32>
      %add3A_323 = arith.constant 1.000000e-07 : f32
      %add3A_324 = vector.broadcast %add3A_323 : f32 to vector<1280x1xf32>
      %add3A_325 = arith.addf %sub3A_322, %add3A_324 : vector<1280x1xf32>
      %div3A_326 = arith.divf %mul3A_308, %add3A_325 : vector<1280x1xf32>
      %max3A_327 = arith.maximumf %add3A_270, %add3A_286 : vector<1280x1xf32>
      %min3A_328 = arith.minimumf %sub3A_266, %sub3A_282 : vector<1280x1xf32>
      %sub3A_329 = arith.subf %max3A_327, %min3A_328 : vector<1280x1xf32>
      %max3A_330 = arith.maximumf %add3A_278, %add3A_294 : vector<1280x1xf32>
      %min3A_331 = arith.minimumf %sub3A_274, %sub3A_290 : vector<1280x1xf32>
      %sub3A_332 = arith.subf %max3A_330, %min3A_331 : vector<1280x1xf32>
      %mul3A_333 = arith.mulf %sub3A_329, %sub3A_329 : vector<1280x1xf32>
      %mul3A_334 = arith.mulf %sub3A_332, %sub3A_332 : vector<1280x1xf32>
      %add3A_335 = arith.addf %mul3A_333, %mul3A_334 : vector<1280x1xf32>
      %add3A_336 = arith.constant 1.000000e-07 : f32
      %add3A_337 = vector.broadcast %add3A_336 : f32 to vector<1280x1xf32>
      %add3A_338 = arith.addf %add3A_335, %add3A_337 : vector<1280x1xf32>
      %add3A_339 = arith.addf %sub3A_282, %add3A_286 : vector<1280x1xf32>
      %sub3A_340 = arith.subf %add3A_339, %sub3A_266 : vector<1280x1xf32>
      %sub3A_341 = arith.subf %sub3A_340, %add3A_270 : vector<1280x1xf32>
      %integer_pow3A_342 = arith.mulf %sub3A_341, %sub3A_341 : vector<1280x1xf32>
      %add3A_343 = arith.addf %sub3A_290, %add3A_294 : vector<1280x1xf32>
      %sub3A_344 = arith.subf %add3A_343, %sub3A_274 : vector<1280x1xf32>
      %sub3A_345 = arith.subf %sub3A_344, %add3A_278 : vector<1280x1xf32>
      %integer_pow3A_346 = arith.mulf %sub3A_345, %sub3A_345 : vector<1280x1xf32>
      %add3A_347 = arith.addf %integer_pow3A_342, %integer_pow3A_346 : vector<1280x1xf32>
      %mul3A_348 = arith.constant 2.500000e-01 : f32
      %mul3A_349 = vector.broadcast %mul3A_348 : f32 to vector<1280x1xf32>
      %mul3A_350 = arith.mulf %add3A_347, %mul3A_349 : vector<1280x1xf32>
      %div3A_351 = arith.divf %sub3A_314, %add3A_318 : vector<1280x1xf32>
      %gt3A_352 = arith.constant 1.000000e+00 : f32
      %gt3A_353 = vector.broadcast %gt3A_352 : f32 to vector<1280x1xf32>
      %gt3A_354 = arith.cmpf ogt, %div3A_351, %gt3A_353 : vector<1280x1xf32>
      %div3A_355 = arith.constant 1.000000e+00 : f32
      %div3A_356 = vector.broadcast %div3A_355 : f32 to vector<1280x1xf32>
      %div3A_357 = arith.divf %div3A_356, %div3A_351 : vector<1280x1xf32>
      %select_n3A_358 = arith.select %gt3A_354, %div3A_357, %div3A_351 : vector<1280x1xi1>, vector<1280x1xf32>
      %mul3A_359 = arith.mulf %select_n3A_358, %select_n3A_358 : vector<1280x1xf32>
      %mul3A_360 = arith.constant -1.172120e-02 : f32
      %mul3A_361 = vector.broadcast %mul3A_360 : f32 to vector<1280x1xf32>
      %mul3A_362 = arith.mulf %mul3A_359, %mul3A_361 : vector<1280x1xf32>
      %add3A_363 = arith.constant 0.0526533201 : f32
      %add3A_364 = vector.broadcast %add3A_363 : f32 to vector<1280x1xf32>
      %add3A_365 = arith.addf %add3A_364, %mul3A_362 : vector<1280x1xf32>
      %mul3A_366 = arith.mulf %mul3A_359, %add3A_365 : vector<1280x1xf32>
      %add3A_367 = arith.constant -0.116432868 : f32
      %add3A_368 = vector.broadcast %add3A_367 : f32 to vector<1280x1xf32>
      %add3A_369 = arith.addf %add3A_368, %mul3A_366 : vector<1280x1xf32>
      %mul3A_370 = arith.mulf %mul3A_359, %add3A_369 : vector<1280x1xf32>
      %add3A_371 = arith.constant 0.193543464 : f32
      %add3A_372 = vector.broadcast %add3A_371 : f32 to vector<1280x1xf32>
      %add3A_373 = arith.addf %add3A_372, %mul3A_370 : vector<1280x1xf32>
      %mul3A_374 = arith.mulf %mul3A_359, %add3A_373 : vector<1280x1xf32>
      %add3A_375 = arith.constant -0.332623482 : f32
      %add3A_376 = vector.broadcast %add3A_375 : f32 to vector<1280x1xf32>
      %add3A_377 = arith.addf %add3A_376, %mul3A_374 : vector<1280x1xf32>
      %mul3A_378 = arith.mulf %mul3A_359, %add3A_377 : vector<1280x1xf32>
      %add3A_379 = arith.constant 0.999977231 : f32
      %add3A_380 = vector.broadcast %add3A_379 : f32 to vector<1280x1xf32>
      %add3A_381 = arith.addf %add3A_380, %mul3A_378 : vector<1280x1xf32>
      %mul3A_382 = arith.mulf %select_n3A_358, %add3A_381 : vector<1280x1xf32>
      %sub3A_383 = arith.constant 1.57079637 : f32
      %sub3A_384 = vector.broadcast %sub3A_383 : f32 to vector<1280x1xf32>
      %sub3A_385 = arith.subf %sub3A_384, %mul3A_382 : vector<1280x1xf32>
      %select_n3A_386 = arith.select %gt3A_354, %sub3A_385, %mul3A_382 : vector<1280x1xi1>, vector<1280x1xf32>
      %div3A_387 = arith.divf %sub3A_309, %add3A_313 : vector<1280x1xf32>
      %gt3A_388 = arith.constant 1.000000e+00 : f32
      %gt3A_389 = vector.broadcast %gt3A_388 : f32 to vector<1280x1xf32>
      %gt3A_390 = arith.cmpf ogt, %div3A_387, %gt3A_389 : vector<1280x1xf32>
      %div3A_391 = arith.constant 1.000000e+00 : f32
      %div3A_392 = vector.broadcast %div3A_391 : f32 to vector<1280x1xf32>
      %div3A_393 = arith.divf %div3A_392, %div3A_387 : vector<1280x1xf32>
      %select_n3A_394 = arith.select %gt3A_390, %div3A_393, %div3A_387 : vector<1280x1xi1>, vector<1280x1xf32>
      %mul3A_395 = arith.mulf %select_n3A_394, %select_n3A_394 : vector<1280x1xf32>
      %mul3A_396 = arith.constant -1.172120e-02 : f32
      %mul3A_397 = vector.broadcast %mul3A_396 : f32 to vector<1280x1xf32>
      %mul3A_398 = arith.mulf %mul3A_395, %mul3A_397 : vector<1280x1xf32>
      %add3A_399 = arith.constant 0.0526533201 : f32
      %add3A_400 = vector.broadcast %add3A_399 : f32 to vector<1280x1xf32>
      %add3A_401 = arith.addf %add3A_400, %mul3A_398 : vector<1280x1xf32>
      %mul3A_402 = arith.mulf %mul3A_395, %add3A_401 : vector<1280x1xf32>
      %add3A_403 = arith.constant -0.116432868 : f32
      %add3A_404 = vector.broadcast %add3A_403 : f32 to vector<1280x1xf32>
      %add3A_405 = arith.addf %add3A_404, %mul3A_402 : vector<1280x1xf32>
      %mul3A_406 = arith.mulf %mul3A_395, %add3A_405 : vector<1280x1xf32>
      %add3A_407 = arith.constant 0.193543464 : f32
      %add3A_408 = vector.broadcast %add3A_407 : f32 to vector<1280x1xf32>
      %add3A_409 = arith.addf %add3A_408, %mul3A_406 : vector<1280x1xf32>
      %mul3A_410 = arith.mulf %mul3A_395, %add3A_409 : vector<1280x1xf32>
      %add3A_411 = arith.constant -0.332623482 : f32
      %add3A_412 = vector.broadcast %add3A_411 : f32 to vector<1280x1xf32>
      %add3A_413 = arith.addf %add3A_412, %mul3A_410 : vector<1280x1xf32>
      %mul3A_414 = arith.mulf %mul3A_395, %add3A_413 : vector<1280x1xf32>
      %add3A_415 = arith.constant 0.999977231 : f32
      %add3A_416 = vector.broadcast %add3A_415 : f32 to vector<1280x1xf32>
      %add3A_417 = arith.addf %add3A_416, %mul3A_414 : vector<1280x1xf32>
      %mul3A_418 = arith.mulf %select_n3A_394, %add3A_417 : vector<1280x1xf32>
      %sub3A_419 = arith.constant 1.57079637 : f32
      %sub3A_420 = vector.broadcast %sub3A_419 : f32 to vector<1280x1xf32>
      %sub3A_421 = arith.subf %sub3A_420, %mul3A_418 : vector<1280x1xf32>
      %select_n3A_422 = arith.select %gt3A_390, %sub3A_421, %mul3A_418 : vector<1280x1xi1>, vector<1280x1xf32>
      %sub3A_423 = arith.subf %select_n3A_386, %select_n3A_422 : vector<1280x1xf32>
      %integer_pow3A_424 = arith.mulf %sub3A_423, %sub3A_423 : vector<1280x1xf32>
      %mul3A_425 = arith.constant 0.405284733 : f32
      %mul3A_426 = vector.broadcast %mul3A_425 : f32 to vector<1280x1xf32>
      %mul3A_427 = arith.mulf %mul3A_426, %integer_pow3A_424 : vector<1280x1xf32>
      %sub3A_428 = arith.subf %mul3A_427, %div3A_326 : vector<1280x1xf32>
      %add3A_429 = arith.constant 1.00000012 : f32
      %add3A_430 = vector.broadcast %add3A_429 : f32 to vector<1280x1xf32>
      %add3A_431 = arith.addf %sub3A_428, %add3A_430 : vector<1280x1xf32>
      %div3A_432 = arith.divf %mul3A_427, %add3A_431 : vector<1280x1xf32>
      %div3A_433 = arith.divf %mul3A_350, %add3A_338 : vector<1280x1xf32>
      %mul3A_434 = arith.mulf %mul3A_427, %div3A_432 : vector<1280x1xf32>
      %add3A_435 = arith.addf %div3A_433, %mul3A_434 : vector<1280x1xf32>
      %sub3A_436 = arith.subf %div3A_326, %add3A_435 : vector<1280x1xf32>
      %sub3A_437 = arith.constant 1.000000e+00 : f32
      %sub3A_438 = vector.broadcast %sub3A_437 : f32 to vector<1280x1xf32>
      %sub3A_439 = arith.subf %sub3A_438, %sub3A_436 : vector<1280x1xf32>
      %mul3A_440 = arith.mulf %slice3A_262, %sub3A_439 : vector<1280x1xf32>
      %reduce_sum3A_441 = vector.shape_cast %mul3A_440 : vector<1280x1xf32> to vector<1x1280x1xf32>
      %reduce_sum3A_442 = arith.constant dense<0.000000e+00> : vector<1xf32>
      %reduce_sum3A_443 = vector.multi_reduction <add>, %reduce_sum3A_441, %reduce_sum3A_442 [1, 2] : vector<1x1280x1xf32> to vector<1xf32>
      %reduce_sum3A_444 = vector.shape_cast %reduce_sum3A_443 : vector<1xf32> to vector<1x1x1xf32>
      %reduce_sum3A_445 = vector.extract %reduce_sum3A_444[0, 0, 0] : f32 from vector<1x1x1xf32>
      %swap3A_446 = arith.constant 3 : index
      %swap3A_447 = memref.load %arg15[%swap3A_446] : memref<16xf32, #tpu.memory_space<smem>>
      memref.store %reduce_sum3A_445, %arg15[%swap3A_446] : memref<16xf32, #tpu.memory_space<smem>>
      %reduce_sum3A_448 = vector.shape_cast %slice3A_262 : vector<1280x1xf32> to vector<1x1280x1xf32>
      %reduce_sum3A_449 = arith.constant dense<0.000000e+00> : vector<1xf32>
      %reduce_sum3A_450 = vector.multi_reduction <add>, %reduce_sum3A_448, %reduce_sum3A_449 [1, 2] : vector<1x1280x1xf32> to vector<1xf32>
      %reduce_sum3A_451 = vector.shape_cast %reduce_sum3A_450 : vector<1xf32> to vector<1x1x1xf32>
      %reduce_sum3A_452 = vector.extract %reduce_sum3A_451[0, 0, 0] : f32 from vector<1x1x1xf32>
      %swap3A_453 = arith.constant 4 : index
      %swap3A_454 = memref.load %arg15[%swap3A_453] : memref<16xf32, #tpu.memory_space<smem>>
      memref.store %reduce_sum3A_452, %arg15[%swap3A_453] : memref<16xf32, #tpu.memory_space<smem>>
      %sub3A_455 = arith.subf %dot_general3A_141, %dot_general3A_153 : vector<1280x1xf32>
      %mul3A_456 = arith.mulf %slice3A_262, %sub3A_455 : vector<1280x1xf32>
      %reduce_sum3A_457 = vector.shape_cast %mul3A_456 : vector<1280x1xf32> to vector<1x1280x1xf32>
      %reduce_sum3A_458 = arith.constant dense<0.000000e+00> : vector<1xf32>
      %reduce_sum3A_459 = vector.multi_reduction <add>, %reduce_sum3A_457, %reduce_sum3A_458 [1, 2] : vector<1x1280x1xf32> to vector<1xf32>
      %reduce_sum3A_460 = vector.shape_cast %reduce_sum3A_459 : vector<1xf32> to vector<1x1x1xf32>
      %reduce_sum3A_461 = vector.extract %reduce_sum3A_460[0, 0, 0] : f32 from vector<1x1x1xf32>
      %swap3A_462 = arith.constant 5 : index
      %swap3A_463 = memref.load %arg15[%swap3A_462] : memref<16xf32, #tpu.memory_space<smem>>
      memref.store %reduce_sum3A_461, %arg15[%swap3A_462] : memref<16xf32, #tpu.memory_space<smem>>
      %gt3A_464 = arith.constant 0.000000e+00 : f32
      %gt3A_465 = vector.broadcast %gt3A_464 : f32 to vector<1280x1xf32>
      %gt3A_466 = arith.cmpf ogt, %slice3A_262, %gt3A_465 : vector<1280x1xf32>
      %jit3A_467 = arith.constant 1.000000e+00 : f32
      %jit3A_468 = arith.constant 0.000000e+00 : f32
      %broadcast_in_dim3A_469 = vector.broadcast %jit3A_467 : f32 to vector<1280x1xf32>
      %broadcast_in_dim3A_470 = vector.broadcast %jit3A_468 : f32 to vector<1280x1xf32>
      %select_n3A_471 = arith.select %gt3A_466, %broadcast_in_dim3A_469, %broadcast_in_dim3A_470 : vector<1280x1xi1>, vector<1280x1xf32>
      %mul3A_472 = arith.mulf %select_n3A_471, %dot_general3A_193 : vector<1280x1xf32>
      %jit3A_473 = arith.constant 0.000000e+00 : f32
      %max3A_474 = vector.broadcast %jit3A_473 : f32 to vector<1280x1xf32>
      %max3A_475 = arith.maximumf %max3A_474, %sub3A_436 : vector<1280x1xf32>
      %mul3A_476 = arith.mulf %mul3A_472, %max3A_475 : vector<1280x1xf32>
      %reduce_sum3A_477 = vector.shape_cast %mul3A_476 : vector<1280x1xf32> to vector<1x1280x1xf32>
      %reduce_sum3A_478 = arith.constant dense<0.000000e+00> : vector<1xf32>
      %reduce_sum3A_479 = vector.multi_reduction <add>, %reduce_sum3A_477, %reduce_sum3A_478 [1, 2] : vector<1x1280x1xf32> to vector<1xf32>
      %reduce_sum3A_480 = vector.shape_cast %reduce_sum3A_479 : vector<1xf32> to vector<1x1x1xf32>
      %reduce_sum3A_481 = vector.extract %reduce_sum3A_480[0, 0, 0] : f32 from vector<1x1x1xf32>
      %swap3A_482 = arith.constant 6 : index
      %swap3A_483 = memref.load %arg15[%swap3A_482] : memref<16xf32, #tpu.memory_space<smem>>
      memref.store %reduce_sum3A_481, %arg15[%swap3A_482] : memref<16xf32, #tpu.memory_space<smem>>
      %slice3A_484 = vector.extract_strided_slice %get3A_108 {offsets = [1, 0, 0], sizes = [1, 1280, 8], strides = [1, 1, 1]} : vector<3x1280x8xf32> to vector<1x1280x8xf32>
      %squeeze3A_485 = vector.shape_cast %slice3A_484 : vector<1x1280x8xf32> to vector<1280x8xf32>
      %get3A_486 = arith.constant 0 : index
      %get3A_487 = arith.constant 0 : index
      %get3A_488 = vector.load %arg11[%get3A_486, %get3A_487] : memref<1280x256xf32, #tpu.memory_space<vmem>>, vector<1280x256xf32>
      %iota3A_489 = tpu.iota {dimensions = array<i32: 1>} : vector<1280x256xi32>
      %iota3A_490 = tpu.iota {dimensions = array<i32: 0>} : vector<256x8xi32>
      %ge3A_491 = arith.constant 0 : i32
      %ge3A_492 = vector.broadcast %ge3A_491 : i32 to vector<256x8xi32>
      %ge3A_493 = arith.cmpi sge, %iota3A_490, %ge3A_492 : vector<256x8xi32>
      %convert_element_type3A_494 = arith.extui %ge3A_493 : vector<256x8xi1> to vector<256x8xi32>
      %convert_element_type3A_495 = arith.sitofp %convert_element_type3A_494 : vector<256x8xi32> to vector<256x8xf32>
      %slice3A_496 = vector.extract_strided_slice %convert_element_type3A_495 {offsets = [0, 0], sizes = [256, 1], strides = [1, 1]} : vector<256x8xf32> to vector<256x1xf32>
      %slice3A_497 = vector.extract_strided_slice %squeeze3A_485 {offsets = [0, 6], sizes = [1280, 1], strides = [1, 1]} : vector<1280x8xf32> to vector<1280x1xf32>
      %convert_element_type3A_498 = arith.fptosi %slice3A_497 : vector<1280x1xf32> to vector<1280x1xi32>
      %sub3A_499 = vector.broadcast %convert_element_type3A_498 : vector<1280x1xi32> to vector<1280x256xi32>
      %sub3A_500 = arith.subi %iota3A_489, %sub3A_499 : vector<1280x256xi32>
      %max3A_501 = arith.constant 0.000000e+00 : f32
      %max3A_502 = vector.broadcast %max3A_501 : f32 to vector<1280x256xf32>
      %max3A_503 = arith.maximumf %get3A_488, %max3A_502 : vector<1280x256xf32>
      %abs3A_504 = math.absf %get3A_488 : vector<1280x256xf32>
      %neg3A_505 = arith.constant 0.000000e+00 : f32
      %neg3A_506 = vector.broadcast %neg3A_505 : f32 to vector<1280x256xf32>
      %neg3A_507 = arith.subf %neg3A_506, %abs3A_504 : vector<1280x256xf32>
      %exp3A_508 = math.exp %neg3A_507 : vector<1280x256xf32>
      %log1p3A_509 = math.log1p %exp3A_508 : vector<1280x256xf32>
      %add3A_510 = arith.addf %max3A_503, %log1p3A_509 : vector<1280x256xf32>
      %ge3A_511 = arith.constant 5 : i32
      %ge3A_512 = vector.broadcast %ge3A_511 : i32 to vector<1280x256xi32>
      %ge3A_513 = arith.cmpi sge, %sub3A_500, %ge3A_512 : vector<1280x256xi32>
      %lt3A_514 = arith.constant 85 : i32
      %lt3A_515 = vector.broadcast %lt3A_514 : i32 to vector<1280x256xi32>
      %lt3A_516 = arith.cmpi slt, %sub3A_500, %lt3A_515 : vector<1280x256xi32>
      %and3A_517 = arith.andi %ge3A_513, %lt3A_516 : vector<1280x256xi1>
      %jit3A_518 = arith.constant 0.000000e+00 : f32
      %broadcast_in_dim3A_519 = vector.broadcast %jit3A_518 : f32 to vector<1280x256xf32>
      %select_n3A_520 = arith.select %and3A_517, %add3A_510, %broadcast_in_dim3A_519 : vector<1280x256xi1>, vector<1280x256xf32>
      %dot_general3A_521 = arith.constant dense<0.000000e+00> : vector<1280x1xf32>
      %dot_general3A_522 = tpu.matmul %select_n3A_520, %slice3A_496, %dot_general3A_521 {dimension_numbers = #tpu.dot_dimension_numbers<[1], [0], [0], [1], [0, 0, 1, 1], [], []>, transpose_lhs_hint = false} : vector<1280x256xf32>, vector<256x1xf32>, vector<1280x1xf32> -> vector<1280x1xf32>
      %slice3A_523 = vector.extract_strided_slice %squeeze3A_485 {offsets = [0, 5], sizes = [1280, 1], strides = [1, 1]} : vector<1280x8xf32> to vector<1280x1xf32>
      %convert_element_type3A_524 = arith.fptosi %slice3A_523 : vector<1280x1xf32> to vector<1280x1xi32>
      %add3A_525 = arith.constant 5 : i32
      %add3A_526 = vector.broadcast %add3A_525 : i32 to vector<1280x1xi32>
      %add3A_527 = arith.addi %convert_element_type3A_524, %add3A_526 : vector<1280x1xi32>
      %eq3A_528 = vector.broadcast %add3A_527 : vector<1280x1xi32> to vector<1280x256xi32>
      %eq3A_529 = arith.cmpi eq, %sub3A_500, %eq3A_528 : vector<1280x256xi32>
      %jit3A_530 = arith.constant 0.000000e+00 : f32
      %broadcast_in_dim3A_531 = vector.broadcast %jit3A_530 : f32 to vector<1280x256xf32>
      %select_n3A_532 = arith.select %eq3A_529, %get3A_488, %broadcast_in_dim3A_531 : vector<1280x256xi1>, vector<1280x256xf32>
      %dot_general3A_533 = arith.constant dense<0.000000e+00> : vector<1280x1xf32>
      %dot_general3A_534 = tpu.matmul %select_n3A_532, %slice3A_496, %dot_general3A_533 {dimension_numbers = #tpu.dot_dimension_numbers<[1], [0], [0], [1], [0, 0, 1, 1], [], []>, transpose_lhs_hint = false} : vector<1280x256xf32>, vector<256x1xf32>, vector<1280x1xf32> -> vector<1280x1xf32>
      %eq3A_535 = arith.constant 0 : i32
      %eq3A_536 = vector.broadcast %eq3A_535 : i32 to vector<1280x256xi32>
      %eq3A_537 = arith.cmpi eq, %sub3A_500, %eq3A_536 : vector<1280x256xi32>
      %jit3A_538 = arith.constant 0.000000e+00 : f32
      %broadcast_in_dim3A_539 = vector.broadcast %jit3A_538 : f32 to vector<1280x256xf32>
      %select_n3A_540 = arith.select %eq3A_537, %get3A_488, %broadcast_in_dim3A_539 : vector<1280x256xi1>, vector<1280x256xf32>
      %dot_general3A_541 = arith.constant dense<0.000000e+00> : vector<1280x1xf32>
      %dot_general3A_542 = tpu.matmul %select_n3A_540, %slice3A_496, %dot_general3A_541 {dimension_numbers = #tpu.dot_dimension_numbers<[1], [0], [0], [1], [0, 0, 1, 1], [], []>, transpose_lhs_hint = false} : vector<1280x256xf32>, vector<256x1xf32>, vector<1280x1xf32> -> vector<1280x1xf32>
      %eq3A_543 = arith.constant 1 : i32
      %eq3A_544 = vector.broadcast %eq3A_543 : i32 to vector<1280x256xi32>
      %eq3A_545 = arith.cmpi eq, %sub3A_500, %eq3A_544 : vector<1280x256xi32>
      %jit3A_546 = arith.constant 0.000000e+00 : f32
      %broadcast_in_dim3A_547 = vector.broadcast %jit3A_546 : f32 to vector<1280x256xf32>
      %select_n3A_548 = arith.select %eq3A_545, %get3A_488, %broadcast_in_dim3A_547 : vector<1280x256xi1>, vector<1280x256xf32>
      %dot_general3A_549 = arith.constant dense<0.000000e+00> : vector<1280x1xf32>
      %dot_general3A_550 = tpu.matmul %select_n3A_548, %slice3A_496, %dot_general3A_549 {dimension_numbers = #tpu.dot_dimension_numbers<[1], [0], [0], [1], [0, 0, 1, 1], [], []>, transpose_lhs_hint = false} : vector<1280x256xf32>, vector<256x1xf32>, vector<1280x1xf32> -> vector<1280x1xf32>
      %eq3A_551 = arith.constant 2 : i32
      %eq3A_552 = vector.broadcast %eq3A_551 : i32 to vector<1280x256xi32>
      %eq3A_553 = arith.cmpi eq, %sub3A_500, %eq3A_552 : vector<1280x256xi32>
      %jit3A_554 = arith.constant 0.000000e+00 : f32
      %broadcast_in_dim3A_555 = vector.broadcast %jit3A_554 : f32 to vector<1280x256xf32>
      %select_n3A_556 = arith.select %eq3A_553, %get3A_488, %broadcast_in_dim3A_555 : vector<1280x256xi1>, vector<1280x256xf32>
      %dot_general3A_557 = arith.constant dense<0.000000e+00> : vector<1280x1xf32>
      %dot_general3A_558 = tpu.matmul %select_n3A_556, %slice3A_496, %dot_general3A_557 {dimension_numbers = #tpu.dot_dimension_numbers<[1], [0], [0], [1], [0, 0, 1, 1], [], []>, transpose_lhs_hint = false} : vector<1280x256xf32>, vector<256x1xf32>, vector<1280x1xf32> -> vector<1280x1xf32>
      %eq3A_559 = arith.constant 3 : i32
      %eq3A_560 = vector.broadcast %eq3A_559 : i32 to vector<1280x256xi32>
      %eq3A_561 = arith.cmpi eq, %sub3A_500, %eq3A_560 : vector<1280x256xi32>
      %jit3A_562 = arith.constant 0.000000e+00 : f32
      %broadcast_in_dim3A_563 = vector.broadcast %jit3A_562 : f32 to vector<1280x256xf32>
      %select_n3A_564 = arith.select %eq3A_561, %get3A_488, %broadcast_in_dim3A_563 : vector<1280x256xi1>, vector<1280x256xf32>
      %dot_general3A_565 = arith.constant dense<0.000000e+00> : vector<1280x1xf32>
      %dot_general3A_566 = tpu.matmul %select_n3A_564, %slice3A_496, %dot_general3A_565 {dimension_numbers = #tpu.dot_dimension_numbers<[1], [0], [0], [1], [0, 0, 1, 1], [], []>, transpose_lhs_hint = false} : vector<1280x256xf32>, vector<256x1xf32>, vector<1280x1xf32> -> vector<1280x1xf32>
      %eq3A_567 = arith.constant 4 : i32
      %eq3A_568 = vector.broadcast %eq3A_567 : i32 to vector<1280x256xi32>
      %eq3A_569 = arith.cmpi eq, %sub3A_500, %eq3A_568 : vector<1280x256xi32>
      %jit3A_570 = arith.constant 0.000000e+00 : f32
      %broadcast_in_dim3A_571 = vector.broadcast %jit3A_570 : f32 to vector<1280x256xf32>
      %select_n3A_572 = arith.select %eq3A_569, %get3A_488, %broadcast_in_dim3A_571 : vector<1280x256xi1>, vector<1280x256xf32>
      %dot_general3A_573 = arith.constant dense<0.000000e+00> : vector<1280x1xf32>
      %dot_general3A_574 = tpu.matmul %select_n3A_572, %slice3A_496, %dot_general3A_573 {dimension_numbers = #tpu.dot_dimension_numbers<[1], [0], [0], [1], [0, 0, 1, 1], [], []>, transpose_lhs_hint = false} : vector<1280x256xf32>, vector<256x1xf32>, vector<1280x1xf32> -> vector<1280x1xf32>
      %neg3A_575 = arith.constant 0.000000e+00 : f32
      %neg3A_576 = vector.broadcast %neg3A_575 : f32 to vector<1280x1xf32>
      %neg3A_577 = arith.subf %neg3A_576, %dot_general3A_542 : vector<1280x1xf32>
      %exp3A_578 = math.exp %neg3A_577 : vector<1280x1xf32>
      %add3A_579 = arith.constant 1.000000e+00 : f32
      %add3A_580 = vector.broadcast %add3A_579 : f32 to vector<1280x1xf32>
      %add3A_581 = arith.addf %add3A_580, %exp3A_578 : vector<1280x1xf32>
      %div3A_582 = arith.constant 1.000000e+00 : f32
      %div3A_583 = vector.broadcast %div3A_582 : f32 to vector<1280x1xf32>
      %div3A_584 = arith.divf %div3A_583, %add3A_581 : vector<1280x1xf32>
      %mul3A_585 = arith.constant 2.000000e+00 : f32
      %mul3A_586 = vector.broadcast %mul3A_585 : f32 to vector<1280x1xf32>
      %mul3A_587 = arith.mulf %div3A_584, %mul3A_586 : vector<1280x1xf32>
      %sub3A_588 = arith.constant 5.000000e-01 : f32
      %sub3A_589 = vector.broadcast %sub3A_588 : f32 to vector<1280x1xf32>
      %sub3A_590 = arith.subf %mul3A_587, %sub3A_589 : vector<1280x1xf32>
      %neg3A_591 = arith.constant 0.000000e+00 : f32
      %neg3A_592 = vector.broadcast %neg3A_591 : f32 to vector<1280x1xf32>
      %neg3A_593 = arith.subf %neg3A_592, %dot_general3A_550 : vector<1280x1xf32>
      %exp3A_594 = math.exp %neg3A_593 : vector<1280x1xf32>
      %add3A_595 = arith.constant 1.000000e+00 : f32
      %add3A_596 = vector.broadcast %add3A_595 : f32 to vector<1280x1xf32>
      %add3A_597 = arith.addf %add3A_596, %exp3A_594 : vector<1280x1xf32>
      %div3A_598 = arith.constant 1.000000e+00 : f32
      %div3A_599 = vector.broadcast %div3A_598 : f32 to vector<1280x1xf32>
      %div3A_600 = arith.divf %div3A_599, %add3A_597 : vector<1280x1xf32>
      %mul3A_601 = arith.constant 2.000000e+00 : f32
      %mul3A_602 = vector.broadcast %mul3A_601 : f32 to vector<1280x1xf32>
      %mul3A_603 = arith.mulf %div3A_600, %mul3A_602 : vector<1280x1xf32>
      %sub3A_604 = arith.constant 5.000000e-01 : f32
      %sub3A_605 = vector.broadcast %sub3A_604 : f32 to vector<1280x1xf32>
      %sub3A_606 = arith.subf %mul3A_603, %sub3A_605 : vector<1280x1xf32>
      %neg3A_607 = arith.constant 0.000000e+00 : f32
      %neg3A_608 = vector.broadcast %neg3A_607 : f32 to vector<1280x1xf32>
      %neg3A_609 = arith.subf %neg3A_608, %dot_general3A_558 : vector<1280x1xf32>
      %exp3A_610 = math.exp %neg3A_609 : vector<1280x1xf32>
      %add3A_611 = arith.constant 1.000000e+00 : f32
      %add3A_612 = vector.broadcast %add3A_611 : f32 to vector<1280x1xf32>
      %add3A_613 = arith.addf %add3A_612, %exp3A_610 : vector<1280x1xf32>
      %div3A_614 = arith.constant 1.000000e+00 : f32
      %div3A_615 = vector.broadcast %div3A_614 : f32 to vector<1280x1xf32>
      %div3A_616 = arith.divf %div3A_615, %add3A_613 : vector<1280x1xf32>
      %mul3A_617 = arith.constant 2.000000e+00 : f32
      %mul3A_618 = vector.broadcast %mul3A_617 : f32 to vector<1280x1xf32>
      %mul3A_619 = arith.mulf %div3A_616, %mul3A_618 : vector<1280x1xf32>
      %integer_pow3A_620 = arith.mulf %mul3A_619, %mul3A_619 : vector<1280x1xf32>
      %mul3A_621 = arith.constant 1.875000e+00 : f32
      %mul3A_622 = vector.broadcast %mul3A_621 : f32 to vector<1280x1xf32>
      %mul3A_623 = arith.mulf %integer_pow3A_620, %mul3A_622 : vector<1280x1xf32>
      %neg3A_624 = arith.constant 0.000000e+00 : f32
      %neg3A_625 = vector.broadcast %neg3A_624 : f32 to vector<1280x1xf32>
      %neg3A_626 = arith.subf %neg3A_625, %dot_general3A_566 : vector<1280x1xf32>
      %exp3A_627 = math.exp %neg3A_626 : vector<1280x1xf32>
      %add3A_628 = arith.constant 1.000000e+00 : f32
      %add3A_629 = vector.broadcast %add3A_628 : f32 to vector<1280x1xf32>
      %add3A_630 = arith.addf %add3A_629, %exp3A_627 : vector<1280x1xf32>
      %div3A_631 = arith.constant 1.000000e+00 : f32
      %div3A_632 = vector.broadcast %div3A_631 : f32 to vector<1280x1xf32>
      %div3A_633 = arith.divf %div3A_632, %add3A_630 : vector<1280x1xf32>
      %mul3A_634 = arith.constant 2.000000e+00 : f32
      %mul3A_635 = vector.broadcast %mul3A_634 : f32 to vector<1280x1xf32>
      %mul3A_636 = arith.mulf %div3A_633, %mul3A_635 : vector<1280x1xf32>
      %integer_pow3A_637 = arith.mulf %mul3A_636, %mul3A_636 : vector<1280x1xf32>
      %mul3A_638 = arith.constant 3.812500e+00 : f32
      %mul3A_639 = vector.broadcast %mul3A_638 : f32 to vector<1280x1xf32>
      %mul3A_640 = arith.mulf %integer_pow3A_637, %mul3A_639 : vector<1280x1xf32>
      %slice3A_641 = vector.extract_strided_slice %squeeze3A_485 {offsets = [0, 0], sizes = [1280, 1], strides = [1, 1]} : vector<1280x8xf32> to vector<1280x1xf32>
      %slice3A_642 = vector.extract_strided_slice %squeeze3A_485 {offsets = [0, 1], sizes = [1280, 1], strides = [1, 1]} : vector<1280x8xf32> to vector<1280x1xf32>
      %slice3A_643 = vector.extract_strided_slice %squeeze3A_485 {offsets = [0, 2], sizes = [1280, 1], strides = [1, 1]} : vector<1280x8xf32> to vector<1280x1xf32>
      %slice3A_644 = vector.extract_strided_slice %squeeze3A_485 {offsets = [0, 3], sizes = [1280, 1], strides = [1, 1]} : vector<1280x8xf32> to vector<1280x1xf32>
      %slice3A_645 = vector.extract_strided_slice %squeeze3A_485 {offsets = [0, 4], sizes = [1280, 1], strides = [1, 1]} : vector<1280x8xf32> to vector<1280x1xf32>
      %mul3A_646 = arith.constant 5.000000e-01 : f32
      %mul3A_647 = vector.broadcast %mul3A_646 : f32 to vector<1280x1xf32>
      %mul3A_648 = arith.mulf %mul3A_623, %mul3A_647 : vector<1280x1xf32>
      %sub3A_649 = arith.subf %sub3A_590, %mul3A_648 : vector<1280x1xf32>
      %mul3A_650 = arith.constant 5.000000e-01 : f32
      %mul3A_651 = vector.broadcast %mul3A_650 : f32 to vector<1280x1xf32>
      %mul3A_652 = arith.mulf %mul3A_623, %mul3A_651 : vector<1280x1xf32>
      %add3A_653 = arith.addf %sub3A_590, %mul3A_652 : vector<1280x1xf32>
      %mul3A_654 = arith.constant 5.000000e-01 : f32
      %mul3A_655 = vector.broadcast %mul3A_654 : f32 to vector<1280x1xf32>
      %mul3A_656 = arith.mulf %mul3A_640, %mul3A_655 : vector<1280x1xf32>
      %sub3A_657 = arith.subf %sub3A_606, %mul3A_656 : vector<1280x1xf32>
      %mul3A_658 = arith.constant 5.000000e-01 : f32
      %mul3A_659 = vector.broadcast %mul3A_658 : f32 to vector<1280x1xf32>
      %mul3A_660 = arith.mulf %mul3A_640, %mul3A_659 : vector<1280x1xf32>
      %add3A_661 = arith.addf %sub3A_606, %mul3A_660 : vector<1280x1xf32>
      %mul3A_662 = arith.constant 5.000000e-01 : f32
      %mul3A_663 = vector.broadcast %mul3A_662 : f32 to vector<1280x1xf32>
      %mul3A_664 = arith.mulf %slice3A_643, %mul3A_663 : vector<1280x1xf32>
      %sub3A_665 = arith.subf %slice3A_641, %mul3A_664 : vector<1280x1xf32>
      %mul3A_666 = arith.constant 5.000000e-01 : f32
      %mul3A_667 = vector.broadcast %mul3A_666 : f32 to vector<1280x1xf32>
      %mul3A_668 = arith.mulf %slice3A_643, %mul3A_667 : vector<1280x1xf32>
      %add3A_669 = arith.addf %slice3A_641, %mul3A_668 : vector<1280x1xf32>
      %mul3A_670 = arith.constant 5.000000e-01 : f32
      %mul3A_671 = vector.broadcast %mul3A_670 : f32 to vector<1280x1xf32>
      %mul3A_672 = arith.mulf %slice3A_644, %mul3A_671 : vector<1280x1xf32>
      %sub3A_673 = arith.subf %slice3A_642, %mul3A_672 : vector<1280x1xf32>
      %mul3A_674 = arith.constant 5.000000e-01 : f32
      %mul3A_675 = vector.broadcast %mul3A_674 : f32 to vector<1280x1xf32>
      %mul3A_676 = arith.mulf %slice3A_644, %mul3A_675 : vector<1280x1xf32>
      %add3A_677 = arith.addf %slice3A_642, %mul3A_676 : vector<1280x1xf32>
      %min3A_678 = arith.minimumf %add3A_653, %add3A_669 : vector<1280x1xf32>
      %max3A_679 = arith.maximumf %sub3A_649, %sub3A_665 : vector<1280x1xf32>
      %sub3A_680 = arith.subf %min3A_678, %max3A_679 : vector<1280x1xf32>
      %jit3A_681 = arith.constant 0 : i32
      %convert_element_type3A_682 = arith.sitofp %jit3A_681 : i32 to f32
      %max3A_683 = vector.broadcast %convert_element_type3A_682 : f32 to vector<1280x1xf32>
      %max3A_684 = arith.maximumf %max3A_683, %sub3A_680 : vector<1280x1xf32>
      %min3A_685 = arith.minimumf %add3A_661, %add3A_677 : vector<1280x1xf32>
      %max3A_686 = arith.maximumf %sub3A_657, %sub3A_673 : vector<1280x1xf32>
      %sub3A_687 = arith.subf %min3A_685, %max3A_686 : vector<1280x1xf32>
      %jit3A_688 = arith.constant 0 : i32
      %convert_element_type3A_689 = arith.sitofp %jit3A_688 : i32 to f32
      %max3A_690 = vector.broadcast %convert_element_type3A_689 : f32 to vector<1280x1xf32>
      %max3A_691 = arith.maximumf %max3A_690, %sub3A_687 : vector<1280x1xf32>
      %mul3A_692 = arith.mulf %max3A_684, %max3A_691 : vector<1280x1xf32>
      %sub3A_693 = arith.subf %add3A_653, %sub3A_649 : vector<1280x1xf32>
      %sub3A_694 = arith.subf %add3A_661, %sub3A_657 : vector<1280x1xf32>
      %add3A_695 = arith.constant 1.000000e-07 : f32
      %add3A_696 = vector.broadcast %add3A_695 : f32 to vector<1280x1xf32>
      %add3A_697 = arith.addf %sub3A_694, %add3A_696 : vector<1280x1xf32>
      %sub3A_698 = arith.subf %add3A_669, %sub3A_665 : vector<1280x1xf32>
      %sub3A_699 = arith.subf %add3A_677, %sub3A_673 : vector<1280x1xf32>
      %add3A_700 = arith.constant 1.000000e-07 : f32
      %add3A_701 = vector.broadcast %add3A_700 : f32 to vector<1280x1xf32>
      %add3A_702 = arith.addf %sub3A_699, %add3A_701 : vector<1280x1xf32>
      %mul3A_703 = arith.mulf %sub3A_693, %add3A_697 : vector<1280x1xf32>
      %mul3A_704 = arith.mulf %sub3A_698, %add3A_702 : vector<1280x1xf32>
      %add3A_705 = arith.addf %mul3A_703, %mul3A_704 : vector<1280x1xf32>
      %sub3A_706 = arith.subf %add3A_705, %mul3A_692 : vector<1280x1xf32>
      %add3A_707 = arith.constant 1.000000e-07 : f32
      %add3A_708 = vector.broadcast %add3A_707 : f32 to vector<1280x1xf32>
      %add3A_709 = arith.addf %sub3A_706, %add3A_708 : vector<1280x1xf32>
      %div3A_710 = arith.divf %mul3A_692, %add3A_709 : vector<1280x1xf32>
      %max3A_711 = arith.maximumf %add3A_653, %add3A_669 : vector<1280x1xf32>
      %min3A_712 = arith.minimumf %sub3A_649, %sub3A_665 : vector<1280x1xf32>
      %sub3A_713 = arith.subf %max3A_711, %min3A_712 : vector<1280x1xf32>
      %max3A_714 = arith.maximumf %add3A_661, %add3A_677 : vector<1280x1xf32>
      %min3A_715 = arith.minimumf %sub3A_657, %sub3A_673 : vector<1280x1xf32>
      %sub3A_716 = arith.subf %max3A_714, %min3A_715 : vector<1280x1xf32>
      %mul3A_717 = arith.mulf %sub3A_713, %sub3A_713 : vector<1280x1xf32>
      %mul3A_718 = arith.mulf %sub3A_716, %sub3A_716 : vector<1280x1xf32>
      %add3A_719 = arith.addf %mul3A_717, %mul3A_718 : vector<1280x1xf32>
      %add3A_720 = arith.constant 1.000000e-07 : f32
      %add3A_721 = vector.broadcast %add3A_720 : f32 to vector<1280x1xf32>
      %add3A_722 = arith.addf %add3A_719, %add3A_721 : vector<1280x1xf32>
      %add3A_723 = arith.addf %sub3A_665, %add3A_669 : vector<1280x1xf32>
      %sub3A_724 = arith.subf %add3A_723, %sub3A_649 : vector<1280x1xf32>
      %sub3A_725 = arith.subf %sub3A_724, %add3A_653 : vector<1280x1xf32>
      %integer_pow3A_726 = arith.mulf %sub3A_725, %sub3A_725 : vector<1280x1xf32>
      %add3A_727 = arith.addf %sub3A_673, %add3A_677 : vector<1280x1xf32>
      %sub3A_728 = arith.subf %add3A_727, %sub3A_657 : vector<1280x1xf32>
      %sub3A_729 = arith.subf %sub3A_728, %add3A_661 : vector<1280x1xf32>
      %integer_pow3A_730 = arith.mulf %sub3A_729, %sub3A_729 : vector<1280x1xf32>
      %add3A_731 = arith.addf %integer_pow3A_726, %integer_pow3A_730 : vector<1280x1xf32>
      %mul3A_732 = arith.constant 2.500000e-01 : f32
      %mul3A_733 = vector.broadcast %mul3A_732 : f32 to vector<1280x1xf32>
      %mul3A_734 = arith.mulf %add3A_731, %mul3A_733 : vector<1280x1xf32>
      %div3A_735 = arith.divf %sub3A_698, %add3A_702 : vector<1280x1xf32>
      %gt3A_736 = arith.constant 1.000000e+00 : f32
      %gt3A_737 = vector.broadcast %gt3A_736 : f32 to vector<1280x1xf32>
      %gt3A_738 = arith.cmpf ogt, %div3A_735, %gt3A_737 : vector<1280x1xf32>
      %div3A_739 = arith.constant 1.000000e+00 : f32
      %div3A_740 = vector.broadcast %div3A_739 : f32 to vector<1280x1xf32>
      %div3A_741 = arith.divf %div3A_740, %div3A_735 : vector<1280x1xf32>
      %select_n3A_742 = arith.select %gt3A_738, %div3A_741, %div3A_735 : vector<1280x1xi1>, vector<1280x1xf32>
      %mul3A_743 = arith.mulf %select_n3A_742, %select_n3A_742 : vector<1280x1xf32>
      %mul3A_744 = arith.constant -1.172120e-02 : f32
      %mul3A_745 = vector.broadcast %mul3A_744 : f32 to vector<1280x1xf32>
      %mul3A_746 = arith.mulf %mul3A_743, %mul3A_745 : vector<1280x1xf32>
      %add3A_747 = arith.constant 0.0526533201 : f32
      %add3A_748 = vector.broadcast %add3A_747 : f32 to vector<1280x1xf32>
      %add3A_749 = arith.addf %add3A_748, %mul3A_746 : vector<1280x1xf32>
      %mul3A_750 = arith.mulf %mul3A_743, %add3A_749 : vector<1280x1xf32>
      %add3A_751 = arith.constant -0.116432868 : f32
      %add3A_752 = vector.broadcast %add3A_751 : f32 to vector<1280x1xf32>
      %add3A_753 = arith.addf %add3A_752, %mul3A_750 : vector<1280x1xf32>
      %mul3A_754 = arith.mulf %mul3A_743, %add3A_753 : vector<1280x1xf32>
      %add3A_755 = arith.constant 0.193543464 : f32
      %add3A_756 = vector.broadcast %add3A_755 : f32 to vector<1280x1xf32>
      %add3A_757 = arith.addf %add3A_756, %mul3A_754 : vector<1280x1xf32>
      %mul3A_758 = arith.mulf %mul3A_743, %add3A_757 : vector<1280x1xf32>
      %add3A_759 = arith.constant -0.332623482 : f32
      %add3A_760 = vector.broadcast %add3A_759 : f32 to vector<1280x1xf32>
      %add3A_761 = arith.addf %add3A_760, %mul3A_758 : vector<1280x1xf32>
      %mul3A_762 = arith.mulf %mul3A_743, %add3A_761 : vector<1280x1xf32>
      %add3A_763 = arith.constant 0.999977231 : f32
      %add3A_764 = vector.broadcast %add3A_763 : f32 to vector<1280x1xf32>
      %add3A_765 = arith.addf %add3A_764, %mul3A_762 : vector<1280x1xf32>
      %mul3A_766 = arith.mulf %select_n3A_742, %add3A_765 : vector<1280x1xf32>
      %sub3A_767 = arith.constant 1.57079637 : f32
      %sub3A_768 = vector.broadcast %sub3A_767 : f32 to vector<1280x1xf32>
      %sub3A_769 = arith.subf %sub3A_768, %mul3A_766 : vector<1280x1xf32>
      %select_n3A_770 = arith.select %gt3A_738, %sub3A_769, %mul3A_766 : vector<1280x1xi1>, vector<1280x1xf32>
      %div3A_771 = arith.divf %sub3A_693, %add3A_697 : vector<1280x1xf32>
      %gt3A_772 = arith.constant 1.000000e+00 : f32
      %gt3A_773 = vector.broadcast %gt3A_772 : f32 to vector<1280x1xf32>
      %gt3A_774 = arith.cmpf ogt, %div3A_771, %gt3A_773 : vector<1280x1xf32>
      %div3A_775 = arith.constant 1.000000e+00 : f32
      %div3A_776 = vector.broadcast %div3A_775 : f32 to vector<1280x1xf32>
      %div3A_777 = arith.divf %div3A_776, %div3A_771 : vector<1280x1xf32>
      %select_n3A_778 = arith.select %gt3A_774, %div3A_777, %div3A_771 : vector<1280x1xi1>, vector<1280x1xf32>
      %mul3A_779 = arith.mulf %select_n3A_778, %select_n3A_778 : vector<1280x1xf32>
      %mul3A_780 = arith.constant -1.172120e-02 : f32
      %mul3A_781 = vector.broadcast %mul3A_780 : f32 to vector<1280x1xf32>
      %mul3A_782 = arith.mulf %mul3A_779, %mul3A_781 : vector<1280x1xf32>
      %add3A_783 = arith.constant 0.0526533201 : f32
      %add3A_784 = vector.broadcast %add3A_783 : f32 to vector<1280x1xf32>
      %add3A_785 = arith.addf %add3A_784, %mul3A_782 : vector<1280x1xf32>
      %mul3A_786 = arith.mulf %mul3A_779, %add3A_785 : vector<1280x1xf32>
      %add3A_787 = arith.constant -0.116432868 : f32
      %add3A_788 = vector.broadcast %add3A_787 : f32 to vector<1280x1xf32>
      %add3A_789 = arith.addf %add3A_788, %mul3A_786 : vector<1280x1xf32>
      %mul3A_790 = arith.mulf %mul3A_779, %add3A_789 : vector<1280x1xf32>
      %add3A_791 = arith.constant 0.193543464 : f32
      %add3A_792 = vector.broadcast %add3A_791 : f32 to vector<1280x1xf32>
      %add3A_793 = arith.addf %add3A_792, %mul3A_790 : vector<1280x1xf32>
      %mul3A_794 = arith.mulf %mul3A_779, %add3A_793 : vector<1280x1xf32>
      %add3A_795 = arith.constant -0.332623482 : f32
      %add3A_796 = vector.broadcast %add3A_795 : f32 to vector<1280x1xf32>
      %add3A_797 = arith.addf %add3A_796, %mul3A_794 : vector<1280x1xf32>
      %mul3A_798 = arith.mulf %mul3A_779, %add3A_797 : vector<1280x1xf32>
      %add3A_799 = arith.constant 0.999977231 : f32
      %add3A_800 = vector.broadcast %add3A_799 : f32 to vector<1280x1xf32>
      %add3A_801 = arith.addf %add3A_800, %mul3A_798 : vector<1280x1xf32>
      %mul3A_802 = arith.mulf %select_n3A_778, %add3A_801 : vector<1280x1xf32>
      %sub3A_803 = arith.constant 1.57079637 : f32
      %sub3A_804 = vector.broadcast %sub3A_803 : f32 to vector<1280x1xf32>
      %sub3A_805 = arith.subf %sub3A_804, %mul3A_802 : vector<1280x1xf32>
      %select_n3A_806 = arith.select %gt3A_774, %sub3A_805, %mul3A_802 : vector<1280x1xi1>, vector<1280x1xf32>
      %sub3A_807 = arith.subf %select_n3A_770, %select_n3A_806 : vector<1280x1xf32>
      %integer_pow3A_808 = arith.mulf %sub3A_807, %sub3A_807 : vector<1280x1xf32>
      %mul3A_809 = arith.constant 0.405284733 : f32
      %mul3A_810 = vector.broadcast %mul3A_809 : f32 to vector<1280x1xf32>
      %mul3A_811 = arith.mulf %mul3A_810, %integer_pow3A_808 : vector<1280x1xf32>
      %sub3A_812 = arith.subf %mul3A_811, %div3A_710 : vector<1280x1xf32>
      %add3A_813 = arith.constant 1.00000012 : f32
      %add3A_814 = vector.broadcast %add3A_813 : f32 to vector<1280x1xf32>
      %add3A_815 = arith.addf %sub3A_812, %add3A_814 : vector<1280x1xf32>
      %div3A_816 = arith.divf %mul3A_811, %add3A_815 : vector<1280x1xf32>
      %div3A_817 = arith.divf %mul3A_734, %add3A_722 : vector<1280x1xf32>
      %mul3A_818 = arith.mulf %mul3A_811, %div3A_816 : vector<1280x1xf32>
      %add3A_819 = arith.addf %div3A_817, %mul3A_818 : vector<1280x1xf32>
      %sub3A_820 = arith.subf %div3A_710, %add3A_819 : vector<1280x1xf32>
      %sub3A_821 = arith.constant 1.000000e+00 : f32
      %sub3A_822 = vector.broadcast %sub3A_821 : f32 to vector<1280x1xf32>
      %sub3A_823 = arith.subf %sub3A_822, %sub3A_820 : vector<1280x1xf32>
      %mul3A_824 = arith.mulf %slice3A_645, %sub3A_823 : vector<1280x1xf32>
      %reduce_sum3A_825 = vector.shape_cast %mul3A_824 : vector<1280x1xf32> to vector<1x1280x1xf32>
      %reduce_sum3A_826 = arith.constant dense<0.000000e+00> : vector<1xf32>
      %reduce_sum3A_827 = vector.multi_reduction <add>, %reduce_sum3A_825, %reduce_sum3A_826 [1, 2] : vector<1x1280x1xf32> to vector<1xf32>
      %reduce_sum3A_828 = vector.shape_cast %reduce_sum3A_827 : vector<1xf32> to vector<1x1x1xf32>
      %reduce_sum3A_829 = vector.extract %reduce_sum3A_828[0, 0, 0] : f32 from vector<1x1x1xf32>
      %swap3A_830 = arith.constant 7 : index
      %swap3A_831 = memref.load %arg15[%swap3A_830] : memref<16xf32, #tpu.memory_space<smem>>
      memref.store %reduce_sum3A_829, %arg15[%swap3A_830] : memref<16xf32, #tpu.memory_space<smem>>
      %reduce_sum3A_832 = vector.shape_cast %slice3A_645 : vector<1280x1xf32> to vector<1x1280x1xf32>
      %reduce_sum3A_833 = arith.constant dense<0.000000e+00> : vector<1xf32>
      %reduce_sum3A_834 = vector.multi_reduction <add>, %reduce_sum3A_832, %reduce_sum3A_833 [1, 2] : vector<1x1280x1xf32> to vector<1xf32>
      %reduce_sum3A_835 = vector.shape_cast %reduce_sum3A_834 : vector<1xf32> to vector<1x1x1xf32>
      %reduce_sum3A_836 = vector.extract %reduce_sum3A_835[0, 0, 0] : f32 from vector<1x1x1xf32>
      %swap3A_837 = arith.constant 8 : index
      %swap3A_838 = memref.load %arg15[%swap3A_837] : memref<16xf32, #tpu.memory_space<smem>>
      memref.store %reduce_sum3A_836, %arg15[%swap3A_837] : memref<16xf32, #tpu.memory_space<smem>>
      %sub3A_839 = arith.subf %dot_general3A_522, %dot_general3A_534 : vector<1280x1xf32>
      %mul3A_840 = arith.mulf %slice3A_645, %sub3A_839 : vector<1280x1xf32>
      %reduce_sum3A_841 = vector.shape_cast %mul3A_840 : vector<1280x1xf32> to vector<1x1280x1xf32>
      %reduce_sum3A_842 = arith.constant dense<0.000000e+00> : vector<1xf32>
      %reduce_sum3A_843 = vector.multi_reduction <add>, %reduce_sum3A_841, %reduce_sum3A_842 [1, 2] : vector<1x1280x1xf32> to vector<1xf32>
      %reduce_sum3A_844 = vector.shape_cast %reduce_sum3A_843 : vector<1xf32> to vector<1x1x1xf32>
      %reduce_sum3A_845 = vector.extract %reduce_sum3A_844[0, 0, 0] : f32 from vector<1x1x1xf32>
      %swap3A_846 = arith.constant 9 : index
      %swap3A_847 = memref.load %arg15[%swap3A_846] : memref<16xf32, #tpu.memory_space<smem>>
      memref.store %reduce_sum3A_845, %arg15[%swap3A_846] : memref<16xf32, #tpu.memory_space<smem>>
      %gt3A_848 = arith.constant 0.000000e+00 : f32
      %gt3A_849 = vector.broadcast %gt3A_848 : f32 to vector<1280x1xf32>
      %gt3A_850 = arith.cmpf ogt, %slice3A_645, %gt3A_849 : vector<1280x1xf32>
      %jit3A_851 = arith.constant 1.000000e+00 : f32
      %jit3A_852 = arith.constant 0.000000e+00 : f32
      %broadcast_in_dim3A_853 = vector.broadcast %jit3A_851 : f32 to vector<1280x1xf32>
      %broadcast_in_dim3A_854 = vector.broadcast %jit3A_852 : f32 to vector<1280x1xf32>
      %select_n3A_855 = arith.select %gt3A_850, %broadcast_in_dim3A_853, %broadcast_in_dim3A_854 : vector<1280x1xi1>, vector<1280x1xf32>
      %mul3A_856 = arith.mulf %select_n3A_855, %dot_general3A_574 : vector<1280x1xf32>
      %jit3A_857 = arith.constant 0.000000e+00 : f32
      %max3A_858 = vector.broadcast %jit3A_857 : f32 to vector<1280x1xf32>
      %max3A_859 = arith.maximumf %max3A_858, %sub3A_820 : vector<1280x1xf32>
      %mul3A_860 = arith.mulf %mul3A_856, %max3A_859 : vector<1280x1xf32>
      %reduce_sum3A_861 = vector.shape_cast %mul3A_860 : vector<1280x1xf32> to vector<1x1280x1xf32>
      %reduce_sum3A_862 = arith.constant dense<0.000000e+00> : vector<1xf32>
      %reduce_sum3A_863 = vector.multi_reduction <add>, %reduce_sum3A_861, %reduce_sum3A_862 [1, 2] : vector<1x1280x1xf32> to vector<1xf32>
      %reduce_sum3A_864 = vector.shape_cast %reduce_sum3A_863 : vector<1xf32> to vector<1x1x1xf32>
      %reduce_sum3A_865 = vector.extract %reduce_sum3A_864[0, 0, 0] : f32 from vector<1x1x1xf32>
      %swap3A_866 = arith.constant 10 : index
      %swap3A_867 = memref.load %arg15[%swap3A_866] : memref<16xf32, #tpu.memory_space<smem>>
      memref.store %reduce_sum3A_865, %arg15[%swap3A_866] : memref<16xf32, #tpu.memory_space<smem>>
      %slice3A_868 = vector.extract_strided_slice %get3A_108 {offsets = [2, 0, 0], sizes = [1, 1280, 8], strides = [1, 1, 1]} : vector<3x1280x8xf32> to vector<1x1280x8xf32>
      %squeeze3A_869 = vector.shape_cast %slice3A_868 : vector<1x1280x8xf32> to vector<1280x8xf32>
      %get3A_870 = arith.constant 0 : index
      %get3A_871 = arith.constant 0 : index
      %get3A_872 = vector.load %arg12[%get3A_870, %get3A_871] : memref<1280x256xf32, #tpu.memory_space<vmem>>, vector<1280x256xf32>
      %iota3A_873 = tpu.iota {dimensions = array<i32: 1>} : vector<1280x256xi32>
      %iota3A_874 = tpu.iota {dimensions = array<i32: 0>} : vector<256x8xi32>
      %ge3A_875 = arith.constant 0 : i32
      %ge3A_876 = vector.broadcast %ge3A_875 : i32 to vector<256x8xi32>
      %ge3A_877 = arith.cmpi sge, %iota3A_874, %ge3A_876 : vector<256x8xi32>
      %convert_element_type3A_878 = arith.extui %ge3A_877 : vector<256x8xi1> to vector<256x8xi32>
      %convert_element_type3A_879 = arith.sitofp %convert_element_type3A_878 : vector<256x8xi32> to vector<256x8xf32>
      %slice3A_880 = vector.extract_strided_slice %convert_element_type3A_879 {offsets = [0, 0], sizes = [256, 1], strides = [1, 1]} : vector<256x8xf32> to vector<256x1xf32>
      %slice3A_881 = vector.extract_strided_slice %squeeze3A_869 {offsets = [0, 6], sizes = [1280, 1], strides = [1, 1]} : vector<1280x8xf32> to vector<1280x1xf32>
      %convert_element_type3A_882 = arith.fptosi %slice3A_881 : vector<1280x1xf32> to vector<1280x1xi32>
      %sub3A_883 = vector.broadcast %convert_element_type3A_882 : vector<1280x1xi32> to vector<1280x256xi32>
      %sub3A_884 = arith.subi %iota3A_873, %sub3A_883 : vector<1280x256xi32>
      %max3A_885 = arith.constant 0.000000e+00 : f32
      %max3A_886 = vector.broadcast %max3A_885 : f32 to vector<1280x256xf32>
      %max3A_887 = arith.maximumf %get3A_872, %max3A_886 : vector<1280x256xf32>
      %abs3A_888 = math.absf %get3A_872 : vector<1280x256xf32>
      %neg3A_889 = arith.constant 0.000000e+00 : f32
      %neg3A_890 = vector.broadcast %neg3A_889 : f32 to vector<1280x256xf32>
      %neg3A_891 = arith.subf %neg3A_890, %abs3A_888 : vector<1280x256xf32>
      %exp3A_892 = math.exp %neg3A_891 : vector<1280x256xf32>
      %log1p3A_893 = math.log1p %exp3A_892 : vector<1280x256xf32>
      %add3A_894 = arith.addf %max3A_887, %log1p3A_893 : vector<1280x256xf32>
      %ge3A_895 = arith.constant 5 : i32
      %ge3A_896 = vector.broadcast %ge3A_895 : i32 to vector<1280x256xi32>
      %ge3A_897 = arith.cmpi sge, %sub3A_884, %ge3A_896 : vector<1280x256xi32>
      %lt3A_898 = arith.constant 85 : i32
      %lt3A_899 = vector.broadcast %lt3A_898 : i32 to vector<1280x256xi32>
      %lt3A_900 = arith.cmpi slt, %sub3A_884, %lt3A_899 : vector<1280x256xi32>
      %and3A_901 = arith.andi %ge3A_897, %lt3A_900 : vector<1280x256xi1>
      %jit3A_902 = arith.constant 0.000000e+00 : f32
      %broadcast_in_dim3A_903 = vector.broadcast %jit3A_902 : f32 to vector<1280x256xf32>
      %select_n3A_904 = arith.select %and3A_901, %add3A_894, %broadcast_in_dim3A_903 : vector<1280x256xi1>, vector<1280x256xf32>
      %dot_general3A_905 = arith.constant dense<0.000000e+00> : vector<1280x1xf32>
      %dot_general3A_906 = tpu.matmul %select_n3A_904, %slice3A_880, %dot_general3A_905 {dimension_numbers = #tpu.dot_dimension_numbers<[1], [0], [0], [1], [0, 0, 1, 1], [], []>, transpose_lhs_hint = false} : vector<1280x256xf32>, vector<256x1xf32>, vector<1280x1xf32> -> vector<1280x1xf32>
      %slice3A_907 = vector.extract_strided_slice %squeeze3A_869 {offsets = [0, 5], sizes = [1280, 1], strides = [1, 1]} : vector<1280x8xf32> to vector<1280x1xf32>
      %convert_element_type3A_908 = arith.fptosi %slice3A_907 : vector<1280x1xf32> to vector<1280x1xi32>
      %add3A_909 = arith.constant 5 : i32
      %add3A_910 = vector.broadcast %add3A_909 : i32 to vector<1280x1xi32>
      %add3A_911 = arith.addi %convert_element_type3A_908, %add3A_910 : vector<1280x1xi32>
      %eq3A_912 = vector.broadcast %add3A_911 : vector<1280x1xi32> to vector<1280x256xi32>
      %eq3A_913 = arith.cmpi eq, %sub3A_884, %eq3A_912 : vector<1280x256xi32>
      %jit3A_914 = arith.constant 0.000000e+00 : f32
      %broadcast_in_dim3A_915 = vector.broadcast %jit3A_914 : f32 to vector<1280x256xf32>
      %select_n3A_916 = arith.select %eq3A_913, %get3A_872, %broadcast_in_dim3A_915 : vector<1280x256xi1>, vector<1280x256xf32>
      %dot_general3A_917 = arith.constant dense<0.000000e+00> : vector<1280x1xf32>
      %dot_general3A_918 = tpu.matmul %select_n3A_916, %slice3A_880, %dot_general3A_917 {dimension_numbers = #tpu.dot_dimension_numbers<[1], [0], [0], [1], [0, 0, 1, 1], [], []>, transpose_lhs_hint = false} : vector<1280x256xf32>, vector<256x1xf32>, vector<1280x1xf32> -> vector<1280x1xf32>
      %eq3A_919 = arith.constant 0 : i32
      %eq3A_920 = vector.broadcast %eq3A_919 : i32 to vector<1280x256xi32>
      %eq3A_921 = arith.cmpi eq, %sub3A_884, %eq3A_920 : vector<1280x256xi32>
      %jit3A_922 = arith.constant 0.000000e+00 : f32
      %broadcast_in_dim3A_923 = vector.broadcast %jit3A_922 : f32 to vector<1280x256xf32>
      %select_n3A_924 = arith.select %eq3A_921, %get3A_872, %broadcast_in_dim3A_923 : vector<1280x256xi1>, vector<1280x256xf32>
      %dot_general3A_925 = arith.constant dense<0.000000e+00> : vector<1280x1xf32>
      %dot_general3A_926 = tpu.matmul %select_n3A_924, %slice3A_880, %dot_general3A_925 {dimension_numbers = #tpu.dot_dimension_numbers<[1], [0], [0], [1], [0, 0, 1, 1], [], []>, transpose_lhs_hint = false} : vector<1280x256xf32>, vector<256x1xf32>, vector<1280x1xf32> -> vector<1280x1xf32>
      %eq3A_927 = arith.constant 1 : i32
      %eq3A_928 = vector.broadcast %eq3A_927 : i32 to vector<1280x256xi32>
      %eq3A_929 = arith.cmpi eq, %sub3A_884, %eq3A_928 : vector<1280x256xi32>
      %jit3A_930 = arith.constant 0.000000e+00 : f32
      %broadcast_in_dim3A_931 = vector.broadcast %jit3A_930 : f32 to vector<1280x256xf32>
      %select_n3A_932 = arith.select %eq3A_929, %get3A_872, %broadcast_in_dim3A_931 : vector<1280x256xi1>, vector<1280x256xf32>
      %dot_general3A_933 = arith.constant dense<0.000000e+00> : vector<1280x1xf32>
      %dot_general3A_934 = tpu.matmul %select_n3A_932, %slice3A_880, %dot_general3A_933 {dimension_numbers = #tpu.dot_dimension_numbers<[1], [0], [0], [1], [0, 0, 1, 1], [], []>, transpose_lhs_hint = false} : vector<1280x256xf32>, vector<256x1xf32>, vector<1280x1xf32> -> vector<1280x1xf32>
      %eq3A_935 = arith.constant 2 : i32
      %eq3A_936 = vector.broadcast %eq3A_935 : i32 to vector<1280x256xi32>
      %eq3A_937 = arith.cmpi eq, %sub3A_884, %eq3A_936 : vector<1280x256xi32>
      %jit3A_938 = arith.constant 0.000000e+00 : f32
      %broadcast_in_dim3A_939 = vector.broadcast %jit3A_938 : f32 to vector<1280x256xf32>
      %select_n3A_940 = arith.select %eq3A_937, %get3A_872, %broadcast_in_dim3A_939 : vector<1280x256xi1>, vector<1280x256xf32>
      %dot_general3A_941 = arith.constant dense<0.000000e+00> : vector<1280x1xf32>
      %dot_general3A_942 = tpu.matmul %select_n3A_940, %slice3A_880, %dot_general3A_941 {dimension_numbers = #tpu.dot_dimension_numbers<[1], [0], [0], [1], [0, 0, 1, 1], [], []>, transpose_lhs_hint = false} : vector<1280x256xf32>, vector<256x1xf32>, vector<1280x1xf32> -> vector<1280x1xf32>
      %eq3A_943 = arith.constant 3 : i32
      %eq3A_944 = vector.broadcast %eq3A_943 : i32 to vector<1280x256xi32>
      %eq3A_945 = arith.cmpi eq, %sub3A_884, %eq3A_944 : vector<1280x256xi32>
      %jit3A_946 = arith.constant 0.000000e+00 : f32
      %broadcast_in_dim3A_947 = vector.broadcast %jit3A_946 : f32 to vector<1280x256xf32>
      %select_n3A_948 = arith.select %eq3A_945, %get3A_872, %broadcast_in_dim3A_947 : vector<1280x256xi1>, vector<1280x256xf32>
      %dot_general3A_949 = arith.constant dense<0.000000e+00> : vector<1280x1xf32>
      %dot_general3A_950 = tpu.matmul %select_n3A_948, %slice3A_880, %dot_general3A_949 {dimension_numbers = #tpu.dot_dimension_numbers<[1], [0], [0], [1], [0, 0, 1, 1], [], []>, transpose_lhs_hint = false} : vector<1280x256xf32>, vector<256x1xf32>, vector<1280x1xf32> -> vector<1280x1xf32>
      %eq3A_951 = arith.constant 4 : i32
      %eq3A_952 = vector.broadcast %eq3A_951 : i32 to vector<1280x256xi32>
      %eq3A_953 = arith.cmpi eq, %sub3A_884, %eq3A_952 : vector<1280x256xi32>
      %jit3A_954 = arith.constant 0.000000e+00 : f32
      %broadcast_in_dim3A_955 = vector.broadcast %jit3A_954 : f32 to vector<1280x256xf32>
      %select_n3A_956 = arith.select %eq3A_953, %get3A_872, %broadcast_in_dim3A_955 : vector<1280x256xi1>, vector<1280x256xf32>
      %dot_general3A_957 = arith.constant dense<0.000000e+00> : vector<1280x1xf32>
      %dot_general3A_958 = tpu.matmul %select_n3A_956, %slice3A_880, %dot_general3A_957 {dimension_numbers = #tpu.dot_dimension_numbers<[1], [0], [0], [1], [0, 0, 1, 1], [], []>, transpose_lhs_hint = false} : vector<1280x256xf32>, vector<256x1xf32>, vector<1280x1xf32> -> vector<1280x1xf32>
      %neg3A_959 = arith.constant 0.000000e+00 : f32
      %neg3A_960 = vector.broadcast %neg3A_959 : f32 to vector<1280x1xf32>
      %neg3A_961 = arith.subf %neg3A_960, %dot_general3A_926 : vector<1280x1xf32>
      %exp3A_962 = math.exp %neg3A_961 : vector<1280x1xf32>
      %add3A_963 = arith.constant 1.000000e+00 : f32
      %add3A_964 = vector.broadcast %add3A_963 : f32 to vector<1280x1xf32>
      %add3A_965 = arith.addf %add3A_964, %exp3A_962 : vector<1280x1xf32>
      %div3A_966 = arith.constant 1.000000e+00 : f32
      %div3A_967 = vector.broadcast %div3A_966 : f32 to vector<1280x1xf32>
      %div3A_968 = arith.divf %div3A_967, %add3A_965 : vector<1280x1xf32>
      %mul3A_969 = arith.constant 2.000000e+00 : f32
      %mul3A_970 = vector.broadcast %mul3A_969 : f32 to vector<1280x1xf32>
      %mul3A_971 = arith.mulf %div3A_968, %mul3A_970 : vector<1280x1xf32>
      %sub3A_972 = arith.constant 5.000000e-01 : f32
      %sub3A_973 = vector.broadcast %sub3A_972 : f32 to vector<1280x1xf32>
      %sub3A_974 = arith.subf %mul3A_971, %sub3A_973 : vector<1280x1xf32>
      %neg3A_975 = arith.constant 0.000000e+00 : f32
      %neg3A_976 = vector.broadcast %neg3A_975 : f32 to vector<1280x1xf32>
      %neg3A_977 = arith.subf %neg3A_976, %dot_general3A_934 : vector<1280x1xf32>
      %exp3A_978 = math.exp %neg3A_977 : vector<1280x1xf32>
      %add3A_979 = arith.constant 1.000000e+00 : f32
      %add3A_980 = vector.broadcast %add3A_979 : f32 to vector<1280x1xf32>
      %add3A_981 = arith.addf %add3A_980, %exp3A_978 : vector<1280x1xf32>
      %div3A_982 = arith.constant 1.000000e+00 : f32
      %div3A_983 = vector.broadcast %div3A_982 : f32 to vector<1280x1xf32>
      %div3A_984 = arith.divf %div3A_983, %add3A_981 : vector<1280x1xf32>
      %mul3A_985 = arith.constant 2.000000e+00 : f32
      %mul3A_986 = vector.broadcast %mul3A_985 : f32 to vector<1280x1xf32>
      %mul3A_987 = arith.mulf %div3A_984, %mul3A_986 : vector<1280x1xf32>
      %sub3A_988 = arith.constant 5.000000e-01 : f32
      %sub3A_989 = vector.broadcast %sub3A_988 : f32 to vector<1280x1xf32>
      %sub3A_990 = arith.subf %mul3A_987, %sub3A_989 : vector<1280x1xf32>
      %neg3A_991 = arith.constant 0.000000e+00 : f32
      %neg3A_992 = vector.broadcast %neg3A_991 : f32 to vector<1280x1xf32>
      %neg3A_993 = arith.subf %neg3A_992, %dot_general3A_942 : vector<1280x1xf32>
      %exp3A_994 = math.exp %neg3A_993 : vector<1280x1xf32>
      %add3A_995 = arith.constant 1.000000e+00 : f32
      %add3A_996 = vector.broadcast %add3A_995 : f32 to vector<1280x1xf32>
      %add3A_997 = arith.addf %add3A_996, %exp3A_994 : vector<1280x1xf32>
      %div3A_998 = arith.constant 1.000000e+00 : f32
      %div3A_999 = vector.broadcast %div3A_998 : f32 to vector<1280x1xf32>
      %div3A_1000 = arith.divf %div3A_999, %add3A_997 : vector<1280x1xf32>
      %mul3A_1001 = arith.constant 2.000000e+00 : f32
      %mul3A_1002 = vector.broadcast %mul3A_1001 : f32 to vector<1280x1xf32>
      %mul3A_1003 = arith.mulf %div3A_1000, %mul3A_1002 : vector<1280x1xf32>
      %integer_pow3A_1004 = arith.mulf %mul3A_1003, %mul3A_1003 : vector<1280x1xf32>
      %mul3A_1005 = arith.constant 3.625000e+00 : f32
      %mul3A_1006 = vector.broadcast %mul3A_1005 : f32 to vector<1280x1xf32>
      %mul3A_1007 = arith.mulf %integer_pow3A_1004, %mul3A_1006 : vector<1280x1xf32>
      %neg3A_1008 = arith.constant 0.000000e+00 : f32
      %neg3A_1009 = vector.broadcast %neg3A_1008 : f32 to vector<1280x1xf32>
      %neg3A_1010 = arith.subf %neg3A_1009, %dot_general3A_950 : vector<1280x1xf32>
      %exp3A_1011 = math.exp %neg3A_1010 : vector<1280x1xf32>
      %add3A_1012 = arith.constant 1.000000e+00 : f32
      %add3A_1013 = vector.broadcast %add3A_1012 : f32 to vector<1280x1xf32>
      %add3A_1014 = arith.addf %add3A_1013, %exp3A_1011 : vector<1280x1xf32>
      %div3A_1015 = arith.constant 1.000000e+00 : f32
      %div3A_1016 = vector.broadcast %div3A_1015 : f32 to vector<1280x1xf32>
      %div3A_1017 = arith.divf %div3A_1016, %add3A_1014 : vector<1280x1xf32>
      %mul3A_1018 = arith.constant 2.000000e+00 : f32
      %mul3A_1019 = vector.broadcast %mul3A_1018 : f32 to vector<1280x1xf32>
      %mul3A_1020 = arith.mulf %div3A_1017, %mul3A_1019 : vector<1280x1xf32>
      %integer_pow3A_1021 = arith.mulf %mul3A_1020, %mul3A_1020 : vector<1280x1xf32>
      %mul3A_1022 = arith.constant 2.812500e+00 : f32
      %mul3A_1023 = vector.broadcast %mul3A_1022 : f32 to vector<1280x1xf32>
      %mul3A_1024 = arith.mulf %integer_pow3A_1021, %mul3A_1023 : vector<1280x1xf32>
      %slice3A_1025 = vector.extract_strided_slice %squeeze3A_869 {offsets = [0, 0], sizes = [1280, 1], strides = [1, 1]} : vector<1280x8xf32> to vector<1280x1xf32>
      %slice3A_1026 = vector.extract_strided_slice %squeeze3A_869 {offsets = [0, 1], sizes = [1280, 1], strides = [1, 1]} : vector<1280x8xf32> to vector<1280x1xf32>
      %slice3A_1027 = vector.extract_strided_slice %squeeze3A_869 {offsets = [0, 2], sizes = [1280, 1], strides = [1, 1]} : vector<1280x8xf32> to vector<1280x1xf32>
      %slice3A_1028 = vector.extract_strided_slice %squeeze3A_869 {offsets = [0, 3], sizes = [1280, 1], strides = [1, 1]} : vector<1280x8xf32> to vector<1280x1xf32>
      %slice3A_1029 = vector.extract_strided_slice %squeeze3A_869 {offsets = [0, 4], sizes = [1280, 1], strides = [1, 1]} : vector<1280x8xf32> to vector<1280x1xf32>
      %mul3A_1030 = arith.constant 5.000000e-01 : f32
      %mul3A_1031 = vector.broadcast %mul3A_1030 : f32 to vector<1280x1xf32>
      %mul3A_1032 = arith.mulf %mul3A_1007, %mul3A_1031 : vector<1280x1xf32>
      %sub3A_1033 = arith.subf %sub3A_974, %mul3A_1032 : vector<1280x1xf32>
      %mul3A_1034 = arith.constant 5.000000e-01 : f32
      %mul3A_1035 = vector.broadcast %mul3A_1034 : f32 to vector<1280x1xf32>
      %mul3A_1036 = arith.mulf %mul3A_1007, %mul3A_1035 : vector<1280x1xf32>
      %add3A_1037 = arith.addf %sub3A_974, %mul3A_1036 : vector<1280x1xf32>
      %mul3A_1038 = arith.constant 5.000000e-01 : f32
      %mul3A_1039 = vector.broadcast %mul3A_1038 : f32 to vector<1280x1xf32>
      %mul3A_1040 = arith.mulf %mul3A_1024, %mul3A_1039 : vector<1280x1xf32>
      %sub3A_1041 = arith.subf %sub3A_990, %mul3A_1040 : vector<1280x1xf32>
      %mul3A_1042 = arith.constant 5.000000e-01 : f32
      %mul3A_1043 = vector.broadcast %mul3A_1042 : f32 to vector<1280x1xf32>
      %mul3A_1044 = arith.mulf %mul3A_1024, %mul3A_1043 : vector<1280x1xf32>
      %add3A_1045 = arith.addf %sub3A_990, %mul3A_1044 : vector<1280x1xf32>
      %mul3A_1046 = arith.constant 5.000000e-01 : f32
      %mul3A_1047 = vector.broadcast %mul3A_1046 : f32 to vector<1280x1xf32>
      %mul3A_1048 = arith.mulf %slice3A_1027, %mul3A_1047 : vector<1280x1xf32>
      %sub3A_1049 = arith.subf %slice3A_1025, %mul3A_1048 : vector<1280x1xf32>
      %mul3A_1050 = arith.constant 5.000000e-01 : f32
      %mul3A_1051 = vector.broadcast %mul3A_1050 : f32 to vector<1280x1xf32>
      %mul3A_1052 = arith.mulf %slice3A_1027, %mul3A_1051 : vector<1280x1xf32>
      %add3A_1053 = arith.addf %slice3A_1025, %mul3A_1052 : vector<1280x1xf32>
      %mul3A_1054 = arith.constant 5.000000e-01 : f32
      %mul3A_1055 = vector.broadcast %mul3A_1054 : f32 to vector<1280x1xf32>
      %mul3A_1056 = arith.mulf %slice3A_1028, %mul3A_1055 : vector<1280x1xf32>
      %sub3A_1057 = arith.subf %slice3A_1026, %mul3A_1056 : vector<1280x1xf32>
      %mul3A_1058 = arith.constant 5.000000e-01 : f32
      %mul3A_1059 = vector.broadcast %mul3A_1058 : f32 to vector<1280x1xf32>
      %mul3A_1060 = arith.mulf %slice3A_1028, %mul3A_1059 : vector<1280x1xf32>
      %add3A_1061 = arith.addf %slice3A_1026, %mul3A_1060 : vector<1280x1xf32>
      %min3A_1062 = arith.minimumf %add3A_1037, %add3A_1053 : vector<1280x1xf32>
      %max3A_1063 = arith.maximumf %sub3A_1033, %sub3A_1049 : vector<1280x1xf32>
      %sub3A_1064 = arith.subf %min3A_1062, %max3A_1063 : vector<1280x1xf32>
      %jit3A_1065 = arith.constant 0 : i32
      %convert_element_type3A_1066 = arith.sitofp %jit3A_1065 : i32 to f32
      %max3A_1067 = vector.broadcast %convert_element_type3A_1066 : f32 to vector<1280x1xf32>
      %max3A_1068 = arith.maximumf %max3A_1067, %sub3A_1064 : vector<1280x1xf32>
      %min3A_1069 = arith.minimumf %add3A_1045, %add3A_1061 : vector<1280x1xf32>
      %max3A_1070 = arith.maximumf %sub3A_1041, %sub3A_1057 : vector<1280x1xf32>
      %sub3A_1071 = arith.subf %min3A_1069, %max3A_1070 : vector<1280x1xf32>
      %jit3A_1072 = arith.constant 0 : i32
      %convert_element_type3A_1073 = arith.sitofp %jit3A_1072 : i32 to f32
      %max3A_1074 = vector.broadcast %convert_element_type3A_1073 : f32 to vector<1280x1xf32>
      %max3A_1075 = arith.maximumf %max3A_1074, %sub3A_1071 : vector<1280x1xf32>
      %mul3A_1076 = arith.mulf %max3A_1068, %max3A_1075 : vector<1280x1xf32>
      %sub3A_1077 = arith.subf %add3A_1037, %sub3A_1033 : vector<1280x1xf32>
      %sub3A_1078 = arith.subf %add3A_1045, %sub3A_1041 : vector<1280x1xf32>
      %add3A_1079 = arith.constant 1.000000e-07 : f32
      %add3A_1080 = vector.broadcast %add3A_1079 : f32 to vector<1280x1xf32>
      %add3A_1081 = arith.addf %sub3A_1078, %add3A_1080 : vector<1280x1xf32>
      %sub3A_1082 = arith.subf %add3A_1053, %sub3A_1049 : vector<1280x1xf32>
      %sub3A_1083 = arith.subf %add3A_1061, %sub3A_1057 : vector<1280x1xf32>
      %add3A_1084 = arith.constant 1.000000e-07 : f32
      %add3A_1085 = vector.broadcast %add3A_1084 : f32 to vector<1280x1xf32>
      %add3A_1086 = arith.addf %sub3A_1083, %add3A_1085 : vector<1280x1xf32>
      %mul3A_1087 = arith.mulf %sub3A_1077, %add3A_1081 : vector<1280x1xf32>
      %mul3A_1088 = arith.mulf %sub3A_1082, %add3A_1086 : vector<1280x1xf32>
      %add3A_1089 = arith.addf %mul3A_1087, %mul3A_1088 : vector<1280x1xf32>
      %sub3A_1090 = arith.subf %add3A_1089, %mul3A_1076 : vector<1280x1xf32>
      %add3A_1091 = arith.constant 1.000000e-07 : f32
      %add3A_1092 = vector.broadcast %add3A_1091 : f32 to vector<1280x1xf32>
      %add3A_1093 = arith.addf %sub3A_1090, %add3A_1092 : vector<1280x1xf32>
      %div3A_1094 = arith.divf %mul3A_1076, %add3A_1093 : vector<1280x1xf32>
      %max3A_1095 = arith.maximumf %add3A_1037, %add3A_1053 : vector<1280x1xf32>
      %min3A_1096 = arith.minimumf %sub3A_1033, %sub3A_1049 : vector<1280x1xf32>
      %sub3A_1097 = arith.subf %max3A_1095, %min3A_1096 : vector<1280x1xf32>
      %max3A_1098 = arith.maximumf %add3A_1045, %add3A_1061 : vector<1280x1xf32>
      %min3A_1099 = arith.minimumf %sub3A_1041, %sub3A_1057 : vector<1280x1xf32>
      %sub3A_1100 = arith.subf %max3A_1098, %min3A_1099 : vector<1280x1xf32>
      %mul3A_1101 = arith.mulf %sub3A_1097, %sub3A_1097 : vector<1280x1xf32>
      %mul3A_1102 = arith.mulf %sub3A_1100, %sub3A_1100 : vector<1280x1xf32>
      %add3A_1103 = arith.addf %mul3A_1101, %mul3A_1102 : vector<1280x1xf32>
      %add3A_1104 = arith.constant 1.000000e-07 : f32
      %add3A_1105 = vector.broadcast %add3A_1104 : f32 to vector<1280x1xf32>
      %add3A_1106 = arith.addf %add3A_1103, %add3A_1105 : vector<1280x1xf32>
      %add3A_1107 = arith.addf %sub3A_1049, %add3A_1053 : vector<1280x1xf32>
      %sub3A_1108 = arith.subf %add3A_1107, %sub3A_1033 : vector<1280x1xf32>
      %sub3A_1109 = arith.subf %sub3A_1108, %add3A_1037 : vector<1280x1xf32>
      %integer_pow3A_1110 = arith.mulf %sub3A_1109, %sub3A_1109 : vector<1280x1xf32>
      %add3A_1111 = arith.addf %sub3A_1057, %add3A_1061 : vector<1280x1xf32>
      %sub3A_1112 = arith.subf %add3A_1111, %sub3A_1041 : vector<1280x1xf32>
      %sub3A_1113 = arith.subf %sub3A_1112, %add3A_1045 : vector<1280x1xf32>
      %integer_pow3A_1114 = arith.mulf %sub3A_1113, %sub3A_1113 : vector<1280x1xf32>
      %add3A_1115 = arith.addf %integer_pow3A_1110, %integer_pow3A_1114 : vector<1280x1xf32>
      %mul3A_1116 = arith.constant 2.500000e-01 : f32
      %mul3A_1117 = vector.broadcast %mul3A_1116 : f32 to vector<1280x1xf32>
      %mul3A_1118 = arith.mulf %add3A_1115, %mul3A_1117 : vector<1280x1xf32>
      %div3A_1119 = arith.divf %sub3A_1082, %add3A_1086 : vector<1280x1xf32>
      %gt3A_1120 = arith.constant 1.000000e+00 : f32
      %gt3A_1121 = vector.broadcast %gt3A_1120 : f32 to vector<1280x1xf32>
      %gt3A_1122 = arith.cmpf ogt, %div3A_1119, %gt3A_1121 : vector<1280x1xf32>
      %div3A_1123 = arith.constant 1.000000e+00 : f32
      %div3A_1124 = vector.broadcast %div3A_1123 : f32 to vector<1280x1xf32>
      %div3A_1125 = arith.divf %div3A_1124, %div3A_1119 : vector<1280x1xf32>
      %select_n3A_1126 = arith.select %gt3A_1122, %div3A_1125, %div3A_1119 : vector<1280x1xi1>, vector<1280x1xf32>
      %mul3A_1127 = arith.mulf %select_n3A_1126, %select_n3A_1126 : vector<1280x1xf32>
      %mul3A_1128 = arith.constant -1.172120e-02 : f32
      %mul3A_1129 = vector.broadcast %mul3A_1128 : f32 to vector<1280x1xf32>
      %mul3A_1130 = arith.mulf %mul3A_1127, %mul3A_1129 : vector<1280x1xf32>
      %add3A_1131 = arith.constant 0.0526533201 : f32
      %add3A_1132 = vector.broadcast %add3A_1131 : f32 to vector<1280x1xf32>
      %add3A_1133 = arith.addf %add3A_1132, %mul3A_1130 : vector<1280x1xf32>
      %mul3A_1134 = arith.mulf %mul3A_1127, %add3A_1133 : vector<1280x1xf32>
      %add3A_1135 = arith.constant -0.116432868 : f32
      %add3A_1136 = vector.broadcast %add3A_1135 : f32 to vector<1280x1xf32>
      %add3A_1137 = arith.addf %add3A_1136, %mul3A_1134 : vector<1280x1xf32>
      %mul3A_1138 = arith.mulf %mul3A_1127, %add3A_1137 : vector<1280x1xf32>
      %add3A_1139 = arith.constant 0.193543464 : f32
      %add3A_1140 = vector.broadcast %add3A_1139 : f32 to vector<1280x1xf32>
      %add3A_1141 = arith.addf %add3A_1140, %mul3A_1138 : vector<1280x1xf32>
      %mul3A_1142 = arith.mulf %mul3A_1127, %add3A_1141 : vector<1280x1xf32>
      %add3A_1143 = arith.constant -0.332623482 : f32
      %add3A_1144 = vector.broadcast %add3A_1143 : f32 to vector<1280x1xf32>
      %add3A_1145 = arith.addf %add3A_1144, %mul3A_1142 : vector<1280x1xf32>
      %mul3A_1146 = arith.mulf %mul3A_1127, %add3A_1145 : vector<1280x1xf32>
      %add3A_1147 = arith.constant 0.999977231 : f32
      %add3A_1148 = vector.broadcast %add3A_1147 : f32 to vector<1280x1xf32>
      %add3A_1149 = arith.addf %add3A_1148, %mul3A_1146 : vector<1280x1xf32>
      %mul3A_1150 = arith.mulf %select_n3A_1126, %add3A_1149 : vector<1280x1xf32>
      %sub3A_1151 = arith.constant 1.57079637 : f32
      %sub3A_1152 = vector.broadcast %sub3A_1151 : f32 to vector<1280x1xf32>
      %sub3A_1153 = arith.subf %sub3A_1152, %mul3A_1150 : vector<1280x1xf32>
      %select_n3A_1154 = arith.select %gt3A_1122, %sub3A_1153, %mul3A_1150 : vector<1280x1xi1>, vector<1280x1xf32>
      %div3A_1155 = arith.divf %sub3A_1077, %add3A_1081 : vector<1280x1xf32>
      %gt3A_1156 = arith.constant 1.000000e+00 : f32
      %gt3A_1157 = vector.broadcast %gt3A_1156 : f32 to vector<1280x1xf32>
      %gt3A_1158 = arith.cmpf ogt, %div3A_1155, %gt3A_1157 : vector<1280x1xf32>
      %div3A_1159 = arith.constant 1.000000e+00 : f32
      %div3A_1160 = vector.broadcast %div3A_1159 : f32 to vector<1280x1xf32>
      %div3A_1161 = arith.divf %div3A_1160, %div3A_1155 : vector<1280x1xf32>
      %select_n3A_1162 = arith.select %gt3A_1158, %div3A_1161, %div3A_1155 : vector<1280x1xi1>, vector<1280x1xf32>
      %mul3A_1163 = arith.mulf %select_n3A_1162, %select_n3A_1162 : vector<1280x1xf32>
      %mul3A_1164 = arith.constant -1.172120e-02 : f32
      %mul3A_1165 = vector.broadcast %mul3A_1164 : f32 to vector<1280x1xf32>
      %mul3A_1166 = arith.mulf %mul3A_1163, %mul3A_1165 : vector<1280x1xf32>
      %add3A_1167 = arith.constant 0.0526533201 : f32
      %add3A_1168 = vector.broadcast %add3A_1167 : f32 to vector<1280x1xf32>
      %add3A_1169 = arith.addf %add3A_1168, %mul3A_1166 : vector<1280x1xf32>
      %mul3A_1170 = arith.mulf %mul3A_1163, %add3A_1169 : vector<1280x1xf32>
      %add3A_1171 = arith.constant -0.116432868 : f32
      %add3A_1172 = vector.broadcast %add3A_1171 : f32 to vector<1280x1xf32>
      %add3A_1173 = arith.addf %add3A_1172, %mul3A_1170 : vector<1280x1xf32>
      %mul3A_1174 = arith.mulf %mul3A_1163, %add3A_1173 : vector<1280x1xf32>
      %add3A_1175 = arith.constant 0.193543464 : f32
      %add3A_1176 = vector.broadcast %add3A_1175 : f32 to vector<1280x1xf32>
      %add3A_1177 = arith.addf %add3A_1176, %mul3A_1174 : vector<1280x1xf32>
      %mul3A_1178 = arith.mulf %mul3A_1163, %add3A_1177 : vector<1280x1xf32>
      %add3A_1179 = arith.constant -0.332623482 : f32
      %add3A_1180 = vector.broadcast %add3A_1179 : f32 to vector<1280x1xf32>
      %add3A_1181 = arith.addf %add3A_1180, %mul3A_1178 : vector<1280x1xf32>
      %mul3A_1182 = arith.mulf %mul3A_1163, %add3A_1181 : vector<1280x1xf32>
      %add3A_1183 = arith.constant 0.999977231 : f32
      %add3A_1184 = vector.broadcast %add3A_1183 : f32 to vector<1280x1xf32>
      %add3A_1185 = arith.addf %add3A_1184, %mul3A_1182 : vector<1280x1xf32>
      %mul3A_1186 = arith.mulf %select_n3A_1162, %add3A_1185 : vector<1280x1xf32>
      %sub3A_1187 = arith.constant 1.57079637 : f32
      %sub3A_1188 = vector.broadcast %sub3A_1187 : f32 to vector<1280x1xf32>
      %sub3A_1189 = arith.subf %sub3A_1188, %mul3A_1186 : vector<1280x1xf32>
      %select_n3A_1190 = arith.select %gt3A_1158, %sub3A_1189, %mul3A_1186 : vector<1280x1xi1>, vector<1280x1xf32>
      %sub3A_1191 = arith.subf %select_n3A_1154, %select_n3A_1190 : vector<1280x1xf32>
      %integer_pow3A_1192 = arith.mulf %sub3A_1191, %sub3A_1191 : vector<1280x1xf32>
      %mul3A_1193 = arith.constant 0.405284733 : f32
      %mul3A_1194 = vector.broadcast %mul3A_1193 : f32 to vector<1280x1xf32>
      %mul3A_1195 = arith.mulf %mul3A_1194, %integer_pow3A_1192 : vector<1280x1xf32>
      %sub3A_1196 = arith.subf %mul3A_1195, %div3A_1094 : vector<1280x1xf32>
      %add3A_1197 = arith.constant 1.00000012 : f32
      %add3A_1198 = vector.broadcast %add3A_1197 : f32 to vector<1280x1xf32>
      %add3A_1199 = arith.addf %sub3A_1196, %add3A_1198 : vector<1280x1xf32>
      %div3A_1200 = arith.divf %mul3A_1195, %add3A_1199 : vector<1280x1xf32>
      %div3A_1201 = arith.divf %mul3A_1118, %add3A_1106 : vector<1280x1xf32>
      %mul3A_1202 = arith.mulf %mul3A_1195, %div3A_1200 : vector<1280x1xf32>
      %add3A_1203 = arith.addf %div3A_1201, %mul3A_1202 : vector<1280x1xf32>
      %sub3A_1204 = arith.subf %div3A_1094, %add3A_1203 : vector<1280x1xf32>
      %sub3A_1205 = arith.constant 1.000000e+00 : f32
      %sub3A_1206 = vector.broadcast %sub3A_1205 : f32 to vector<1280x1xf32>
      %sub3A_1207 = arith.subf %sub3A_1206, %sub3A_1204 : vector<1280x1xf32>
      %mul3A_1208 = arith.mulf %slice3A_1029, %sub3A_1207 : vector<1280x1xf32>
      %reduce_sum3A_1209 = vector.shape_cast %mul3A_1208 : vector<1280x1xf32> to vector<1x1280x1xf32>
      %reduce_sum3A_1210 = arith.constant dense<0.000000e+00> : vector<1xf32>
      %reduce_sum3A_1211 = vector.multi_reduction <add>, %reduce_sum3A_1209, %reduce_sum3A_1210 [1, 2] : vector<1x1280x1xf32> to vector<1xf32>
      %reduce_sum3A_1212 = vector.shape_cast %reduce_sum3A_1211 : vector<1xf32> to vector<1x1x1xf32>
      %reduce_sum3A_1213 = vector.extract %reduce_sum3A_1212[0, 0, 0] : f32 from vector<1x1x1xf32>
      %swap3A_1214 = arith.constant 11 : index
      %swap3A_1215 = memref.load %arg15[%swap3A_1214] : memref<16xf32, #tpu.memory_space<smem>>
      memref.store %reduce_sum3A_1213, %arg15[%swap3A_1214] : memref<16xf32, #tpu.memory_space<smem>>
      %reduce_sum3A_1216 = vector.shape_cast %slice3A_1029 : vector<1280x1xf32> to vector<1x1280x1xf32>
      %reduce_sum3A_1217 = arith.constant dense<0.000000e+00> : vector<1xf32>
      %reduce_sum3A_1218 = vector.multi_reduction <add>, %reduce_sum3A_1216, %reduce_sum3A_1217 [1, 2] : vector<1x1280x1xf32> to vector<1xf32>
      %reduce_sum3A_1219 = vector.shape_cast %reduce_sum3A_1218 : vector<1xf32> to vector<1x1x1xf32>
      %reduce_sum3A_1220 = vector.extract %reduce_sum3A_1219[0, 0, 0] : f32 from vector<1x1x1xf32>
      %swap3A_1221 = arith.constant 12 : index
      %swap3A_1222 = memref.load %arg15[%swap3A_1221] : memref<16xf32, #tpu.memory_space<smem>>
      memref.store %reduce_sum3A_1220, %arg15[%swap3A_1221] : memref<16xf32, #tpu.memory_space<smem>>
      %sub3A_1223 = arith.subf %dot_general3A_906, %dot_general3A_918 : vector<1280x1xf32>
      %mul3A_1224 = arith.mulf %slice3A_1029, %sub3A_1223 : vector<1280x1xf32>
      %reduce_sum3A_1225 = vector.shape_cast %mul3A_1224 : vector<1280x1xf32> to vector<1x1280x1xf32>
      %reduce_sum3A_1226 = arith.constant dense<0.000000e+00> : vector<1xf32>
      %reduce_sum3A_1227 = vector.multi_reduction <add>, %reduce_sum3A_1225, %reduce_sum3A_1226 [1, 2] : vector<1x1280x1xf32> to vector<1xf32>
      %reduce_sum3A_1228 = vector.shape_cast %reduce_sum3A_1227 : vector<1xf32> to vector<1x1x1xf32>
      %reduce_sum3A_1229 = vector.extract %reduce_sum3A_1228[0, 0, 0] : f32 from vector<1x1x1xf32>
      %swap3A_1230 = arith.constant 13 : index
      %swap3A_1231 = memref.load %arg15[%swap3A_1230] : memref<16xf32, #tpu.memory_space<smem>>
      memref.store %reduce_sum3A_1229, %arg15[%swap3A_1230] : memref<16xf32, #tpu.memory_space<smem>>
      %gt3A_1232 = arith.constant 0.000000e+00 : f32
      %gt3A_1233 = vector.broadcast %gt3A_1232 : f32 to vector<1280x1xf32>
      %gt3A_1234 = arith.cmpf ogt, %slice3A_1029, %gt3A_1233 : vector<1280x1xf32>
      %jit3A_1235 = arith.constant 1.000000e+00 : f32
      %jit3A_1236 = arith.constant 0.000000e+00 : f32
      %broadcast_in_dim3A_1237 = vector.broadcast %jit3A_1235 : f32 to vector<1280x1xf32>
      %broadcast_in_dim3A_1238 = vector.broadcast %jit3A_1236 : f32 to vector<1280x1xf32>
      %select_n3A_1239 = arith.select %gt3A_1234, %broadcast_in_dim3A_1237, %broadcast_in_dim3A_1238 : vector<1280x1xi1>, vector<1280x1xf32>
      %mul3A_1240 = arith.mulf %select_n3A_1239, %dot_general3A_958 : vector<1280x1xf32>
      %jit3A_1241 = arith.constant 0.000000e+00 : f32
      %max3A_1242 = vector.broadcast %jit3A_1241 : f32 to vector<1280x1xf32>
      %max3A_1243 = arith.maximumf %max3A_1242, %sub3A_1204 : vector<1280x1xf32>
      %mul3A_1244 = arith.mulf %mul3A_1240, %max3A_1243 : vector<1280x1xf32>
      %reduce_sum3A_1245 = vector.shape_cast %mul3A_1244 : vector<1280x1xf32> to vector<1x1280x1xf32>
      %reduce_sum3A_1246 = arith.constant dense<0.000000e+00> : vector<1xf32>
      %reduce_sum3A_1247 = vector.multi_reduction <add>, %reduce_sum3A_1245, %reduce_sum3A_1246 [1, 2] : vector<1x1280x1xf32> to vector<1xf32>
      %reduce_sum3A_1248 = vector.shape_cast %reduce_sum3A_1247 : vector<1xf32> to vector<1x1x1xf32>
      %reduce_sum3A_1249 = vector.extract %reduce_sum3A_1248[0, 0, 0] : f32 from vector<1x1x1xf32>
      %swap3A_1250 = arith.constant 14 : index
      %swap3A_1251 = memref.load %arg15[%swap3A_1250] : memref<16xf32, #tpu.memory_space<smem>>
      memref.store %reduce_sum3A_1249, %arg15[%swap3A_1250] : memref<16xf32, #tpu.memory_space<smem>>
    } else {
    }
    %gt3A = arith.constant 0 : i32
    %gt3A_73 = arith.cmpi sgt, %arg0, %gt3A : i32
    %convert_element_type3A_74 = arith.extui %gt3A_73 : i1 to i32
    %cond3A_75 = arith.constant 0 : i32
    %cond3A_76 = arith.cmpi ne, %convert_element_type3A_74, %cond3A_75 : i32
    scf.if %cond3A_76 {
      %get3A_100 = arith.constant 0 : index
      %get3A_101 = memref.load %arg15[%get3A_100] : memref<16xf32, #tpu.memory_space<smem>>
      %add3A_102 = arith.addf %get3A_101, %reduce_sum3A_16 : f32
      %swap3A = arith.constant 0 : index
      %swap3A_103 = memref.load %arg15[%swap3A] : memref<16xf32, #tpu.memory_space<smem>>
      memref.store %add3A_102, %arg15[%swap3A] : memref<16xf32, #tpu.memory_space<smem>>
      %get3A_104 = arith.constant 1 : index
      %get3A_105 = memref.load %arg15[%get3A_104] : memref<16xf32, #tpu.memory_space<smem>>
      %add3A_106 = arith.addf %get3A_105, %reduce_sum3A_43 : f32
      %swap3A_107 = arith.constant 1 : index
      %swap3A_108 = memref.load %arg15[%swap3A_107] : memref<16xf32, #tpu.memory_space<smem>>
      memref.store %add3A_106, %arg15[%swap3A_107] : memref<16xf32, #tpu.memory_space<smem>>
    } else {
    }
    %gt3A_77 = arith.constant 0 : i32
    %gt3A_78 = arith.cmpi sgt, %arg0, %gt3A_77 : i32
    %jit3A = arith.constant 2 : i32
    %eq3A_79 = arith.constant 0 : i32
    %eq3A_80 = arith.cmpi eq, %jit3A, %eq3A_79 : i32
    %jit3A_81 = arith.constant 1 : i32
    %select_n3A = arith.select %eq3A_80, %jit3A_81, %jit3A : i32
    %rem3A = arith.remsi %arg0, %select_n3A : i32
    %ne3A = arith.constant 0 : i32
    %ne3A_82 = arith.cmpi ne, %rem3A, %ne3A : i32
    %lt3A = arith.constant 0 : i32
    %lt3A_83 = arith.cmpi slt, %rem3A, %lt3A : i32
    %lt3A_84 = arith.constant 0 : i32
    %lt3A_85 = arith.cmpi slt, %select_n3A, %lt3A_84 : i32
    %ne3A_86 = arith.xori %lt3A_83, %lt3A_85 : i1
    %and3A = arith.andi %ne3A_86, %ne3A_82 : i1
    %add3A_87 = arith.addi %rem3A, %select_n3A : i32
    %select_n3A_88 = arith.select %and3A, %add3A_87, %rem3A : i32
    %eq3A_89 = arith.constant 0 : i32
    %eq3A_90 = arith.cmpi eq, %select_n3A_88, %eq3A_89 : i32
    %and3A_91 = arith.andi %gt3A_78, %eq3A_90 : i1
    %convert_element_type3A_92 = arith.extui %and3A_91 : i1 to i32
    %cond3A_93 = arith.constant 0 : i32
    %cond3A_94 = arith.cmpi ne, %convert_element_type3A_92, %cond3A_93 : i32
    scf.if %cond3A_94 {
      %get3A_100 = arith.constant 2 : index
      %get3A_101 = memref.load %arg15[%get3A_100] : memref<16xf32, #tpu.memory_space<smem>>
      %add3A_102 = arith.addf %get3A_101, %reduce_sum3A_70 : f32
      %swap3A = arith.constant 2 : index
      %swap3A_103 = memref.load %arg15[%swap3A] : memref<16xf32, #tpu.memory_space<smem>>
      memref.store %add3A_102, %arg15[%swap3A] : memref<16xf32, #tpu.memory_space<smem>>
    } else {
    }
    %eq3A_95 = arith.constant 23 : i32
    %eq3A_96 = arith.cmpi eq, %arg0, %eq3A_95 : i32
    %convert_element_type3A_97 = arith.extui %eq3A_96 : i1 to i32
    %cond3A_98 = arith.constant 0 : i32
    %cond3A_99 = arith.cmpi ne, %convert_element_type3A_97, %cond3A_98 : i32
    scf.if %cond3A_99 {
      %get3A_100 = arith.constant 4 : index
      %get3A_101 = memref.load %arg15[%get3A_100] : memref<16xf32, #tpu.memory_space<smem>>
      %max3A_102 = arith.constant 1.000000e+00 : f32
      %max3A_103 = arith.maximumf %get3A_101, %max3A_102 : f32
      %get3A_104 = arith.constant 3 : index
      %get3A_105 = memref.load %arg15[%get3A_104] : memref<16xf32, #tpu.memory_space<smem>>
      %div3A = arith.divf %get3A_105, %max3A_103 : f32
      %add3A_106 = arith.constant 0.000000e+00 : f32
      %add3A_107 = arith.addf %add3A_106, %div3A : f32
      %get3A_108 = arith.constant 5 : index
      %get3A_109 = memref.load %arg15[%get3A_108] : memref<16xf32, #tpu.memory_space<smem>>
      %mul3A_110 = arith.constant 8.000000e+01 : f32
      %mul3A_111 = arith.mulf %max3A_103, %mul3A_110 : f32
      %div3A_112 = arith.divf %get3A_109, %mul3A_111 : f32
      %add3A_113 = arith.constant 0.000000e+00 : f32
      %add3A_114 = arith.addf %add3A_113, %div3A_112 : f32
      %get3A_115 = arith.constant 0 : index
      %get3A_116 = memref.load %arg15[%get3A_115] : memref<16xf32, #tpu.memory_space<smem>>
      %get3A_117 = arith.constant 6 : index
      %get3A_118 = memref.load %arg15[%get3A_117] : memref<16xf32, #tpu.memory_space<smem>>
      %sub3A = arith.subf %get3A_116, %get3A_118 : f32
      %div3A_119 = arith.constant 1.966080e+05 : f32
      %div3A_120 = arith.divf %sub3A, %div3A_119 : f32
      %add3A_121 = arith.constant 0.000000e+00 : f32
      %add3A_122 = arith.addf %add3A_121, %div3A_120 : f32
      %get3A_123 = arith.constant 8 : index
      %get3A_124 = memref.load %arg15[%get3A_123] : memref<16xf32, #tpu.memory_space<smem>>
      %max3A_125 = arith.constant 1.000000e+00 : f32
      %max3A_126 = arith.maximumf %get3A_124, %max3A_125 : f32
      %get3A_127 = arith.constant 7 : index
      %get3A_128 = memref.load %arg15[%get3A_127] : memref<16xf32, #tpu.memory_space<smem>>
      %div3A_129 = arith.divf %get3A_128, %max3A_126 : f32
      %add3A_130 = arith.addf %add3A_107, %div3A_129 : f32
      %get3A_131 = arith.constant 9 : index
      %get3A_132 = memref.load %arg15[%get3A_131] : memref<16xf32, #tpu.memory_space<smem>>
      %mul3A_133 = arith.constant 8.000000e+01 : f32
      %mul3A_134 = arith.mulf %max3A_126, %mul3A_133 : f32
      %div3A_135 = arith.divf %get3A_132, %mul3A_134 : f32
      %add3A_136 = arith.addf %add3A_114, %div3A_135 : f32
      %get3A_137 = arith.constant 1 : index
      %get3A_138 = memref.load %arg15[%get3A_137] : memref<16xf32, #tpu.memory_space<smem>>
      %get3A_139 = arith.constant 10 : index
      %get3A_140 = memref.load %arg15[%get3A_139] : memref<16xf32, #tpu.memory_space<smem>>
      %sub3A_141 = arith.subf %get3A_138, %get3A_140 : f32
      %div3A_142 = arith.constant 4.915200e+04 : f32
      %div3A_143 = arith.divf %sub3A_141, %div3A_142 : f32
      %add3A_144 = arith.addf %add3A_122, %div3A_143 : f32
      %get3A_145 = arith.constant 12 : index
      %get3A_146 = memref.load %arg15[%get3A_145] : memref<16xf32, #tpu.memory_space<smem>>
      %max3A_147 = arith.constant 1.000000e+00 : f32
      %max3A_148 = arith.maximumf %get3A_146, %max3A_147 : f32
      %get3A_149 = arith.constant 11 : index
      %get3A_150 = memref.load %arg15[%get3A_149] : memref<16xf32, #tpu.memory_space<smem>>
      %div3A_151 = arith.divf %get3A_150, %max3A_148 : f32
      %add3A_152 = arith.addf %add3A_130, %div3A_151 : f32
      %get3A_153 = arith.constant 13 : index
      %get3A_154 = memref.load %arg15[%get3A_153] : memref<16xf32, #tpu.memory_space<smem>>
      %mul3A_155 = arith.constant 8.000000e+01 : f32
      %mul3A_156 = arith.mulf %max3A_148, %mul3A_155 : f32
      %div3A_157 = arith.divf %get3A_154, %mul3A_156 : f32
      %add3A_158 = arith.addf %add3A_136, %div3A_157 : f32
      %get3A_159 = arith.constant 2 : index
      %get3A_160 = memref.load %arg15[%get3A_159] : memref<16xf32, #tpu.memory_space<smem>>
      %get3A_161 = arith.constant 14 : index
      %get3A_162 = memref.load %arg15[%get3A_161] : memref<16xf32, #tpu.memory_space<smem>>
      %sub3A_163 = arith.subf %get3A_160, %get3A_162 : f32
      %div3A_164 = arith.constant 1.228800e+04 : f32
      %div3A_165 = arith.divf %sub3A_163, %div3A_164 : f32
      %add3A_166 = arith.addf %add3A_144, %div3A_165 : f32
      %mul3A_167 = arith.constant 5.000000e-02 : f32
      %mul3A_168 = arith.mulf %add3A_152, %mul3A_167 : f32
      %mul3A_169 = arith.constant 5.000000e-01 : f32
      %mul3A_170 = arith.mulf %add3A_158, %mul3A_169 : f32
      %add3A_171 = arith.addf %mul3A_168, %add3A_166 : f32
      %add3A_172 = arith.addf %add3A_171, %mul3A_170 : f32
      %swap3A = arith.constant 0 : index
      %swap3A_173 = memref.load %arg14[%swap3A] : memref<8xf32, #tpu.memory_space<smem>>
      memref.store %mul3A_168, %arg14[%swap3A] : memref<8xf32, #tpu.memory_space<smem>>
      %swap3A_174 = arith.constant 1 : index
      %swap3A_175 = memref.load %arg14[%swap3A_174] : memref<8xf32, #tpu.memory_space<smem>>
      memref.store %add3A_166, %arg14[%swap3A_174] : memref<8xf32, #tpu.memory_space<smem>>
      %swap3A_176 = arith.constant 2 : index
      %swap3A_177 = memref.load %arg14[%swap3A_176] : memref<8xf32, #tpu.memory_space<smem>>
      memref.store %mul3A_170, %arg14[%swap3A_176] : memref<8xf32, #tpu.memory_space<smem>>
      %swap3A_178 = arith.constant 3 : index
      %swap3A_179 = memref.load %arg14[%swap3A_178] : memref<8xf32, #tpu.memory_space<smem>>
      memref.store %add3A_172, %arg14[%swap3A_178] : memref<8xf32, #tpu.memory_space<smem>>
      %swap3A_180 = arith.constant 0.000000e+00 : f32
      %swap3A_181 = arith.constant 4 : index
      %swap3A_182 = memref.load %arg14[%swap3A_181] : memref<8xf32, #tpu.memory_space<smem>>
      memref.store %swap3A_180, %arg14[%swap3A_181] : memref<8xf32, #tpu.memory_space<smem>>
      %swap3A_183 = arith.constant 0.000000e+00 : f32
      %swap3A_184 = arith.constant 5 : index
      %swap3A_185 = memref.load %arg14[%swap3A_184] : memref<8xf32, #tpu.memory_space<smem>>
      memref.store %swap3A_183, %arg14[%swap3A_184] : memref<8xf32, #tpu.memory_space<smem>>
      %swap3A_186 = arith.constant 0.000000e+00 : f32
      %swap3A_187 = arith.constant 6 : index
      %swap3A_188 = memref.load %arg14[%swap3A_187] : memref<8xf32, #tpu.memory_space<smem>>
      memref.store %swap3A_186, %arg14[%swap3A_187] : memref<8xf32, #tpu.memory_space<smem>>
      %swap3A_189 = arith.constant 0.000000e+00 : f32
      %swap3A_190 = arith.constant 7 : index
      %swap3A_191 = memref.load %arg14[%swap3A_190] : memref<8xf32, #tpu.memory_space<smem>>
      memref.store %swap3A_189, %arg14[%swap3A_190] : memref<8xf32, #tpu.memory_space<smem>>
    } else {
    }
    return
  }
  func.func @transform_0(%arg0: i32) -> (i32, i32) {
    %c0_i32 = arith.constant 0 : i32
    %c0_i32_0 = arith.constant 0 : i32
    return %arg0, %c0_i32 : i32, i32
  }
  func.func @transform_1(%arg0: i32) -> (i32, i32) {
    %c0_i32 = arith.constant 0 : i32
    %c0_i32_0 = arith.constant 0 : i32
    return %arg0, %c0_i32 : i32, i32
  }
  func.func @transform_2(%arg0: i32) -> (i32, i32) {
    %jit3A = arith.constant 2 : i32
    %div3A = arith.divsi %arg0, %jit3A : i32
    %sign3A = arith.constant 0 : i32
    %sign3A_0 = arith.cmpi sgt, %arg0, %sign3A : i32
    %sign3A_1 = arith.extui %sign3A_0 : i1 to i32
    %sign3A_2 = arith.constant 0 : i32
    %sign3A_3 = arith.cmpi slt, %arg0, %sign3A_2 : i32
    %sign3A_4 = arith.extui %sign3A_3 : i1 to i32
    %sign3A_5 = arith.subi %sign3A_1, %sign3A_4 : i32
    %sign3A_6 = arith.constant 0 : i32
    %sign3A_7 = arith.cmpi sgt, %jit3A, %sign3A_6 : i32
    %sign3A_8 = arith.extui %sign3A_7 : i1 to i32
    %sign3A_9 = arith.constant 0 : i32
    %sign3A_10 = arith.cmpi slt, %jit3A, %sign3A_9 : i32
    %sign3A_11 = arith.extui %sign3A_10 : i1 to i32
    %sign3A_12 = arith.subi %sign3A_8, %sign3A_11 : i32
    %ne3A = arith.cmpi ne, %sign3A_5, %sign3A_12 : i32
    %rem3A = arith.remsi %arg0, %jit3A : i32
    %ne3A_13 = arith.constant 0 : i32
    %ne3A_14 = arith.cmpi ne, %rem3A, %ne3A_13 : i32
    %and3A = arith.andi %ne3A, %ne3A_14 : i1
    %sub3A = arith.constant 1 : i32
    %sub3A_15 = arith.subi %div3A, %sub3A : i32
    %select_n3A = arith.select %and3A, %sub3A_15, %div3A : i32
    %c0_i32 = arith.constant 0 : i32
    %c0_i32_16 = arith.constant 0 : i32
    return %select_n3A, %c0_i32 : i32, i32
  }
  func.func @transform_3(%arg0: i32) -> (i32, i32) {
    %c0_i32 = arith.constant 0 : i32
    %c0_i32_0 = arith.constant 0 : i32
    %c0_i32_1 = arith.constant 0 : i32
    return %c0_i32, %c0_i32_0 : i32, i32
  }
  func.func @transform_4(%arg0: i32) -> (i32, i32) {
    %c0_i32 = arith.constant 0 : i32
    %c0_i32_0 = arith.constant 0 : i32
    %c0_i32_1 = arith.constant 0 : i32
    return %c0_i32, %c0_i32_0 : i32, i32
  }
  func.func @transform_5(%arg0: i32) -> (i32, i32) {
    %c0_i32 = arith.constant 0 : i32
    %c0_i32_0 = arith.constant 0 : i32
    %c0_i32_1 = arith.constant 0 : i32
    return %c0_i32, %c0_i32_0 : i32, i32
  }
  func.func @transform_6(%arg0: i32) -> (i32, i32) {
    %c0_i32 = arith.constant 0 : i32
    %c0_i32_0 = arith.constant 0 : i32
    %c0_i32_1 = arith.constant 0 : i32
    return %c0_i32, %c0_i32_0 : i32, i32
  }
  func.func @transform_7(%arg0: i32) -> (i32, i32) {
    %c0_i32 = arith.constant 0 : i32
    %c0_i32_0 = arith.constant 0 : i32
    %c0_i32_1 = arith.constant 0 : i32
    return %c0_i32, %c0_i32_0 : i32, i32
  }
  func.func @transform_8(%arg0: i32) -> (i32, i32) {
    %c0_i32 = arith.constant 0 : i32
    %c0_i32_0 = arith.constant 0 : i32
    %c0_i32_1 = arith.constant 0 : i32
    return %c0_i32, %c0_i32_0 : i32, i32
  }
  func.func @transform_9(%arg0: i32) -> (i32, i32) {
    %c0_i32 = arith.constant 0 : i32
    %c0_i32_0 = arith.constant 0 : i32
    %c0_i32_1 = arith.constant 0 : i32
    return %c0_i32, %c0_i32_0 : i32, i32
  }
  func.func @transform_10(%arg0: i32) -> (i32, i32) {
    %c0_i32 = arith.constant 0 : i32
    %c0_i32_0 = arith.constant 0 : i32
    %c0_i32_1 = arith.constant 0 : i32
    return %c0_i32, %c0_i32_0 : i32, i32
  }
  func.func @transform_11(%arg0: i32) -> (i32, i32) {
    %c0_i32 = arith.constant 0 : i32
    %c0_i32_0 = arith.constant 0 : i32
    %c0_i32_1 = arith.constant 0 : i32
    return %c0_i32, %c0_i32_0 : i32, i32
  }
  func.func @transform_12(%arg0: i32) -> (i32, i32, i32) {
    %c0_i32 = arith.constant 0 : i32
    %c0_i32_0 = arith.constant 0 : i32
    %c0_i32_1 = arith.constant 0 : i32
    %c0_i32_2 = arith.constant 0 : i32
    return %c0_i32, %c0_i32_0, %c0_i32_1 : i32, i32, i32
  }
  func.func @transform_13(%arg0: i32) -> i32 {
    %c0_i32 = arith.constant 0 : i32
    %c0_i32_0 = arith.constant 0 : i32
    return %c0_i32 : i32
  }
}

</mosaic_0001>

<sc_bundles>
// kernel: kernel.5.cloned.1.call-start
scs
__scs_entry_jumppad:
0x0: {  	(pc) =	sbr.rel $0x88, $3  }
0x1: {  	(tag) =	ssettag $0x0;
	lr =	simm.s32 $0x1  }
0x2: {  	[smem:$0x3F9D] =	sst lr;
	_ =	strace $0xD0000000  }
0x3: {  	_ = 	snop  }
0x4: {  	_ = 	snop  }
0x5: {  	_ = 	snop  }
0x6: {  	_ = 	snop  }
0x7: {  	_ = 	snop  }
__scs_overlays_trampoline_lowered:
0x8: {  	[smem:$0x3FAC] =	sst s0  }
0x9: {  	[smem:$0x3FAD] =	sst s1  }
0xa: {  	[smem:$0x3FAE] =	sst s2  }
0xb: {  	[smem:$0x3FAF] =	sst s3  }
0xc: {  	[smem:$0x3FB0] =	sst s4  }
0xd: {  	[smem:$0x3FB1] =	sst s5  }
0xe: {  	[smem:$0x3FB2] =	sst s6  }
0xf: {  	[smem:$0x3FB3] =	sst s7  }
0x10: {  	[smem:$0x3FB4] =	sst s8  }
0x11: {  	[smem:$0x3FB5] =	sst s9;
	s0 =	simm.s32 @!p0 $0x0  }
0x12: {  	s1 =	sld [smem:$0x3F9B];
	s0 =	simm.s32 @p0 $0x1  }
0x13: {  	[smem:$0x3FB6] =	sst s0;
	s0 =	simm.s32 @!p1 $0x0  }
0x14: {  	s2 =	sld [smem:$0x3F9A];
	s0 =	simm.s32 @p1 $0x1  }
0x15: {  	[smem:$0x3FB7] =	sst s0;
	s0 =	simm.s32 @!p2 $0x0  }
0x16: {  	s3 =	sld [smem:$0x3FDB];
	s0 =	simm.s32 @p2 $0x1  }
0x17: {  	s4 =	simm.s32 $0x1BF5;
	[smem:$0x3FB9] =	sst s0  }
0x18: {  	s0 =	sld [smem:$0x3F9C];
	_ =	swait.ge [sflag:s4], $0x0  }
0x19: {  	s7 =	sld [smem:$0x3F9D]  }
0x1a: {  	s8 =	sadd.s32 $0xFFFFE003, lr  }
0x1b: {  	s9 =	sadd.s32 $0xFFFFFEF7, lr;
	s5 =	simm.s32 $0xFFFFFFFF;
	p2 =	slt.u32 s8, $0xFFFFF086  }
0x1c: {  	p1 =	slt.u32 s9, $0xF7A;
	s5 =	simm.s32 @!p2 $0x0  }
0x1d: {  	s5 =	simm.s32 @p1 $0x1;
	p0 =	seq.s32 s7, s2  }
0x1e: {  	s7 =	smul.u32 @!p0 $0xF7A, s2;
	p2 =	seq.s32 @!p0 s5, $0x0  }
0x1f: {  	s9 =	smul.u32 $0xF7A, s1;
	s8 =	simm.s32 @!p0 $0x1BF5;
	p2 =	por !p2, p0  }
0x20: {  	[sflag:s8] =	ssyncset.s32 @!p0 $0xFFFFF086;
	s6 =	sadd.s32 @!p0 s3, s7;
	s7 =	simm.s32 @!p0 $0x108  }
0x21: {  	s3 =	sadd.s32 s3, s9;
	s6 =	sadd.s32 @!p0 $0x88, s6;
	s7 =	simm.s32 @p2 $0x1082  }
0x22: {  	[simem:s7], [sflag:s8] =	dma.local @!p0 [hbm:s6], $0xF7A  }
0x23: {  	s9 =	sor.u32 $0xD0000000, s2;
	s6 =	simm.s32 $0x108;
	_ =	swait.ge @!p0 [sflag:s8], $0x0  }
0x24: {  	s3 =	sadd.s32 $0x88, s3;
	s6 =	simm.s32 @!p1 $0x1082;
	[sflag:s4] =	ssyncset.s32 $0xFFFFF086  }
0x25: {  	[simem:s6], [sflag:s4] =	dma.local [hbm:s3], $0xF7A  }
0x26: {  	[smem:$0x3F9D] =	sst s1;
	(tag) =	ssettag s2;
	_ =	strace s9  }
0x27: {  	s1 =	sld [smem:$0x3FAD]  }
0x28: {  	s2 =	sld [smem:$0x3FAE]  }
0x29: {  	s4 =	sld [smem:$0x3FB0]  }
0x2a: {  	p0 =	seq.s32 s5, $0x0;
	s5 =	sld [smem:$0x3FB1]  }
0x2b: {  	s6 =	sld [smem:$0x3FB2]  }
0x2c: {  	s7 =	sld [smem:$0x3FB3]  }
0x2d: {  	s3 =	simm.s32 $0x108;
	s8 =	sld [smem:$0x3FB4]  }
0x2e: {  	s3 =	simm.s32 @!p0 $0x1082;
	s9 =	sld [smem:$0x3FB5]  }
0x2f: {  	lr =	sadd.s32 s0, s3;
	s0 =	sld [smem:$0x3FAC]  }
0x30: {  	s3 =	sld [smem:$0x3FAF]  }
0x31: {  	[smem:$0x3FB8] =	sst s10  }
0x32: {  	s10 =	sld [smem:$0x3FB6];
	_ =	sdelay $0x3  }
0x33: {  	p0 =	seq.s32 s10, $0x1;
	s10 =	sld [smem:$0x3FB8];
	_ =	sdelay $0x3  }
0x34: {  	[smem:$0x3FB8] =	sst s10  }
0x35: {  	s10 =	sld [smem:$0x3FB7];
	_ =	sdelay $0x3  }
0x36: {  	p1 =	seq.s32 s10, $0x1;
	s10 =	sld [smem:$0x3FB8];
	_ =	sdelay $0x3  }
0x37: {  	[smem:$0x3FB8] =	sst s10  }
0x38: {  	s10 =	sld [smem:$0x3FB9]  }
0x39: {  	_ = 	snop;
	(pc) =	sbr.ind lr, $3  }
0x3a: {  	_ = 	snop  }
0x3b: {  	_ = 	snop  }
0x3c: {  	p2 =	seq.s32 s10, $0x1;
	s10 =	sld [smem:$0x3FB8]  }
0x3d: {  	_ =	shalt  }
0x3e: {  	_ =	shalt  }
0x3f: {  	_ =	shalt  }
0x40: {  	_ =	shalt  }
0x41: {  	_ =	shalt  }
0x42: {  	_ =	shalt  }
0x43: {  	_ =	shalt  }
0x44: {  	_ =	shalt  }
0x45: {  	_ =	shalt  }
0x46: {  	_ =	shalt  }
0x47: {  	_ =	shalt  }
0x48: {  	_ =	shalt  }
0x49: {  	_ =	shalt  }
0x4a: {  	_ =	shalt  }
0x4b: {  	_ =	shalt  }
0x4c: {  	_ =	shalt  }
0x4d: {  	_ =	shalt  }
0x4e: {  	_ =	shalt  }
0x4f: {  	_ =	shalt  }
0x50: {  	_ =	shalt  }
0x51: {  	_ =	shalt  }
0x52: {  	_ =	shalt  }
0x53: {  	_ =	shalt  }
0x54: {  	_ =	shalt  }
0x55: {  	_ =	shalt  }
0x56: {  	_ =	shalt  }
0x57: {  	_ =	shalt  }
0x58: {  	_ =	shalt  }
0x59: {  	_ =	shalt  }
0x5a: {  	_ =	shalt  }
0x5b: {  	_ =	shalt  }
0x5c: {  	_ =	shalt  }
0x5d: {  	_ =	shalt  }
0x5e: {  	_ =	shalt  }
0x5f: {  	_ =	shalt  }
0x60: {  	_ =	shalt  }
0x61: {  	_ =	shalt  }
0x62: {  	_ =	shalt  }
0x63: {  	_ =	shalt  }
0x64: {  	_ =	shalt  }
0x65: {  	_ =	shalt  }
0x66: {  	_ =	shalt  }
0x67: {  	_ =	shalt  }
0x68: {  	_ =	shalt  }
0x69: {  	_ =	shalt  }
0x6a: {  	_ =	shalt  }
0x6b: {  	_ =	shalt  }
0x6c: {  	_ =	shalt  }
0x6d: {  	_ =	shalt  }
0x6e: {  	_ =	shalt  }
0x6f: {  	_ =	shalt  }
0x70: {  	_ =	shalt  }
0x71: {  	_ =	shalt  }
0x72: {  	_ =	shalt  }
0x73: {  	_ =	shalt  }
0x74: {  	_ =	shalt  }
0x75: {  	_ =	shalt  }
0x76: {  	_ =	shalt  }
0x77: {  	_ =	shalt  }
0x78: {  	_ =	shalt  }
0x79: {  	_ =	shalt  }
0x7a: {  	_ =	shalt  }
0x7b: {  	_ =	shalt  }
0x7c: {  	_ =	shalt  }
0x7d: {  	_ =	shalt  }
0x7e: {  	_ =	shalt  }
0x7f: {  	_ =	shalt  }
0x80: {  	_ =	shalt  }
0x81: {  	_ =	shalt  }
0x82: {  	_ =	shalt  }
0x83: {  	_ =	shalt  }
0x84: {  	_ =	shalt  }
0x85: {  	_ =	shalt  }
0x86: {  	_ =	shalt  }
0x87: {  	_ =	shalt  }
.Lfunc_end0:
.L_simem_size_0:
called_computation_lowered:
.L_overlay_start_0:
0x88: {  	s2 =	sld [smem:$0x3FD9]  }
0x89: {  	s3 =	sld [smem:$0x3FFE];
	_ =	sdelay $0x1  }
0x8a: {  	s1 =	srdreg.scid  }
0x8b: {  	s0 =	sand.u32 $0x1, s1  }
0x8c: {  	s16 =	sshll.u32 s0, $0xA;
	s2 =	sadd.s32 s3, s2  }
0x8d: {  	s2 =	sadd.s32 s2, s16  }
0x8e: {  	[smem:$0x3FC4] =	sst s2  }
0x8f: {  	_ = 	snop  }
0x90: {  	(tm) =	ssettm $0x1  }
0x91: {  	s17 =	sld [smem:$0x3FFB];
	_ =	sdelay $0x3  }
0x92: {  	_ =	strace s17  }
0x93: {  	s2 =	sld [smem:$0x3FFC];
	_ =	sdelay $0x3  }
0x94: {  	_ =	strace s2  }
0x95: {  	s2 =	sld [smem:$0x3FFD];
	_ =	sdelay $0x3  }
0x96: {  	_ =	strace s2  }
0x97: {  	_ =	strace $0x8FFFFFFF  }
0x98: {  	s18 =	sld [smem:$0x3FDB];
	_ =	sdelay $0x1  }
0x99: {  	s19 =	simm.s32 $_scs_section_size  }
0x9a: {  	s4 =	simm.s32 $_size__tile_overlayer_lowered;
	s5 =	simm.s32 $_tile_overlayer_lowered  }
0x9b: {  	s22 =	simm.s32 $0x1BFF;
	s21 =	sshll.u32 s5, $0x1;
	s2 =	sadd.s32 s19, s18  }
0x9c: {  	s6 =	simm.s32 $0x0;
	s20 =	sshll.u32 s4, $0x1;
	s4 =	sadd.s32 s21, s2  }
0x9d: {  	[timem:s6], [sflag:s22] =	dma.local [hbm:s4], s20  }
0x9e: {  	_ =	swait.ge [sflag:s22], s20  }
0x9f: {  	s3 =	ssub.s32 $0x0, s20;
	[sflag:s22] =	ssyncset.done $0x0  }
0xa0: {  	[sflag:s22] =	ssyncadd.s32 s3;
	_ =	sdelay $0x1  }
0xa1: {  	s23 =	simm.s32 $0x1B8B  }
0xa2: {  	_ =	swait.ge [sflag:s23], $0x1  }
0xa3: {  	[sflag:s23] =	ssyncset.done $0x0  }
0xa4: {  	s25 =	simm.s32 $0x1B8E;
	s24 =	sld [smem:$0x3FFE];
	[sflag:s23] =	ssyncadd.s32 $0xFFFFFFFF  }
0xa5: {  	s26 =	simm.s32 $execute0_lowered;
	[smem:$0x3FD2] =	sst s25  }
0xa6: {  	s4 =	sshll.u32 s26, $0x1;
	_ =	strace $0x80000046;
	[dreg:$0x1] =	wrdreg $0xFFFFFFFF  }
0xa7: {  	s28 =	simm.s32 $_size_execute0_lowered;
	s2 =	sadd.s32 s2, s4;
	[dreg:$0x0] =	wrdreg $0x0  }
0xa8: {  	s4 =	sshll.u32 s28, $0x1;
	[dreg:$0x2] =	wrdreg s2  }
0xa9: {  	[dreg:$0x3] =	wrdreg s4  }
0xaa: {  	[dreg:$0x4] =	wrdreg $0xC0  }
0xab: {  	_ =	task [dreg:s6], $0x5FFFF  }
0xac: {  	[dreg:$0x1] =	wrdreg $0xFFFFFFFF  }
0xad: {  	[dreg:$0x0] =	wrdreg $0x60  }
0xae: {  	[dreg:$0x2] =	wrdreg s24  }
0xaf: {  	[dreg:$0x3] =	wrdreg $0x9  }
0xb0: {  	_ =	task.clear_ibuf [dreg:s6], $0x4FFFF;
	_ =	strace $0x90000046  }
0xb1: {  	s29 =	simm.s32 $0x9;
	_ =	strace $0x80000048  }
0xb2: {  	_ =	swait.ge [sflag:s29], $0x1  }
0xb3: {  	[sflag:s29] =	ssyncadd.s32 $0xFFFFFFFF  }
0xb4: {  	_ =	strace $0x90000048  }
0xb5: {  	_ =	sfence  }
0xb6: {  	s30 =	sld [smem:$0x0];
	_ =	sdelay $0x2  }
0xb7: {  	s31 =	sshll.u32 s1, $0xD;
	s1 =	sshrl.u32 s1, $0x2  }
0xb8: {  	s3 =	sand.u32 $0x4000, s31;
	s1 =	sadd.s32 s1, s30  }
0xb9: {  	s0 =	sor.u32 s3, s0;
	s1 =	sshll.u32 s1, $0x11  }
0xba: {  	s0 =	sor.u32 s1, s0  }
0xbb: {  	s0 =	sadd.s32 $0x8F2B, s0  }
0xbc: {  	[sflag:s0] =	ssyncadd.remote.s32 $0x1  }
0xbd: {  	_ =	sfence.sel $0xFFFF  }
0xbe: {  	[dreg:$0x0] =	wrdreg $0xFFFFFFFF;
	(pc) =	sbr.abs _section_cstart, $3  }
0xbf: {  	[dreg:$0x1] =	wrdreg $0xFFFFFFFF  }
0xc0: {  	_ =	task.clear_ibuf [dreg:s6], $0x2FFFF;
	_ =	strace $0x9FFFFFFF  }
0xc1: {  	(tm) =	ssettm $0x7FFFFFFF  }
tec
execute0_lowered:
.L_overlay_start_1:
0x0: {  	(tag) =	ssettag $0x1  }
0x1: {  	s1 =	srdreg.scid;
	s0 =	stileid.u32  }
0x2: {  	s19 =	sand.u32 $0x1, s1;
	s30 =	sshll.u32 s0, $0x1  }
0x3: {  	s17 =	rddreg [dreg:$0x0];
	s15 =	sor.u32 s19, s30  }
0x4: {  	s2 =	simm.s32 $0x0;
	s1 =	rddreg [dreg:$0x1];
	s3 =	sshll.u32 s15, $0x4  }
0x5: {  	[smem:$0x7FF] =	sst s2;
	s12 =	sadd.s32 s3, s17  }
0x6: {  	_ =	strace $0x80000047;
	s3 =	simm.s32 $0x2;
	s4 =	sadd.s32 $0x29EC00, s12  }
0x7: {  	[tilespmem:s2], [sflag:$0x2] =	stream.linear.gather [hbm4b:s4+s2], $0x80, $0x38;
	[tilespmem:$0x7980] =	vst v63  }
0x8: {  	_ =	swait.ge [sflag:s3], $0x80  }
0x9: {  	s6 =	simm.s32 $0x50;
	[sflag:s3] =	ssyncset.done $0x0  }
0xa: {  	s7 =	simm.s32 $0x180;
	s5 =	sadd.s32 $0x1600, s17;
	[sflag:s3] =	ssyncadd.s32 $0xFFFFFF80  }
0xb: {  	[tilespmem:s7], [sflag:$0x1] =	stream.indirect.gather [hbm4b:s5+s6], $0x80, s2, s6, $0xb8;
	[tilespmem:$0x7980] =	vst v63  }
0xc: {  	s9 =	simm.s32 $0x80;
	s8 =	sadd.s32 $0x29EE00, s12  }
0xd: {  	[tilespmem:s9], [sflag:$0x2] =	stream.linear.gather [hbm4b:s8+s2], $0x80, $0x38;
	[tilespmem:$0x7980] =	vst v63  }
0xe: {  	_ =	swait.ge [sflag:s3], $0x80  }
0xf: {  	[sflag:s3] =	ssyncset.done $0x0  }
0x10: {  	s11 =	simm.s32 $0x2980;
	s10 =	sadd.s32 $0x1FF600, s17;
	[sflag:s3] =	ssyncadd.s32 $0xFFFFFF80  }
0x11: {  	[tilespmem:s11], [sflag:$0x1] =	stream.indirect.gather [hbm4b:s10+s6], $0x80, s9, s6, $0xb8;
	[tilespmem:$0x7980] =	vst v63  }
0x12: {  	s13 =	simm.s32 $0x100;
	s12 =	sadd.s32 $0x29F000, s12  }
0x13: {  	[tilespmem:s13], [sflag:$0x2] =	stream.linear.gather [hbm4b:s12+s2], $0x80, $0x38;
	[tilespmem:$0x7980] =	vst v63  }
0x14: {  	_ =	swait.ge [sflag:s3], $0x80  }
0x15: {  	s16 =	simm.s32 $0x1;
	s14 =	sadd.s32 $0x27EE00, s17;
	[sflag:s3] =	ssyncset.done $0x0  }
0x16: {  	s18 =	smul.u32 $0x500, s15;
	s15 =	simm.s32 $0x5180;
	[sflag:s3] =	ssyncadd.s32 $0xFFFFFF80  }
0x17: {  	[tilespmem:s15], [sflag:$0x1] =	stream.indirect.gather [hbm4b:s14+s6], $0x80, s13, s6, $0xb8;
	[tilespmem:$0x7980] =	vst v63  }
0x18: {  	_ =	swait.ge [sflag:s16], $0x2800  }
0x19: {  	s20 =	sadd.s32 s18, s17;
	[sflag:s16] =	ssyncset.done $0x0  }
0x1a: {  	s17 =	sadd.s32 $0x29F200, s20;
	[sflag:s16] =	ssyncadd.s32 $0xFFFFD800  }
0x1b: {  	[hbm4b:s17+s2] =	stream.linear.scatter [tilespmem:s7], [sflag:$0x2], $0x2800, $0x38;
	[tilespmem:$0x7980] =	vst v63  }
0x1c: {  	_ =	swait.ge [sflag:s3], $0x2800  }
0x1d: {  	[sflag:s3] =	ssyncset.done $0x0  }
0x1e: {  	[sflag:s3] =	ssyncadd.s32 $0xFFFFD800  }
0x1f: {  	_ =	swait.ge [sflag:s16], $0x2800  }
0x20: {  	[sflag:s16] =	ssyncset.done $0x0  }
0x21: {  	s19 =	ssub.s32 $0x2, s19;
	s18 =	sadd.s32 $0x2A9200, s20;
	[sflag:s16] =	ssyncadd.s32 $0xFFFFD800  }
0x22: {  	[hbm4b:s18+s2] =	stream.linear.scatter [tilespmem:s11], [sflag:$0x2], $0x2800, $0x38;
	[tilespmem:$0x7980] =	vst v63  }
0x23: {  	s21 =	sshrl.u32 s19, $0x1;
	_ =	swait.ge [sflag:s3], $0x2800  }
0x24: {  	s21 =	ssub.s32 s19, s21;
	[sflag:s3] =	ssyncset.done $0x0  }
0x25: {  	s31 =	smax.u32 s21, $0x1;
	[sflag:s3] =	ssyncadd.s32 $0xFFFFD800  }
0x26: {  	p0 =	sne.s32 s31, $0x1;
	_ =	swait.ge [sflag:s16], $0x2800  }
.Ltmp0:
0x27: {  	[sflag:s16] =	ssyncset.done $0x0;
	(pc) =	sbr.rel @!p0 .LBB2_2-.Ltmp0, $4  }
0x28: {  	s19 =	sadd.s32 $0x2B3200, s20;
	[sflag:s16] =	ssyncadd.s32 $0xFFFFD800  }
0x29: {  	[hbm4b:s19+s2] =	stream.linear.scatter [tilespmem:s15], [sflag:$0x2], $0x2800, $0x38;
	[tilespmem:$0x7980] =	vst v63  }
0x2a: {  	_ =	swait.ge [sflag:s3], $0x2800  }
0x2b: {  	s20 =	sadd.s32 $0xFFFFFFFF, s31;
	[sflag:s3] =	ssyncset.done $0x0  }
.LBB2_1:
0x2c: {  	p0 =	sne.s32 s20, $0x1;
	s20 =	sadd.s32 $0xFFFFFFFF, s20;
	[sflag:s3] =	ssyncadd.s32 $0xFFFFD800  }
0x2d: {  	[tilespmem:s2], [sflag:$0x2] =	stream.linear.gather [hbm4b:s4+s2], $0x80, $0x38;
	[tilespmem:$0x7980] =	vst v63  }
0x2e: {  	_ =	swait.ge [sflag:s3], $0x80  }
0x2f: {  	[sflag:s3] =	ssyncset.done $0x0  }
0x30: {  	[sflag:s3] =	ssyncadd.s32 $0xFFFFFF80  }
0x31: {  	[tilespmem:s7], [sflag:$0x1] =	stream.indirect.gather [hbm4b:s5+s6], $0x80, s2, s6, $0xb8;
	[tilespmem:$0x7980] =	vst v63  }
0x32: {  	_ = 	snop  }
0x33: {  	[tilespmem:s9], [sflag:$0x2] =	stream.linear.gather [hbm4b:s8+s2], $0x80, $0x38;
	[tilespmem:$0x7980] =	vst v63  }
0x34: {  	_ =	swait.ge [sflag:s3], $0x80  }
0x35: {  	[sflag:s3] =	ssyncset.done $0x0  }
0x36: {  	[sflag:s3] =	ssyncadd.s32 $0xFFFFFF80  }
0x37: {  	[tilespmem:s11], [sflag:$0x1] =	stream.indirect.gather [hbm4b:s10+s6], $0x80, s9, s6, $0xb8;
	[tilespmem:$0x7980] =	vst v63  }
0x38: {  	_ = 	snop  }
0x39: {  	[tilespmem:s13], [sflag:$0x2] =	stream.linear.gather [hbm4b:s12+s2], $0x80, $0x38;
	[tilespmem:$0x7980] =	vst v63  }
0x3a: {  	_ =	swait.ge [sflag:s3], $0x80  }
0x3b: {  	[sflag:s3] =	ssyncset.done $0x0  }
0x3c: {  	[sflag:s3] =	ssyncadd.s32 $0xFFFFFF80  }
0x3d: {  	[tilespmem:s15], [sflag:$0x1] =	stream.indirect.gather [hbm4b:s14+s6], $0x80, s13, s6, $0xb8;
	[tilespmem:$0x7980] =	vst v63  }
0x3e: {  	_ =	swait.ge [sflag:s16], $0x2800  }
0x3f: {  	[sflag:s16] =	ssyncset.done $0x0  }
0x40: {  	[sflag:s16] =	ssyncadd.s32 $0xFFFFD800  }
0x41: {  	[hbm4b:s17+s2] =	stream.linear.scatter [tilespmem:s7], [sflag:$0x2], $0x2800, $0x38;
	[tilespmem:$0x7980] =	vst v63  }
0x42: {  	_ =	swait.ge [sflag:s3], $0x2800  }
0x43: {  	[sflag:s3] =	ssyncset.done $0x0  }
0x44: {  	[sflag:s3] =	ssyncadd.s32 $0xFFFFD800  }
0x45: {  	_ =	swait.ge [sflag:s16], $0x2800  }
0x46: {  	[sflag:s16] =	ssyncset.done $0x0  }
0x47: {  	[sflag:s16] =	ssyncadd.s32 $0xFFFFD800  }
0x48: {  	[hbm4b:s18+s2] =	stream.linear.scatter [tilespmem:s11], [sflag:$0x2], $0x2800, $0x38;
	[tilespmem:$0x7980] =	vst v63  }
0x49: {  	_ =	swait.ge [sflag:s3], $0x2800  }
0x4a: {  	[sflag:s3] =	ssyncset.done $0x0  }
0x4b: {  	[sflag:s3] =	ssyncadd.s32 $0xFFFFD800  }
0x4c: {  	_ =	swait.ge [sflag:s16], $0x2800  }
.Ltmp1:
0x4d: {  	[sflag:s16] =	ssyncset.done $0x0;
	(pc) =	sbr.rel @p0 .LBB2_1-.Ltmp1, $4  }
0x4e: {  	[sflag:s16] =	ssyncadd.s32 $0xFFFFD800  }
0x4f: {  	[hbm4b:s19+s2] =	stream.linear.scatter [tilespmem:s15], [sflag:$0x2], $0x2800, $0x38;
	[tilespmem:$0x7980] =	vst v63  }
0x50: {  	_ =	swait.ge [sflag:s3], $0x2800  }
0x51: {  	[sflag:s3] =	ssyncset.done $0x0  }
.LBB2_2:
0x52: {  	[sflag:s3] =	ssyncadd.s32 $0xFFFFD800  }
0x53: {  	_ =	sfence.sel $0x180000  }
0x54: {  	[bflag:$0x0] =	sbarrier.arrive $0xFFFF  }
0x55: {  	p0 =	sne.s32 s0, $0x0;
	_ =	strace $0x90000047  }
0x56: {  	s0 =	sadd.s32 @!p0 $0x100000, s1;
	[bflag:$0x2] =	sbarrier.arrive $0xFFFF  }
0x57: {  	[sflag:s0] =	ssyncadd.tile.s32 @!p0 $0x1;
	_ =	shalt  }
.Lfunc_end2:
_tile_overlayer_lowered:
.L_overlay_start_2:
0x58: {  	(tag) =	ssettag $0x2  }
0x59: {  	s0 =	rddreg [dreg:$0x0];
	s2 =	stileid.u32  }
0x5a: {  	s1 =	rddreg [dreg:$0x1];
	p0 =	sne.s32 s2, $0x0  }
0x5b: {  	s3 =	rddreg [dreg:$0x2];
	[bflag:$0x3] =	sbarrier.arrive $0xFFFF;
	s2 =	simm.s32 @!p0 $0x1C02  }
0x5c: {  	[timem:s3], [sflag:s2] =	dma.local @!p0 [hbm:s0], s1  }
0x5d: {  	s0 =	simm.s32 @!p0 $0x2  }
0x5e: {  	_ =	swait.ge @!p0 [sflag:s0], s1  }
0x5f: {  	s1 =	ssub.s32 @!p0 $0x0, s1;
	[sflag:s0] =	ssyncset.done @!p0 $0x0  }
0x60: {  	[sflag:s0] =	ssyncadd.s32 @!p0 s1  }
0x61: {  	[bflag:$0x3] =	sbarrier.arrive $0xFFFF  }
0x62: {  	_ =	shalt  }

</sc_bundles>
